<compile_context>
chip_gen: v7x
topology: tpu7x:2x2x1
jax: 0.10.2.dev20260603
libtpu: 0.0.44.dev20260713+nightly
codegen_flags: <defaults>
</compile_context>

<pallas_src>
import functools

import jax
import jax.numpy as jnp
from jax import lax
from jax.experimental import pallas as pl
from jax.experimental.pallas import tpu as pltpu
from jax.experimental.pallas import tpu_sc as plsc

NC = 2
NS = 16
NW = NC * NS
B = 16384
D = 32
BPW = B // NW
NPAIR = BPW // 16

_mesh = plsc.VectorSubcoreMesh(core_axis_name="c", subcore_axis_name="s")


@functools.partial(
    pl.kernel,
    mesh=_mesh,
    out_type=jax.ShapeDtypeStruct((B,), jnp.float32),
    scratch_types=[
        pltpu.VMEM((BPW,), jnp.int32),
        pltpu.VMEM((BPW,), jnp.int32),
        pltpu.VMEM((8, D, 128), jnp.float32),
        pltpu.VMEM((8, D, 128), jnp.float32),
        pltpu.VMEM((48,), jnp.float32),
        pltpu.VMEM((BPW,), jnp.float32),
        pltpu.SemaphoreType.DMA,
        pltpu.SemaphoreType.DMA,
    ],
    compiler_params=pltpu.CompilerParams(
        needs_layout_passes=False, use_tc_tiling_on_sc=True),
)
def _gmf_sc(user_hbm, item_hbm, ut_hbm, it_hbm, wb_hbm, out_hbm,
            idx_uv, idx_iv, blk_u, blk_i, wb_v, out_v, sem_u, sem_i):
    wid = lax.axis_index("s") * NC + lax.axis_index("c")
    base = wid * BPW

    pltpu.sync_copy(wb_hbm, wb_v)
    pltpu.sync_copy(user_hbm.at[pl.ds(base, BPW)], idx_uv)
    pltpu.sync_copy(item_hbm.at[pl.ds(base, BPW)], idx_iv)

    lane = jnp.arange(16, dtype=jnp.int32)
    half = lane < 8
    jv = lane & 7
    bv = wb_v[pl.ds(32, 16)]
    w_lo = wb_v[pl.ds(0, 16)]
    w_hi = wb_v[pl.ds(16, 16)]

    def pair_body(p, _):
        e0 = p * 16
        ru16 = idx_uv[pl.ds(e0, 16)]
        ri16 = idx_iv[pl.ds(e0, 16)]
        cbu = (ru16 >> 7) << 7
        cbi = (ri16 >> 7) << 7
        col_u = ru16 & 127
        col_i = ri16 & 127
        accs = [None, None]
        for h in range(2):
            copies = []
            for j in range(8):
                cu = pl.multiple_of(cbu[h * 8 + j], 128)
                copies.append(pltpu.async_copy(
                    ut_hbm.at[:, pl.ds(cu, 128)], blk_u.at[j], sem_u))
                ci = pl.multiple_of(cbi[h * 8 + j], 128)
                copies.append(pltpu.async_copy(
                    it_hbm.at[:, pl.ds(ci, 128)], blk_i.at[j], sem_i))
            for cp in copies:
                cp.wait()
            pacc = [jnp.zeros((16,), jnp.float32) for _ in range(4)]
            for d in range(D):
                dv = jnp.full((16,), d, jnp.int32)
                u = plsc.load_gather(blk_u, [jv, dv, col_u])
                iv = plsc.load_gather(blk_i, [jv, dv, col_i])
                w_d = (w_lo if d < 16 else w_hi)[d % 16]
                pacc[d % 4] = pacc[d % 4] + (u * iv) * w_d
            accs[h] = (pacc[0] + pacc[1]) + (pacc[2] + pacc[3])
        s = jnp.where(half, accs[0], accs[1]) + bv
        out_v[pl.ds(e0, 16)] = 1.0 / (1.0 + jnp.exp(-s))
        return 0

    lax.fori_loop(0, NPAIR, pair_body, 0)

    pltpu.sync_copy(out_v, out_hbm.at[pl.ds(base, BPW)])


def kernel(user, item, user_table, item_table, W, b):
    wb = jnp.concatenate(
        [W.reshape(-1), jnp.broadcast_to(b.reshape(-1), (16,))]).astype(jnp.float32)
    return _gmf_sc(user.astype(jnp.int32), item.astype(jnp.int32),
                   user_table.T, item_table.T, wb)

# --- scband reference (transcript-rebuilt; emitter-appended) ---
"""Pipeline reference for scband-gmf-44178033607239 (READ-ONLY COPY).

The authoritative reference and input builder live on the scoring server;
editing this copy changes nothing except your own understanding.
"""

import jax, jax.numpy as jnp
import numpy as np

NUM_USERS = 1000000
NUM_ITEMS = 1000000
LATENT_DIM = 32
BATCH = 16384

def setup_inputs(seed: int = 0) -> dict:
    key = jax.random.key(seed)
    k1, k2, k3, k4, k5, k6 = jax.random.split(key, 6)
    user = jax.random.randint(k1, (BATCH,), 0, NUM_USERS, dtype=jnp.int64 if jax.config.jax_enable_x64 else jnp.int32)
    item = jax.random.randint(k2, (BATCH,), 0, NUM_ITEMS, dtype=jnp.int64 if jax.config.jax_enable_x64 else jnp.int32)
    user_table = jax.random.normal(k3, (NUM_USERS, LATENT_DIM), dtype=jnp.float32)
    item_table = jax.random.normal(k4, (NUM_ITEMS, LATENT_DIM), dtype=jnp.float32)
    W = jax.random.normal(k5, (LATENT_DIM, 1), dtype=jnp.float32) * (1.0 / np.sqrt(LATENT_DIM))
    b = jax.random.normal(k6, (1,), dtype=jnp.float32) * 0.01
    return {"user": user, "item": item, "user_table": user_table, "item_table": item_table, "W": W, "b": b}

def reference(user, item, user_table, item_table, W, b):
    u = jnp.take(user_table, user, axis=0)
    i = jnp.take(item_table, item, axis=0)
    out = u * i
    logits = out @ W + b
    return jax.nn.sigmoid(logits).squeeze(-1)

if __name__ == "__main__":
    import jax
    _d = setup_inputs()
    print(jax.jit(kernel)(*tuple(_d.values())))

</pallas_src>

<mosaic_0001>
#map = affine_map<(d0, d1) -> (0)>
#map1 = affine_map<(d0, d1) -> (0, 0)>
module attributes {stable_mosaic.version = 14 : i64} {
  func.func @_gmf_sc(%arg0: i32, %arg1: i32, %arg2: memref<16384xi32, #tpu.memory_space<hbm>>, %arg3: memref<16384xi32, #tpu.memory_space<hbm>>, %arg4: memref<32x1000000xf32, #tpu.memory_space<hbm>>, %arg5: memref<32x1000000xf32, #tpu.memory_space<hbm>>, %arg6: memref<48xf32, #tpu.memory_space<hbm>>, %arg7: memref<16384xf32, #tpu.memory_space<hbm>>, %arg8: memref<512xi32, #tpu.memory_space<vmem>>, %arg9: memref<512xi32, #tpu.memory_space<vmem>>, %arg10: memref<8x32x128xf32, #tpu.memory_space<vmem>>, %arg11: memref<8x32x128xf32, #tpu.memory_space<vmem>>, %arg12: memref<48xf32, #tpu.memory_space<vmem>>, %arg13: memref<512xf32, #tpu.memory_space<vmem>>, %arg14: memref<!tpu.dma_semaphore, #tpu.memory_space<semaphore_mem>>, %arg15: memref<!tpu.dma_semaphore, #tpu.memory_space<semaphore_mem>>) attributes {dimension_semantics = [#tpu.dimension_semantics<core_parallel>, #tpu.dimension_semantics<subcore_parallel>], iteration_bounds = array<i64: 2, 16>, scalar_prefetch = 0 : i64, scratch_operands = 8 : i64, tpu.core_type = #tpu.core_type<sc_vector_subcore>, window_params = [{transform_indices = #map}, {transform_indices = #map}, {transform_indices = #map1}, {transform_indices = #map1}, {transform_indices = #map}, {transform_indices = #map}]} {
    %mul3A = arith.constant 2 : i32
    %mul3A_0 = arith.muli %arg1, %mul3A : i32
    %add3A = arith.addi %mul3A_0, %arg0 : i32
    %mul3A_1 = arith.constant 512 : i32
    %mul3A_2 = arith.muli %add3A, %mul3A_1 : i32
    "tpu.region"() ({
      %run_scoped3A = tpu.sem_alloc : memref<!tpu.dma_semaphore, #tpu.memory_space<semaphore_mem>>
      tpu.enqueue_dma source(%arg6 : memref<48xf32, #tpu.memory_space<hbm>>) target(%arg12 : memref<48xf32, #tpu.memory_space<vmem>>) target_semaphore(%run_scoped3A : memref<!tpu.dma_semaphore, #tpu.memory_space<semaphore_mem>>)
      tpu.wait_dma2 semaphore(%run_scoped3A : memref<!tpu.dma_semaphore, #tpu.memory_space<semaphore_mem>>) src(%arg6 : memref<48xf32, #tpu.memory_space<hbm>>) dst(%arg12 : memref<48xf32, #tpu.memory_space<vmem>>)
      tpu.yield
    }) : () -> ()
    "tpu.region"() ({
      %run_scoped3A = tpu.sem_alloc : memref<!tpu.dma_semaphore, #tpu.memory_space<semaphore_mem>>
      %dma_start3A = tpu.memref_slice %arg2[%mul3A_2] : memref<16384xi32, #tpu.memory_space<hbm>> -> memref<512xi32, #tpu.memory_space<hbm>>
      %dma_start3A_18 = tpu.memref_slice %arg2[%mul3A_2] : memref<16384xi32, #tpu.memory_space<hbm>> -> memref<512xi32, #tpu.memory_space<hbm>>
      tpu.enqueue_dma source(%dma_start3A_18 : memref<512xi32, #tpu.memory_space<hbm>>) target(%arg8 : memref<512xi32, #tpu.memory_space<vmem>>) target_semaphore(%run_scoped3A : memref<!tpu.dma_semaphore, #tpu.memory_space<semaphore_mem>>)
      %dma_wait3A = tpu.memref_slice %arg2[%mul3A_2] : memref<16384xi32, #tpu.memory_space<hbm>> -> memref<512xi32, #tpu.memory_space<hbm>>
      %dma_wait3A_19 = tpu.memref_slice %arg2[%mul3A_2] : memref<16384xi32, #tpu.memory_space<hbm>> -> memref<512xi32, #tpu.memory_space<hbm>>
      tpu.wait_dma2 semaphore(%run_scoped3A : memref<!tpu.dma_semaphore, #tpu.memory_space<semaphore_mem>>) src(%dma_wait3A_19 : memref<512xi32, #tpu.memory_space<hbm>>) dst(%arg8 : memref<512xi32, #tpu.memory_space<vmem>>)
      tpu.yield
    }) : () -> ()
    "tpu.region"() ({
      %run_scoped3A = tpu.sem_alloc : memref<!tpu.dma_semaphore, #tpu.memory_space<semaphore_mem>>
      %dma_start3A = tpu.memref_slice %arg3[%mul3A_2] : memref<16384xi32, #tpu.memory_space<hbm>> -> memref<512xi32, #tpu.memory_space<hbm>>
      %dma_start3A_18 = tpu.memref_slice %arg3[%mul3A_2] : memref<16384xi32, #tpu.memory_space<hbm>> -> memref<512xi32, #tpu.memory_space<hbm>>
      tpu.enqueue_dma source(%dma_start3A_18 : memref<512xi32, #tpu.memory_space<hbm>>) target(%arg9 : memref<512xi32, #tpu.memory_space<vmem>>) target_semaphore(%run_scoped3A : memref<!tpu.dma_semaphore, #tpu.memory_space<semaphore_mem>>)
      %dma_wait3A = tpu.memref_slice %arg3[%mul3A_2] : memref<16384xi32, #tpu.memory_space<hbm>> -> memref<512xi32, #tpu.memory_space<hbm>>
      %dma_wait3A_19 = tpu.memref_slice %arg3[%mul3A_2] : memref<16384xi32, #tpu.memory_space<hbm>> -> memref<512xi32, #tpu.memory_space<hbm>>
      tpu.wait_dma2 semaphore(%run_scoped3A : memref<!tpu.dma_semaphore, #tpu.memory_space<semaphore_mem>>) src(%dma_wait3A_19 : memref<512xi32, #tpu.memory_space<hbm>>) dst(%arg9 : memref<512xi32, #tpu.memory_space<vmem>>)
      tpu.yield
    }) : () -> ()
    %iota3A = tpu.iota {dimensions = array<i32: 0>} : vector<16xi32>
    %lt3A = arith.constant 8 : i32
    %lt3A_3 = vector.broadcast %lt3A : i32 to vector<16xi32>
    %lt3A_4 = arith.cmpi slt, %iota3A, %lt3A_3 : vector<16xi32>
    %and3A = arith.constant 7 : i32
    %and3A_5 = vector.broadcast %and3A : i32 to vector<16xi32>
    %and3A_6 = arith.andi %iota3A, %and3A_5 : vector<16xi32>
    %get3A = arith.constant 32 : index
    %get3A_7 = tpu.vector_load %arg12[%get3A] {strides = array<i32>} : memref<48xf32, #tpu.memory_space<vmem>>, vector<16xf32>,
    %get3A_8 = arith.constant 0 : index
    %get3A_9 = tpu.vector_load %arg12[%get3A_8] {strides = array<i32>} : memref<48xf32, #tpu.memory_space<vmem>>, vector<16xf32>,
    %get3A_10 = arith.constant 16 : index
    %get3A_11 = tpu.vector_load %arg12[%get3A_10] {strides = array<i32>} : memref<48xf32, #tpu.memory_space<vmem>>, vector<16xf32>,
    %scan3A = arith.constant 0 : i32
    %scan3A_12 = arith.constant 0 : i32
    %scan3A_13 = arith.constant 32 : i32
    %scan3A_14 = arith.addi %scan3A_12, %scan3A_13 : i32
    %scan3A_15 = arith.constant 1 : i32
    %scan3A_16 = scf.for %scan3A_18 = %scan3A_12 to %scan3A_14 step %scan3A_15 iter_args(%scan3A_19 = %scan3A) -> (i32)  : i32 {
      %mul3A_20 = arith.constant 16 : i32
      %mul3A_21 = arith.muli %scan3A_18, %mul3A_20 : i32
      %get3A_22 = arith.index_cast %mul3A_21 : i32 to index
      %get3A_23 = tpu.vector_load %arg8[%get3A_22] {strides = array<i32>} : memref<512xi32, #tpu.memory_space<vmem>>, vector<16xi32>,
      %get3A_24 = arith.index_cast %mul3A_21 : i32 to index
      %get3A_25 = tpu.vector_load %arg9[%get3A_24] {strides = array<i32>} : memref<512xi32, #tpu.memory_space<vmem>>, vector<16xi32>,
      %shift_right_arithmetic3A = arith.constant 7 : i32
      %shift_right_arithmetic3A_26 = vector.broadcast %shift_right_arithmetic3A : i32 to vector<16xi32>
      %shift_right_arithmetic3A_27 = arith.shrsi %get3A_23, %shift_right_arithmetic3A_26 : vector<16xi32>
      %shift_left3A = arith.constant 7 : i32
      %shift_left3A_28 = vector.broadcast %shift_left3A : i32 to vector<16xi32>
      %shift_left3A_29 = arith.shli %shift_right_arithmetic3A_27, %shift_left3A_28 : vector<16xi32>
      %shift_right_arithmetic3A_30 = arith.constant 7 : i32
      %shift_right_arithmetic3A_31 = vector.broadcast %shift_right_arithmetic3A_30 : i32 to vector<16xi32>
      %shift_right_arithmetic3A_32 = arith.shrsi %get3A_25, %shift_right_arithmetic3A_31 : vector<16xi32>
      %shift_left3A_33 = arith.constant 7 : i32
      %shift_left3A_34 = vector.broadcast %shift_left3A_33 : i32 to vector<16xi32>
      %shift_left3A_35 = arith.shli %shift_right_arithmetic3A_32, %shift_left3A_34 : vector<16xi32>
      %and3A_36 = arith.constant 127 : i32
      %and3A_37 = vector.broadcast %and3A_36 : i32 to vector<16xi32>
      %and3A_38 = arith.andi %get3A_23, %and3A_37 : vector<16xi32>
      %and3A_39 = arith.constant 127 : i32
      %and3A_40 = vector.broadcast %and3A_39 : i32 to vector<16xi32>
      %and3A_41 = arith.andi %get3A_25, %and3A_40 : vector<16xi32>
      %slice3A = vector.extract_strided_slice %shift_left3A_29 {offsets = [0], sizes = [1], strides = [1]} : vector<16xi32> to vector<1xi32>
      %squeeze3A = vector.extract %slice3A[0] : i32 from vector<1xi32>
      %multiple_of3A = tpu.assume_multiple %squeeze3A, 128 : i32
      %dma_start3A = arith.constant 0 : i32
      %dma_start3A_42 = arith.constant 0 : i32
      %dma_start3A_43 = arith.constant 0 : i32
      %dma_start3A_44 = tpu.memref_slice %arg10[%dma_start3A, %dma_start3A_42, %dma_start3A_43] : memref<8x32x128xf32, #tpu.memory_space<vmem>> -> memref<1x32x128xf32, #tpu.memory_space<vmem>>
      %dma_start3A_45 = tpu.memref_squeeze %dma_start3A_44 : memref<1x32x128xf32, #tpu.memory_space<vmem>> -> memref<32x128xf32, #tpu.memory_space<vmem>>
      %dma_start3A_46 = arith.constant 0 : i32
      %dma_start3A_47 = tpu.memref_slice %arg4[%dma_start3A_46, %multiple_of3A] : memref<32x1000000xf32, #tpu.memory_space<hbm>> -> memref<32x128xf32, #tpu.memory_space<hbm>>
      %dma_start3A_48 = arith.constant 0 : i32
      %dma_start3A_49 = arith.constant 0 : i32
      %dma_start3A_50 = tpu.memref_slice %arg10[%dma_start3A, %dma_start3A_48, %dma_start3A_49] : memref<8x32x128xf32, #tpu.memory_space<vmem>> -> memref<1x32x128xf32, #tpu.memory_space<vmem>>
      %dma_start3A_51 = tpu.memref_squeeze %dma_start3A_50 : memref<1x32x128xf32, #tpu.memory_space<vmem>> -> memref<32x128xf32, #tpu.memory_space<vmem>>
      %dma_start3A_52 = arith.constant 0 : i32
      %dma_start3A_53 = tpu.memref_slice %arg4[%dma_start3A_52, %multiple_of3A] : memref<32x1000000xf32, #tpu.memory_space<hbm>> -> memref<32x128xf32, #tpu.memory_space<hbm>>
      tpu.enqueue_dma source(%dma_start3A_53 : memref<32x128xf32, #tpu.memory_space<hbm>>) target(%dma_start3A_51 : memref<32x128xf32, #tpu.memory_space<vmem>>) target_semaphore(%arg14 : memref<!tpu.dma_semaphore, #tpu.memory_space<semaphore_mem>>)
      %slice3A_54 = vector.extract_strided_slice %shift_left3A_35 {offsets = [0], sizes = [1], strides = [1]} : vector<16xi32> to vector<1xi32>
      %squeeze3A_55 = vector.extract %slice3A_54[0] : i32 from vector<1xi32>
      %multiple_of3A_56 = tpu.assume_multiple %squeeze3A_55, 128 : i32
      %dma_start3A_57 = arith.constant 0 : i32
      %dma_start3A_58 = arith.constant 0 : i32
      %dma_start3A_59 = arith.constant 0 : i32
      %dma_start3A_60 = tpu.memref_slice %arg11[%dma_start3A_57, %dma_start3A_58, %dma_start3A_59] : memref<8x32x128xf32, #tpu.memory_space<vmem>> -> memref<1x32x128xf32, #tpu.memory_space<vmem>>
      %dma_start3A_61 = tpu.memref_squeeze %dma_start3A_60 : memref<1x32x128xf32, #tpu.memory_space<vmem>> -> memref<32x128xf32, #tpu.memory_space<vmem>>
      %dma_start3A_62 = arith.constant 0 : i32
      %dma_start3A_63 = tpu.memref_slice %arg5[%dma_start3A_62, %multiple_of3A_56] : memref<32x1000000xf32, #tpu.memory_space<hbm>> -> memref<32x128xf32, #tpu.memory_space<hbm>>
      %dma_start3A_64 = arith.constant 0 : i32
      %dma_start3A_65 = arith.constant 0 : i32
      %dma_start3A_66 = tpu.memref_slice %arg11[%dma_start3A_57, %dma_start3A_64, %dma_start3A_65] : memref<8x32x128xf32, #tpu.memory_space<vmem>> -> memref<1x32x128xf32, #tpu.memory_space<vmem>>
      %dma_start3A_67 = tpu.memref_squeeze %dma_start3A_66 : memref<1x32x128xf32, #tpu.memory_space<vmem>> -> memref<32x128xf32, #tpu.memory_space<vmem>>
      %dma_start3A_68 = arith.constant 0 : i32
      %dma_start3A_69 = tpu.memref_slice %arg5[%dma_start3A_68, %multiple_of3A_56] : memref<32x1000000xf32, #tpu.memory_space<hbm>> -> memref<32x128xf32, #tpu.memory_space<hbm>>
      tpu.enqueue_dma source(%dma_start3A_69 : memref<32x128xf32, #tpu.memory_space<hbm>>) target(%dma_start3A_67 : memref<32x128xf32, #tpu.memory_space<vmem>>) target_semaphore(%arg15 : memref<!tpu.dma_semaphore, #tpu.memory_space<semaphore_mem>>)
      %slice3A_70 = vector.extract_strided_slice %shift_left3A_29 {offsets = [1], sizes = [1], strides = [1]} : vector<16xi32> to vector<1xi32>
      %squeeze3A_71 = vector.extract %slice3A_70[0] : i32 from vector<1xi32>
      %multiple_of3A_72 = tpu.assume_multiple %squeeze3A_71, 128 : i32
      %dma_start3A_73 = arith.constant 1 : i32
      %dma_start3A_74 = arith.constant 0 : i32
      %dma_start3A_75 = arith.constant 0 : i32
      %dma_start3A_76 = tpu.memref_slice %arg10[%dma_start3A_73, %dma_start3A_74, %dma_start3A_75] : memref<8x32x128xf32, #tpu.memory_space<vmem>> -> memref<1x32x128xf32, #tpu.memory_space<vmem>>
      %dma_start3A_77 = tpu.memref_squeeze %dma_start3A_76 : memref<1x32x128xf32, #tpu.memory_space<vmem>> -> memref<32x128xf32, #tpu.memory_space<vmem>>
      %dma_start3A_78 = arith.constant 0 : i32
      %dma_start3A_79 = tpu.memref_slice %arg4[%dma_start3A_78, %multiple_of3A_72] : memref<32x1000000xf32, #tpu.memory_space<hbm>> -> memref<32x128xf32, #tpu.memory_space<hbm>>
      %dma_start3A_80 = arith.constant 0 : i32
      %dma_start3A_81 = arith.constant 0 : i32
      %dma_start3A_82 = tpu.memref_slice %arg10[%dma_start3A_73, %dma_start3A_80, %dma_start3A_81] : memref<8x32x128xf32, #tpu.memory_space<vmem>> -> memref<1x32x128xf32, #tpu.memory_space<vmem>>
      %dma_start3A_83 = tpu.memref_squeeze %dma_start3A_82 : memref<1x32x128xf32, #tpu.memory_space<vmem>> -> memref<32x128xf32, #tpu.memory_space<vmem>>
      %dma_start3A_84 = arith.constant 0 : i32
      %dma_start3A_85 = tpu.memref_slice %arg4[%dma_start3A_84, %multiple_of3A_72] : memref<32x1000000xf32, #tpu.memory_space<hbm>> -> memref<32x128xf32, #tpu.memory_space<hbm>>
      tpu.enqueue_dma source(%dma_start3A_85 : memref<32x128xf32, #tpu.memory_space<hbm>>) target(%dma_start3A_83 : memref<32x128xf32, #tpu.memory_space<vmem>>) target_semaphore(%arg14 : memref<!tpu.dma_semaphore, #tpu.memory_space<semaphore_mem>>)
      %slice3A_86 = vector.extract_strided_slice %shift_left3A_35 {offsets = [1], sizes = [1], strides = [1]} : vector<16xi32> to vector<1xi32>
      %squeeze3A_87 = vector.extract %slice3A_86[0] : i32 from vector<1xi32>
      %multiple_of3A_88 = tpu.assume_multiple %squeeze3A_87, 128 : i32
      %dma_start3A_89 = arith.constant 1 : i32
      %dma_start3A_90 = arith.constant 0 : i32
      %dma_start3A_91 = arith.constant 0 : i32
      %dma_start3A_92 = tpu.memref_slice %arg11[%dma_start3A_89, %dma_start3A_90, %dma_start3A_91] : memref<8x32x128xf32, #tpu.memory_space<vmem>> -> memref<1x32x128xf32, #tpu.memory_space<vmem>>
      %dma_start3A_93 = tpu.memref_squeeze %dma_start3A_92 : memref<1x32x128xf32, #tpu.memory_space<vmem>> -> memref<32x128xf32, #tpu.memory_space<vmem>>
      %dma_start3A_94 = arith.constant 0 : i32
      %dma_start3A_95 = tpu.memref_slice %arg5[%dma_start3A_94, %multiple_of3A_88] : memref<32x1000000xf32, #tpu.memory_space<hbm>> -> memref<32x128xf32, #tpu.memory_space<hbm>>
      %dma_start3A_96 = arith.constant 0 : i32
      %dma_start3A_97 = arith.constant 0 : i32
      %dma_start3A_98 = tpu.memref_slice %arg11[%dma_start3A_89, %dma_start3A_96, %dma_start3A_97] : memref<8x32x128xf32, #tpu.memory_space<vmem>> -> memref<1x32x128xf32, #tpu.memory_space<vmem>>
      %dma_start3A_99 = tpu.memref_squeeze %dma_start3A_98 : memref<1x32x128xf32, #tpu.memory_space<vmem>> -> memref<32x128xf32, #tpu.memory_space<vmem>>
      %dma_start3A_100 = arith.constant 0 : i32
      %dma_start3A_101 = tpu.memref_slice %arg5[%dma_start3A_100, %multiple_of3A_88] : memref<32x1000000xf32, #tpu.memory_space<hbm>> -> memref<32x128xf32, #tpu.memory_space<hbm>>
      tpu.enqueue_dma source(%dma_start3A_101 : memref<32x128xf32, #tpu.memory_space<hbm>>) target(%dma_start3A_99 : memref<32x128xf32, #tpu.memory_space<vmem>>) target_semaphore(%arg15 : memref<!tpu.dma_semaphore, #tpu.memory_space<semaphore_mem>>)
      %slice3A_102 = vector.extract_strided_slice %shift_left3A_29 {offsets = [2], sizes = [1], strides = [1]} : vector<16xi32> to vector<1xi32>
      %squeeze3A_103 = vector.extract %slice3A_102[0] : i32 from vector<1xi32>
      %multiple_of3A_104 = tpu.assume_multiple %squeeze3A_103, 128 : i32
      %dma_start3A_105 = arith.constant 2 : i32
      %dma_start3A_106 = arith.constant 0 : i32
      %dma_start3A_107 = arith.constant 0 : i32
      %dma_start3A_108 = tpu.memref_slice %arg10[%dma_start3A_105, %dma_start3A_106, %dma_start3A_107] : memref<8x32x128xf32, #tpu.memory_space<vmem>> -> memref<1x32x128xf32, #tpu.memory_space<vmem>>
      %dma_start3A_109 = tpu.memref_squeeze %dma_start3A_108 : memref<1x32x128xf32, #tpu.memory_space<vmem>> -> memref<32x128xf32, #tpu.memory_space<vmem>>
      %dma_start3A_110 = arith.constant 0 : i32
      %dma_start3A_111 = tpu.memref_slice %arg4[%dma_start3A_110, %multiple_of3A_104] : memref<32x1000000xf32, #tpu.memory_space<hbm>> -> memref<32x128xf32, #tpu.memory_space<hbm>>
      %dma_start3A_112 = arith.constant 0 : i32
      %dma_start3A_113 = arith.constant 0 : i32
      %dma_start3A_114 = tpu.memref_slice %arg10[%dma_start3A_105, %dma_start3A_112, %dma_start3A_113] : memref<8x32x128xf32, #tpu.memory_space<vmem>> -> memref<1x32x128xf32, #tpu.memory_space<vmem>>
      %dma_start3A_115 = tpu.memref_squeeze %dma_start3A_114 : memref<1x32x128xf32, #tpu.memory_space<vmem>> -> memref<32x128xf32, #tpu.memory_space<vmem>>
      %dma_start3A_116 = arith.constant 0 : i32
      %dma_start3A_117 = tpu.memref_slice %arg4[%dma_start3A_116, %multiple_of3A_104] : memref<32x1000000xf32, #tpu.memory_space<hbm>> -> memref<32x128xf32, #tpu.memory_space<hbm>>
      tpu.enqueue_dma source(%dma_start3A_117 : memref<32x128xf32, #tpu.memory_space<hbm>>) target(%dma_start3A_115 : memref<32x128xf32, #tpu.memory_space<vmem>>) target_semaphore(%arg14 : memref<!tpu.dma_semaphore, #tpu.memory_space<semaphore_mem>>)
      %slice3A_118 = vector.extract_strided_slice %shift_left3A_35 {offsets = [2], sizes = [1], strides = [1]} : vector<16xi32> to vector<1xi32>
      %squeeze3A_119 = vector.extract %slice3A_118[0] : i32 from vector<1xi32>
      %multiple_of3A_120 = tpu.assume_multiple %squeeze3A_119, 128 : i32
      %dma_start3A_121 = arith.constant 2 : i32
      %dma_start3A_122 = arith.constant 0 : i32
      %dma_start3A_123 = arith.constant 0 : i32
      %dma_start3A_124 = tpu.memref_slice %arg11[%dma_start3A_121, %dma_start3A_122, %dma_start3A_123] : memref<8x32x128xf32, #tpu.memory_space<vmem>> -> memref<1x32x128xf32, #tpu.memory_space<vmem>>
      %dma_start3A_125 = tpu.memref_squeeze %dma_start3A_124 : memref<1x32x128xf32, #tpu.memory_space<vmem>> -> memref<32x128xf32, #tpu.memory_space<vmem>>
      %dma_start3A_126 = arith.constant 0 : i32
      %dma_start3A_127 = tpu.memref_slice %arg5[%dma_start3A_126, %multiple_of3A_120] : memref<32x1000000xf32, #tpu.memory_space<hbm>> -> memref<32x128xf32, #tpu.memory_space<hbm>>
      %dma_start3A_128 = arith.constant 0 : i32
      %dma_start3A_129 = arith.constant 0 : i32
      %dma_start3A_130 = tpu.memref_slice %arg11[%dma_start3A_121, %dma_start3A_128, %dma_start3A_129] : memref<8x32x128xf32, #tpu.memory_space<vmem>> -> memref<1x32x128xf32, #tpu.memory_space<vmem>>
      %dma_start3A_131 = tpu.memref_squeeze %dma_start3A_130 : memref<1x32x128xf32, #tpu.memory_space<vmem>> -> memref<32x128xf32, #tpu.memory_space<vmem>>
      %dma_start3A_132 = arith.constant 0 : i32
      %dma_start3A_133 = tpu.memref_slice %arg5[%dma_start3A_132, %multiple_of3A_120] : memref<32x1000000xf32, #tpu.memory_space<hbm>> -> memref<32x128xf32, #tpu.memory_space<hbm>>
      tpu.enqueue_dma source(%dma_start3A_133 : memref<32x128xf32, #tpu.memory_space<hbm>>) target(%dma_start3A_131 : memref<32x128xf32, #tpu.memory_space<vmem>>) target_semaphore(%arg15 : memref<!tpu.dma_semaphore, #tpu.memory_space<semaphore_mem>>)
      %slice3A_134 = vector.extract_strided_slice %shift_left3A_29 {offsets = [3], sizes = [1], strides = [1]} : vector<16xi32> to vector<1xi32>
      %squeeze3A_135 = vector.extract %slice3A_134[0] : i32 from vector<1xi32>
      %multiple_of3A_136 = tpu.assume_multiple %squeeze3A_135, 128 : i32
      %dma_start3A_137 = arith.constant 3 : i32
      %dma_start3A_138 = arith.constant 0 : i32
      %dma_start3A_139 = arith.constant 0 : i32
      %dma_start3A_140 = tpu.memref_slice %arg10[%dma_start3A_137, %dma_start3A_138, %dma_start3A_139] : memref<8x32x128xf32, #tpu.memory_space<vmem>> -> memref<1x32x128xf32, #tpu.memory_space<vmem>>
      %dma_start3A_141 = tpu.memref_squeeze %dma_start3A_140 : memref<1x32x128xf32, #tpu.memory_space<vmem>> -> memref<32x128xf32, #tpu.memory_space<vmem>>
      %dma_start3A_142 = arith.constant 0 : i32
      %dma_start3A_143 = tpu.memref_slice %arg4[%dma_start3A_142, %multiple_of3A_136] : memref<32x1000000xf32, #tpu.memory_space<hbm>> -> memref<32x128xf32, #tpu.memory_space<hbm>>
      %dma_start3A_144 = arith.constant 0 : i32
      %dma_start3A_145 = arith.constant 0 : i32
      %dma_start3A_146 = tpu.memref_slice %arg10[%dma_start3A_137, %dma_start3A_144, %dma_start3A_145] : memref<8x32x128xf32, #tpu.memory_space<vmem>> -> memref<1x32x128xf32, #tpu.memory_space<vmem>>
      %dma_start3A_147 = tpu.memref_squeeze %dma_start3A_146 : memref<1x32x128xf32, #tpu.memory_space<vmem>> -> memref<32x128xf32, #tpu.memory_space<vmem>>
      %dma_start3A_148 = arith.constant 0 : i32
      %dma_start3A_149 = tpu.memref_slice %arg4[%dma_start3A_148, %multiple_of3A_136] : memref<32x1000000xf32, #tpu.memory_space<hbm>> -> memref<32x128xf32, #tpu.memory_space<hbm>>
      tpu.enqueue_dma source(%dma_start3A_149 : memref<32x128xf32, #tpu.memory_space<hbm>>) target(%dma_start3A_147 : memref<32x128xf32, #tpu.memory_space<vmem>>) target_semaphore(%arg14 : memref<!tpu.dma_semaphore, #tpu.memory_space<semaphore_mem>>)
      %slice3A_150 = vector.extract_strided_slice %shift_left3A_35 {offsets = [3], sizes = [1], strides = [1]} : vector<16xi32> to vector<1xi32>
      %squeeze3A_151 = vector.extract %slice3A_150[0] : i32 from vector<1xi32>
      %multiple_of3A_152 = tpu.assume_multiple %squeeze3A_151, 128 : i32
      %dma_start3A_153 = arith.constant 3 : i32
      %dma_start3A_154 = arith.constant 0 : i32
      %dma_start3A_155 = arith.constant 0 : i32
      %dma_start3A_156 = tpu.memref_slice %arg11[%dma_start3A_153, %dma_start3A_154, %dma_start3A_155] : memref<8x32x128xf32, #tpu.memory_space<vmem>> -> memref<1x32x128xf32, #tpu.memory_space<vmem>>
      %dma_start3A_157 = tpu.memref_squeeze %dma_start3A_156 : memref<1x32x128xf32, #tpu.memory_space<vmem>> -> memref<32x128xf32, #tpu.memory_space<vmem>>
      %dma_start3A_158 = arith.constant 0 : i32
      %dma_start3A_159 = tpu.memref_slice %arg5[%dma_start3A_158, %multiple_of3A_152] : memref<32x1000000xf32, #tpu.memory_space<hbm>> -> memref<32x128xf32, #tpu.memory_space<hbm>>
      %dma_start3A_160 = arith.constant 0 : i32
      %dma_start3A_161 = arith.constant 0 : i32
      %dma_start3A_162 = tpu.memref_slice %arg11[%dma_start3A_153, %dma_start3A_160, %dma_start3A_161] : memref<8x32x128xf32, #tpu.memory_space<vmem>> -> memref<1x32x128xf32, #tpu.memory_space<vmem>>
      %dma_start3A_163 = tpu.memref_squeeze %dma_start3A_162 : memref<1x32x128xf32, #tpu.memory_space<vmem>> -> memref<32x128xf32, #tpu.memory_space<vmem>>
      %dma_start3A_164 = arith.constant 0 : i32
      %dma_start3A_165 = tpu.memref_slice %arg5[%dma_start3A_164, %multiple_of3A_152] : memref<32x1000000xf32, #tpu.memory_space<hbm>> -> memref<32x128xf32, #tpu.memory_space<hbm>>
      tpu.enqueue_dma source(%dma_start3A_165 : memref<32x128xf32, #tpu.memory_space<hbm>>) target(%dma_start3A_163 : memref<32x128xf32, #tpu.memory_space<vmem>>) target_semaphore(%arg15 : memref<!tpu.dma_semaphore, #tpu.memory_space<semaphore_mem>>)
      %slice3A_166 = vector.extract_strided_slice %shift_left3A_29 {offsets = [4], sizes = [1], strides = [1]} : vector<16xi32> to vector<1xi32>
      %squeeze3A_167 = vector.extract %slice3A_166[0] : i32 from vector<1xi32>
      %multiple_of3A_168 = tpu.assume_multiple %squeeze3A_167, 128 : i32
      %dma_start3A_169 = arith.constant 4 : i32
      %dma_start3A_170 = arith.constant 0 : i32
      %dma_start3A_171 = arith.constant 0 : i32
      %dma_start3A_172 = tpu.memref_slice %arg10[%dma_start3A_169, %dma_start3A_170, %dma_start3A_171] : memref<8x32x128xf32, #tpu.memory_space<vmem>> -> memref<1x32x128xf32, #tpu.memory_space<vmem>>
      %dma_start3A_173 = tpu.memref_squeeze %dma_start3A_172 : memref<1x32x128xf32, #tpu.memory_space<vmem>> -> memref<32x128xf32, #tpu.memory_space<vmem>>
      %dma_start3A_174 = arith.constant 0 : i32
      %dma_start3A_175 = tpu.memref_slice %arg4[%dma_start3A_174, %multiple_of3A_168] : memref<32x1000000xf32, #tpu.memory_space<hbm>> -> memref<32x128xf32, #tpu.memory_space<hbm>>
      %dma_start3A_176 = arith.constant 0 : i32
      %dma_start3A_177 = arith.constant 0 : i32
      %dma_start3A_178 = tpu.memref_slice %arg10[%dma_start3A_169, %dma_start3A_176, %dma_start3A_177] : memref<8x32x128xf32, #tpu.memory_space<vmem>> -> memref<1x32x128xf32, #tpu.memory_space<vmem>>
      %dma_start3A_179 = tpu.memref_squeeze %dma_start3A_178 : memref<1x32x128xf32, #tpu.memory_space<vmem>> -> memref<32x128xf32, #tpu.memory_space<vmem>>
      %dma_start3A_180 = arith.constant 0 : i32
      %dma_start3A_181 = tpu.memref_slice %arg4[%dma_start3A_180, %multiple_of3A_168] : memref<32x1000000xf32, #tpu.memory_space<hbm>> -> memref<32x128xf32, #tpu.memory_space<hbm>>
      tpu.enqueue_dma source(%dma_start3A_181 : memref<32x128xf32, #tpu.memory_space<hbm>>) target(%dma_start3A_179 : memref<32x128xf32, #tpu.memory_space<vmem>>) target_semaphore(%arg14 : memref<!tpu.dma_semaphore, #tpu.memory_space<semaphore_mem>>)
      %slice3A_182 = vector.extract_strided_slice %shift_left3A_35 {offsets = [4], sizes = [1], strides = [1]} : vector<16xi32> to vector<1xi32>
      %squeeze3A_183 = vector.extract %slice3A_182[0] : i32 from vector<1xi32>
      %multiple_of3A_184 = tpu.assume_multiple %squeeze3A_183, 128 : i32
      %dma_start3A_185 = arith.constant 4 : i32
      %dma_start3A_186 = arith.constant 0 : i32
      %dma_start3A_187 = arith.constant 0 : i32
      %dma_start3A_188 = tpu.memref_slice %arg11[%dma_start3A_185, %dma_start3A_186, %dma_start3A_187] : memref<8x32x128xf32, #tpu.memory_space<vmem>> -> memref<1x32x128xf32, #tpu.memory_space<vmem>>
      %dma_start3A_189 = tpu.memref_squeeze %dma_start3A_188 : memref<1x32x128xf32, #tpu.memory_space<vmem>> -> memref<32x128xf32, #tpu.memory_space<vmem>>
      %dma_start3A_190 = arith.constant 0 : i32
      %dma_start3A_191 = tpu.memref_slice %arg5[%dma_start3A_190, %multiple_of3A_184] : memref<32x1000000xf32, #tpu.memory_space<hbm>> -> memref<32x128xf32, #tpu.memory_space<hbm>>
      %dma_start3A_192 = arith.constant 0 : i32
      %dma_start3A_193 = arith.constant 0 : i32
      %dma_start3A_194 = tpu.memref_slice %arg11[%dma_start3A_185, %dma_start3A_192, %dma_start3A_193] : memref<8x32x128xf32, #tpu.memory_space<vmem>> -> memref<1x32x128xf32, #tpu.memory_space<vmem>>
      %dma_start3A_195 = tpu.memref_squeeze %dma_start3A_194 : memref<1x32x128xf32, #tpu.memory_space<vmem>> -> memref<32x128xf32, #tpu.memory_space<vmem>>
      %dma_start3A_196 = arith.constant 0 : i32
      %dma_start3A_197 = tpu.memref_slice %arg5[%dma_start3A_196, %multiple_of3A_184] : memref<32x1000000xf32, #tpu.memory_space<hbm>> -> memref<32x128xf32, #tpu.memory_space<hbm>>
      tpu.enqueue_dma source(%dma_start3A_197 : memref<32x128xf32, #tpu.memory_space<hbm>>) target(%dma_start3A_195 : memref<32x128xf32, #tpu.memory_space<vmem>>) target_semaphore(%arg15 : memref<!tpu.dma_semaphore, #tpu.memory_space<semaphore_mem>>)
      %slice3A_198 = vector.extract_strided_slice %shift_left3A_29 {offsets = [5], sizes = [1], strides = [1]} : vector<16xi32> to vector<1xi32>
      %squeeze3A_199 = vector.extract %slice3A_198[0] : i32 from vector<1xi32>
      %multiple_of3A_200 = tpu.assume_multiple %squeeze3A_199, 128 : i32
      %dma_start3A_201 = arith.constant 5 : i32
      %dma_start3A_202 = arith.constant 0 : i32
      %dma_start3A_203 = arith.constant 0 : i32
      %dma_start3A_204 = tpu.memref_slice %arg10[%dma_start3A_201, %dma_start3A_202, %dma_start3A_203] : memref<8x32x128xf32, #tpu.memory_space<vmem>> -> memref<1x32x128xf32, #tpu.memory_space<vmem>>
      %dma_start3A_205 = tpu.memref_squeeze %dma_start3A_204 : memref<1x32x128xf32, #tpu.memory_space<vmem>> -> memref<32x128xf32, #tpu.memory_space<vmem>>
      %dma_start3A_206 = arith.constant 0 : i32
      %dma_start3A_207 = tpu.memref_slice %arg4[%dma_start3A_206, %multiple_of3A_200] : memref<32x1000000xf32, #tpu.memory_space<hbm>> -> memref<32x128xf32, #tpu.memory_space<hbm>>
      %dma_start3A_208 = arith.constant 0 : i32
      %dma_start3A_209 = arith.constant 0 : i32
      %dma_start3A_210 = tpu.memref_slice %arg10[%dma_start3A_201, %dma_start3A_208, %dma_start3A_209] : memref<8x32x128xf32, #tpu.memory_space<vmem>> -> memref<1x32x128xf32, #tpu.memory_space<vmem>>
      %dma_start3A_211 = tpu.memref_squeeze %dma_start3A_210 : memref<1x32x128xf32, #tpu.memory_space<vmem>> -> memref<32x128xf32, #tpu.memory_space<vmem>>
      %dma_start3A_212 = arith.constant 0 : i32
      %dma_start3A_213 = tpu.memref_slice %arg4[%dma_start3A_212, %multiple_of3A_200] : memref<32x1000000xf32, #tpu.memory_space<hbm>> -> memref<32x128xf32, #tpu.memory_space<hbm>>
      tpu.enqueue_dma source(%dma_start3A_213 : memref<32x128xf32, #tpu.memory_space<hbm>>) target(%dma_start3A_211 : memref<32x128xf32, #tpu.memory_space<vmem>>) target_semaphore(%arg14 : memref<!tpu.dma_semaphore, #tpu.memory_space<semaphore_mem>>)
      %slice3A_214 = vector.extract_strided_slice %shift_left3A_35 {offsets = [5], sizes = [1], strides = [1]} : vector<16xi32> to vector<1xi32>
      %squeeze3A_215 = vector.extract %slice3A_214[0] : i32 from vector<1xi32>
      %multiple_of3A_216 = tpu.assume_multiple %squeeze3A_215, 128 : i32
      %dma_start3A_217 = arith.constant 5 : i32
      %dma_start3A_218 = arith.constant 0 : i32
      %dma_start3A_219 = arith.constant 0 : i32
      %dma_start3A_220 = tpu.memref_slice %arg11[%dma_start3A_217, %dma_start3A_218, %dma_start3A_219] : memref<8x32x128xf32, #tpu.memory_space<vmem>> -> memref<1x32x128xf32, #tpu.memory_space<vmem>>
      %dma_start3A_221 = tpu.memref_squeeze %dma_start3A_220 : memref<1x32x128xf32, #tpu.memory_space<vmem>> -> memref<32x128xf32, #tpu.memory_space<vmem>>
      %dma_start3A_222 = arith.constant 0 : i32
      %dma_start3A_223 = tpu.memref_slice %arg5[%dma_start3A_222, %multiple_of3A_216] : memref<32x1000000xf32, #tpu.memory_space<hbm>> -> memref<32x128xf32, #tpu.memory_space<hbm>>
      %dma_start3A_224 = arith.constant 0 : i32
      %dma_start3A_225 = arith.constant 0 : i32
      %dma_start3A_226 = tpu.memref_slice %arg11[%dma_start3A_217, %dma_start3A_224, %dma_start3A_225] : memref<8x32x128xf32, #tpu.memory_space<vmem>> -> memref<1x32x128xf32, #tpu.memory_space<vmem>>
      %dma_start3A_227 = tpu.memref_squeeze %dma_start3A_226 : memref<1x32x128xf32, #tpu.memory_space<vmem>> -> memref<32x128xf32, #tpu.memory_space<vmem>>
      %dma_start3A_228 = arith.constant 0 : i32
      %dma_start3A_229 = tpu.memref_slice %arg5[%dma_start3A_228, %multiple_of3A_216] : memref<32x1000000xf32, #tpu.memory_space<hbm>> -> memref<32x128xf32, #tpu.memory_space<hbm>>
      tpu.enqueue_dma source(%dma_start3A_229 : memref<32x128xf32, #tpu.memory_space<hbm>>) target(%dma_start3A_227 : memref<32x128xf32, #tpu.memory_space<vmem>>) target_semaphore(%arg15 : memref<!tpu.dma_semaphore, #tpu.memory_space<semaphore_mem>>)
      %slice3A_230 = vector.extract_strided_slice %shift_left3A_29 {offsets = [6], sizes = [1], strides = [1]} : vector<16xi32> to vector<1xi32>
      %squeeze3A_231 = vector.extract %slice3A_230[0] : i32 from vector<1xi32>
      %multiple_of3A_232 = tpu.assume_multiple %squeeze3A_231, 128 : i32
      %dma_start3A_233 = arith.constant 6 : i32
      %dma_start3A_234 = arith.constant 0 : i32
      %dma_start3A_235 = arith.constant 0 : i32
      %dma_start3A_236 = tpu.memref_slice %arg10[%dma_start3A_233, %dma_start3A_234, %dma_start3A_235] : memref<8x32x128xf32, #tpu.memory_space<vmem>> -> memref<1x32x128xf32, #tpu.memory_space<vmem>>
      %dma_start3A_237 = tpu.memref_squeeze %dma_start3A_236 : memref<1x32x128xf32, #tpu.memory_space<vmem>> -> memref<32x128xf32, #tpu.memory_space<vmem>>
      %dma_start3A_238 = arith.constant 0 : i32
      %dma_start3A_239 = tpu.memref_slice %arg4[%dma_start3A_238, %multiple_of3A_232] : memref<32x1000000xf32, #tpu.memory_space<hbm>> -> memref<32x128xf32, #tpu.memory_space<hbm>>
      %dma_start3A_240 = arith.constant 0 : i32
      %dma_start3A_241 = arith.constant 0 : i32
      %dma_start3A_242 = tpu.memref_slice %arg10[%dma_start3A_233, %dma_start3A_240, %dma_start3A_241] : memref<8x32x128xf32, #tpu.memory_space<vmem>> -> memref<1x32x128xf32, #tpu.memory_space<vmem>>
      %dma_start3A_243 = tpu.memref_squeeze %dma_start3A_242 : memref<1x32x128xf32, #tpu.memory_space<vmem>> -> memref<32x128xf32, #tpu.memory_space<vmem>>
      %dma_start3A_244 = arith.constant 0 : i32
      %dma_start3A_245 = tpu.memref_slice %arg4[%dma_start3A_244, %multiple_of3A_232] : memref<32x1000000xf32, #tpu.memory_space<hbm>> -> memref<32x128xf32, #tpu.memory_space<hbm>>
      tpu.enqueue_dma source(%dma_start3A_245 : memref<32x128xf32, #tpu.memory_space<hbm>>) target(%dma_start3A_243 : memref<32x128xf32, #tpu.memory_space<vmem>>) target_semaphore(%arg14 : memref<!tpu.dma_semaphore, #tpu.memory_space<semaphore_mem>>)
      %slice3A_246 = vector.extract_strided_slice %shift_left3A_35 {offsets = [6], sizes = [1], strides = [1]} : vector<16xi32> to vector<1xi32>
      %squeeze3A_247 = vector.extract %slice3A_246[0] : i32 from vector<1xi32>
      %multiple_of3A_248 = tpu.assume_multiple %squeeze3A_247, 128 : i32
      %dma_start3A_249 = arith.constant 6 : i32
      %dma_start3A_250 = arith.constant 0 : i32
      %dma_start3A_251 = arith.constant 0 : i32
      %dma_start3A_252 = tpu.memref_slice %arg11[%dma_start3A_249, %dma_start3A_250, %dma_start3A_251] : memref<8x32x128xf32, #tpu.memory_space<vmem>> -> memref<1x32x128xf32, #tpu.memory_space<vmem>>
      %dma_start3A_253 = tpu.memref_squeeze %dma_start3A_252 : memref<1x32x128xf32, #tpu.memory_space<vmem>> -> memref<32x128xf32, #tpu.memory_space<vmem>>
      %dma_start3A_254 = arith.constant 0 : i32
      %dma_start3A_255 = tpu.memref_slice %arg5[%dma_start3A_254, %multiple_of3A_248] : memref<32x1000000xf32, #tpu.memory_space<hbm>> -> memref<32x128xf32, #tpu.memory_space<hbm>>
      %dma_start3A_256 = arith.constant 0 : i32
      %dma_start3A_257 = arith.constant 0 : i32
      %dma_start3A_258 = tpu.memref_slice %arg11[%dma_start3A_249, %dma_start3A_256, %dma_start3A_257] : memref<8x32x128xf32, #tpu.memory_space<vmem>> -> memref<1x32x128xf32, #tpu.memory_space<vmem>>
      %dma_start3A_259 = tpu.memref_squeeze %dma_start3A_258 : memref<1x32x128xf32, #tpu.memory_space<vmem>> -> memref<32x128xf32, #tpu.memory_space<vmem>>
      %dma_start3A_260 = arith.constant 0 : i32
      %dma_start3A_261 = tpu.memref_slice %arg5[%dma_start3A_260, %multiple_of3A_248] : memref<32x1000000xf32, #tpu.memory_space<hbm>> -> memref<32x128xf32, #tpu.memory_space<hbm>>
      tpu.enqueue_dma source(%dma_start3A_261 : memref<32x128xf32, #tpu.memory_space<hbm>>) target(%dma_start3A_259 : memref<32x128xf32, #tpu.memory_space<vmem>>) target_semaphore(%arg15 : memref<!tpu.dma_semaphore, #tpu.memory_space<semaphore_mem>>)
      %slice3A_262 = vector.extract_strided_slice %shift_left3A_29 {offsets = [7], sizes = [1], strides = [1]} : vector<16xi32> to vector<1xi32>
      %squeeze3A_263 = vector.extract %slice3A_262[0] : i32 from vector<1xi32>
      %multiple_of3A_264 = tpu.assume_multiple %squeeze3A_263, 128 : i32
      %dma_start3A_265 = arith.constant 7 : i32
      %dma_start3A_266 = arith.constant 0 : i32
      %dma_start3A_267 = arith.constant 0 : i32
      %dma_start3A_268 = tpu.memref_slice %arg10[%dma_start3A_265, %dma_start3A_266, %dma_start3A_267] : memref<8x32x128xf32, #tpu.memory_space<vmem>> -> memref<1x32x128xf32, #tpu.memory_space<vmem>>
      %dma_start3A_269 = tpu.memref_squeeze %dma_start3A_268 : memref<1x32x128xf32, #tpu.memory_space<vmem>> -> memref<32x128xf32, #tpu.memory_space<vmem>>
      %dma_start3A_270 = arith.constant 0 : i32
      %dma_start3A_271 = tpu.memref_slice %arg4[%dma_start3A_270, %multiple_of3A_264] : memref<32x1000000xf32, #tpu.memory_space<hbm>> -> memref<32x128xf32, #tpu.memory_space<hbm>>
      %dma_start3A_272 = arith.constant 0 : i32
      %dma_start3A_273 = arith.constant 0 : i32
      %dma_start3A_274 = tpu.memref_slice %arg10[%dma_start3A_265, %dma_start3A_272, %dma_start3A_273] : memref<8x32x128xf32, #tpu.memory_space<vmem>> -> memref<1x32x128xf32, #tpu.memory_space<vmem>>
      %dma_start3A_275 = tpu.memref_squeeze %dma_start3A_274 : memref<1x32x128xf32, #tpu.memory_space<vmem>> -> memref<32x128xf32, #tpu.memory_space<vmem>>
      %dma_start3A_276 = arith.constant 0 : i32
      %dma_start3A_277 = tpu.memref_slice %arg4[%dma_start3A_276, %multiple_of3A_264] : memref<32x1000000xf32, #tpu.memory_space<hbm>> -> memref<32x128xf32, #tpu.memory_space<hbm>>
      tpu.enqueue_dma source(%dma_start3A_277 : memref<32x128xf32, #tpu.memory_space<hbm>>) target(%dma_start3A_275 : memref<32x128xf32, #tpu.memory_space<vmem>>) target_semaphore(%arg14 : memref<!tpu.dma_semaphore, #tpu.memory_space<semaphore_mem>>)
      %slice3A_278 = vector.extract_strided_slice %shift_left3A_35 {offsets = [7], sizes = [1], strides = [1]} : vector<16xi32> to vector<1xi32>
      %squeeze3A_279 = vector.extract %slice3A_278[0] : i32 from vector<1xi32>
      %multiple_of3A_280 = tpu.assume_multiple %squeeze3A_279, 128 : i32
      %dma_start3A_281 = arith.constant 7 : i32
      %dma_start3A_282 = arith.constant 0 : i32
      %dma_start3A_283 = arith.constant 0 : i32
      %dma_start3A_284 = tpu.memref_slice %arg11[%dma_start3A_281, %dma_start3A_282, %dma_start3A_283] : memref<8x32x128xf32, #tpu.memory_space<vmem>> -> memref<1x32x128xf32, #tpu.memory_space<vmem>>
      %dma_start3A_285 = tpu.memref_squeeze %dma_start3A_284 : memref<1x32x128xf32, #tpu.memory_space<vmem>> -> memref<32x128xf32, #tpu.memory_space<vmem>>
      %dma_start3A_286 = arith.constant 0 : i32
      %dma_start3A_287 = tpu.memref_slice %arg5[%dma_start3A_286, %multiple_of3A_280] : memref<32x1000000xf32, #tpu.memory_space<hbm>> -> memref<32x128xf32, #tpu.memory_space<hbm>>
      %dma_start3A_288 = arith.constant 0 : i32
      %dma_start3A_289 = arith.constant 0 : i32
      %dma_start3A_290 = tpu.memref_slice %arg11[%dma_start3A_281, %dma_start3A_288, %dma_start3A_289] : memref<8x32x128xf32, #tpu.memory_space<vmem>> -> memref<1x32x128xf32, #tpu.memory_space<vmem>>
      %dma_start3A_291 = tpu.memref_squeeze %dma_start3A_290 : memref<1x32x128xf32, #tpu.memory_space<vmem>> -> memref<32x128xf32, #tpu.memory_space<vmem>>
      %dma_start3A_292 = arith.constant 0 : i32
      %dma_start3A_293 = tpu.memref_slice %arg5[%dma_start3A_292, %multiple_of3A_280] : memref<32x1000000xf32, #tpu.memory_space<hbm>> -> memref<32x128xf32, #tpu.memory_space<hbm>>
      tpu.enqueue_dma source(%dma_start3A_293 : memref<32x128xf32, #tpu.memory_space<hbm>>) target(%dma_start3A_291 : memref<32x128xf32, #tpu.memory_space<vmem>>) target_semaphore(%arg15 : memref<!tpu.dma_semaphore, #tpu.memory_space<semaphore_mem>>)
      %dma_wait3A = arith.constant 0 : i32
      %dma_wait3A_294 = arith.constant 0 : i32
      %dma_wait3A_295 = arith.constant 0 : i32
      %dma_wait3A_296 = tpu.memref_slice %arg10[%dma_wait3A, %dma_wait3A_294, %dma_wait3A_295] : memref<8x32x128xf32, #tpu.memory_space<vmem>> -> memref<1x32x128xf32, #tpu.memory_space<vmem>>
      %dma_wait3A_297 = tpu.memref_squeeze %dma_wait3A_296 : memref<1x32x128xf32, #tpu.memory_space<vmem>> -> memref<32x128xf32, #tpu.memory_space<vmem>>
      %dma_wait3A_298 = arith.constant 0 : i32
      %dma_wait3A_299 = tpu.memref_slice %arg4[%dma_wait3A_298, %multiple_of3A] : memref<32x1000000xf32, #tpu.memory_space<hbm>> -> memref<32x128xf32, #tpu.memory_space<hbm>>
      %dma_wait3A_300 = arith.constant 0 : i32
      %dma_wait3A_301 = arith.constant 0 : i32
      %dma_wait3A_302 = tpu.memref_slice %arg10[%dma_wait3A, %dma_wait3A_300, %dma_wait3A_301] : memref<8x32x128xf32, #tpu.memory_space<vmem>> -> memref<1x32x128xf32, #tpu.memory_space<vmem>>
      %dma_wait3A_303 = tpu.memref_squeeze %dma_wait3A_302 : memref<1x32x128xf32, #tpu.memory_space<vmem>> -> memref<32x128xf32, #tpu.memory_space<vmem>>
      %dma_wait3A_304 = arith.constant 0 : i32
      %dma_wait3A_305 = tpu.memref_slice %arg4[%dma_wait3A_304, %multiple_of3A] : memref<32x1000000xf32, #tpu.memory_space<hbm>> -> memref<32x128xf32, #tpu.memory_space<hbm>>
      tpu.wait_dma2 semaphore(%arg14 : memref<!tpu.dma_semaphore, #tpu.memory_space<semaphore_mem>>) src(%dma_wait3A_305 : memref<32x128xf32, #tpu.memory_space<hbm>>) dst(%dma_wait3A_303 : memref<32x128xf32, #tpu.memory_space<vmem>>)
      %dma_wait3A_306 = arith.constant 0 : i32
      %dma_wait3A_307 = arith.constant 0 : i32
      %dma_wait3A_308 = arith.constant 0 : i32
      %dma_wait3A_309 = tpu.memref_slice %arg11[%dma_wait3A_306, %dma_wait3A_307, %dma_wait3A_308] : memref<8x32x128xf32, #tpu.memory_space<vmem>> -> memref<1x32x128xf32, #tpu.memory_space<vmem>>
      %dma_wait3A_310 = tpu.memref_squeeze %dma_wait3A_309 : memref<1x32x128xf32, #tpu.memory_space<vmem>> -> memref<32x128xf32, #tpu.memory_space<vmem>>
      %dma_wait3A_311 = arith.constant 0 : i32
      %dma_wait3A_312 = tpu.memref_slice %arg5[%dma_wait3A_311, %multiple_of3A_56] : memref<32x1000000xf32, #tpu.memory_space<hbm>> -> memref<32x128xf32, #tpu.memory_space<hbm>>
      %dma_wait3A_313 = arith.constant 0 : i32
      %dma_wait3A_314 = arith.constant 0 : i32
      %dma_wait3A_315 = tpu.memref_slice %arg11[%dma_wait3A_306, %dma_wait3A_313, %dma_wait3A_314] : memref<8x32x128xf32, #tpu.memory_space<vmem>> -> memref<1x32x128xf32, #tpu.memory_space<vmem>>
      %dma_wait3A_316 = tpu.memref_squeeze %dma_wait3A_315 : memref<1x32x128xf32, #tpu.memory_space<vmem>> -> memref<32x128xf32, #tpu.memory_space<vmem>>
      %dma_wait3A_317 = arith.constant 0 : i32
      %dma_wait3A_318 = tpu.memref_slice %arg5[%dma_wait3A_317, %multiple_of3A_56] : memref<32x1000000xf32, #tpu.memory_space<hbm>> -> memref<32x128xf32, #tpu.memory_space<hbm>>
      tpu.wait_dma2 semaphore(%arg15 : memref<!tpu.dma_semaphore, #tpu.memory_space<semaphore_mem>>) src(%dma_wait3A_318 : memref<32x128xf32, #tpu.memory_space<hbm>>) dst(%dma_wait3A_316 : memref<32x128xf32, #tpu.memory_space<vmem>>)
      %dma_wait3A_319 = arith.constant 1 : i32
      %dma_wait3A_320 = arith.constant 0 : i32
      %dma_wait3A_321 = arith.constant 0 : i32
      %dma_wait3A_322 = tpu.memref_slice %arg10[%dma_wait3A_319, %dma_wait3A_320, %dma_wait3A_321] : memref<8x32x128xf32, #tpu.memory_space<vmem>> -> memref<1x32x128xf32, #tpu.memory_space<vmem>>
      %dma_wait3A_323 = tpu.memref_squeeze %dma_wait3A_322 : memref<1x32x128xf32, #tpu.memory_space<vmem>> -> memref<32x128xf32, #tpu.memory_space<vmem>>
      %dma_wait3A_324 = arith.constant 0 : i32
      %dma_wait3A_325 = tpu.memref_slice %arg4[%dma_wait3A_324, %multiple_of3A_72] : memref<32x1000000xf32, #tpu.memory_space<hbm>> -> memref<32x128xf32, #tpu.memory_space<hbm>>
      %dma_wait3A_326 = arith.constant 0 : i32
      %dma_wait3A_327 = arith.constant 0 : i32
      %dma_wait3A_328 = tpu.memref_slice %arg10[%dma_wait3A_319, %dma_wait3A_326, %dma_wait3A_327] : memref<8x32x128xf32, #tpu.memory_space<vmem>> -> memref<1x32x128xf32, #tpu.memory_space<vmem>>
      %dma_wait3A_329 = tpu.memref_squeeze %dma_wait3A_328 : memref<1x32x128xf32, #tpu.memory_space<vmem>> -> memref<32x128xf32, #tpu.memory_space<vmem>>
      %dma_wait3A_330 = arith.constant 0 : i32
      %dma_wait3A_331 = tpu.memref_slice %arg4[%dma_wait3A_330, %multiple_of3A_72] : memref<32x1000000xf32, #tpu.memory_space<hbm>> -> memref<32x128xf32, #tpu.memory_space<hbm>>
      tpu.wait_dma2 semaphore(%arg14 : memref<!tpu.dma_semaphore, #tpu.memory_space<semaphore_mem>>) src(%dma_wait3A_331 : memref<32x128xf32, #tpu.memory_space<hbm>>) dst(%dma_wait3A_329 : memref<32x128xf32, #tpu.memory_space<vmem>>)
      %dma_wait3A_332 = arith.constant 1 : i32
      %dma_wait3A_333 = arith.constant 0 : i32
      %dma_wait3A_334 = arith.constant 0 : i32
      %dma_wait3A_335 = tpu.memref_slice %arg11[%dma_wait3A_332, %dma_wait3A_333, %dma_wait3A_334] : memref<8x32x128xf32, #tpu.memory_space<vmem>> -> memref<1x32x128xf32, #tpu.memory_space<vmem>>
      %dma_wait3A_336 = tpu.memref_squeeze %dma_wait3A_335 : memref<1x32x128xf32, #tpu.memory_space<vmem>> -> memref<32x128xf32, #tpu.memory_space<vmem>>
      %dma_wait3A_337 = arith.constant 0 : i32
      %dma_wait3A_338 = tpu.memref_slice %arg5[%dma_wait3A_337, %multiple_of3A_88] : memref<32x1000000xf32, #tpu.memory_space<hbm>> -> memref<32x128xf32, #tpu.memory_space<hbm>>
      %dma_wait3A_339 = arith.constant 0 : i32
      %dma_wait3A_340 = arith.constant 0 : i32
      %dma_wait3A_341 = tpu.memref_slice %arg11[%dma_wait3A_332, %dma_wait3A_339, %dma_wait3A_340] : memref<8x32x128xf32, #tpu.memory_space<vmem>> -> memref<1x32x128xf32, #tpu.memory_space<vmem>>
      %dma_wait3A_342 = tpu.memref_squeeze %dma_wait3A_341 : memref<1x32x128xf32, #tpu.memory_space<vmem>> -> memref<32x128xf32, #tpu.memory_space<vmem>>
      %dma_wait3A_343 = arith.constant 0 : i32
      %dma_wait3A_344 = tpu.memref_slice %arg5[%dma_wait3A_343, %multiple_of3A_88] : memref<32x1000000xf32, #tpu.memory_space<hbm>> -> memref<32x128xf32, #tpu.memory_space<hbm>>
      tpu.wait_dma2 semaphore(%arg15 : memref<!tpu.dma_semaphore, #tpu.memory_space<semaphore_mem>>) src(%dma_wait3A_344 : memref<32x128xf32, #tpu.memory_space<hbm>>) dst(%dma_wait3A_342 : memref<32x128xf32, #tpu.memory_space<vmem>>)
      %dma_wait3A_345 = arith.constant 2 : i32
      %dma_wait3A_346 = arith.constant 0 : i32
      %dma_wait3A_347 = arith.constant 0 : i32
      %dma_wait3A_348 = tpu.memref_slice %arg10[%dma_wait3A_345, %dma_wait3A_346, %dma_wait3A_347] : memref<8x32x128xf32, #tpu.memory_space<vmem>> -> memref<1x32x128xf32, #tpu.memory_space<vmem>>
      %dma_wait3A_349 = tpu.memref_squeeze %dma_wait3A_348 : memref<1x32x128xf32, #tpu.memory_space<vmem>> -> memref<32x128xf32, #tpu.memory_space<vmem>>
      %dma_wait3A_350 = arith.constant 0 : i32
      %dma_wait3A_351 = tpu.memref_slice %arg4[%dma_wait3A_350, %multiple_of3A_104] : memref<32x1000000xf32, #tpu.memory_space<hbm>> -> memref<32x128xf32, #tpu.memory_space<hbm>>
      %dma_wait3A_352 = arith.constant 0 : i32
      %dma_wait3A_353 = arith.constant 0 : i32
      %dma_wait3A_354 = tpu.memref_slice %arg10[%dma_wait3A_345, %dma_wait3A_352, %dma_wait3A_353] : memref<8x32x128xf32, #tpu.memory_space<vmem>> -> memref<1x32x128xf32, #tpu.memory_space<vmem>>
      %dma_wait3A_355 = tpu.memref_squeeze %dma_wait3A_354 : memref<1x32x128xf32, #tpu.memory_space<vmem>> -> memref<32x128xf32, #tpu.memory_space<vmem>>
      %dma_wait3A_356 = arith.constant 0 : i32
      %dma_wait3A_357 = tpu.memref_slice %arg4[%dma_wait3A_356, %multiple_of3A_104] : memref<32x1000000xf32, #tpu.memory_space<hbm>> -> memref<32x128xf32, #tpu.memory_space<hbm>>
      tpu.wait_dma2 semaphore(%arg14 : memref<!tpu.dma_semaphore, #tpu.memory_space<semaphore_mem>>) src(%dma_wait3A_357 : memref<32x128xf32, #tpu.memory_space<hbm>>) dst(%dma_wait3A_355 : memref<32x128xf32, #tpu.memory_space<vmem>>)
      %dma_wait3A_358 = arith.constant 2 : i32
      %dma_wait3A_359 = arith.constant 0 : i32
      %dma_wait3A_360 = arith.constant 0 : i32
      %dma_wait3A_361 = tpu.memref_slice %arg11[%dma_wait3A_358, %dma_wait3A_359, %dma_wait3A_360] : memref<8x32x128xf32, #tpu.memory_space<vmem>> -> memref<1x32x128xf32, #tpu.memory_space<vmem>>
      %dma_wait3A_362 = tpu.memref_squeeze %dma_wait3A_361 : memref<1x32x128xf32, #tpu.memory_space<vmem>> -> memref<32x128xf32, #tpu.memory_space<vmem>>
      %dma_wait3A_363 = arith.constant 0 : i32
      %dma_wait3A_364 = tpu.memref_slice %arg5[%dma_wait3A_363, %multiple_of3A_120] : memref<32x1000000xf32, #tpu.memory_space<hbm>> -> memref<32x128xf32, #tpu.memory_space<hbm>>
      %dma_wait3A_365 = arith.constant 0 : i32
      %dma_wait3A_366 = arith.constant 0 : i32
      %dma_wait3A_367 = tpu.memref_slice %arg11[%dma_wait3A_358, %dma_wait3A_365, %dma_wait3A_366] : memref<8x32x128xf32, #tpu.memory_space<vmem>> -> memref<1x32x128xf32, #tpu.memory_space<vmem>>
      %dma_wait3A_368 = tpu.memref_squeeze %dma_wait3A_367 : memref<1x32x128xf32, #tpu.memory_space<vmem>> -> memref<32x128xf32, #tpu.memory_space<vmem>>
      %dma_wait3A_369 = arith.constant 0 : i32
      %dma_wait3A_370 = tpu.memref_slice %arg5[%dma_wait3A_369, %multiple_of3A_120] : memref<32x1000000xf32, #tpu.memory_space<hbm>> -> memref<32x128xf32, #tpu.memory_space<hbm>>
      tpu.wait_dma2 semaphore(%arg15 : memref<!tpu.dma_semaphore, #tpu.memory_space<semaphore_mem>>) src(%dma_wait3A_370 : memref<32x128xf32, #tpu.memory_space<hbm>>) dst(%dma_wait3A_368 : memref<32x128xf32, #tpu.memory_space<vmem>>)
      %dma_wait3A_371 = arith.constant 3 : i32
      %dma_wait3A_372 = arith.constant 0 : i32
      %dma_wait3A_373 = arith.constant 0 : i32
      %dma_wait3A_374 = tpu.memref_slice %arg10[%dma_wait3A_371, %dma_wait3A_372, %dma_wait3A_373] : memref<8x32x128xf32, #tpu.memory_space<vmem>> -> memref<1x32x128xf32, #tpu.memory_space<vmem>>
      %dma_wait3A_375 = tpu.memref_squeeze %dma_wait3A_374 : memref<1x32x128xf32, #tpu.memory_space<vmem>> -> memref<32x128xf32, #tpu.memory_space<vmem>>
      %dma_wait3A_376 = arith.constant 0 : i32
      %dma_wait3A_377 = tpu.memref_slice %arg4[%dma_wait3A_376, %multiple_of3A_136] : memref<32x1000000xf32, #tpu.memory_space<hbm>> -> memref<32x128xf32, #tpu.memory_space<hbm>>
      %dma_wait3A_378 = arith.constant 0 : i32
      %dma_wait3A_379 = arith.constant 0 : i32
      %dma_wait3A_380 = tpu.memref_slice %arg10[%dma_wait3A_371, %dma_wait3A_378, %dma_wait3A_379] : memref<8x32x128xf32, #tpu.memory_space<vmem>> -> memref<1x32x128xf32, #tpu.memory_space<vmem>>
      %dma_wait3A_381 = tpu.memref_squeeze %dma_wait3A_380 : memref<1x32x128xf32, #tpu.memory_space<vmem>> -> memref<32x128xf32, #tpu.memory_space<vmem>>
      %dma_wait3A_382 = arith.constant 0 : i32
      %dma_wait3A_383 = tpu.memref_slice %arg4[%dma_wait3A_382, %multiple_of3A_136] : memref<32x1000000xf32, #tpu.memory_space<hbm>> -> memref<32x128xf32, #tpu.memory_space<hbm>>
      tpu.wait_dma2 semaphore(%arg14 : memref<!tpu.dma_semaphore, #tpu.memory_space<semaphore_mem>>) src(%dma_wait3A_383 : memref<32x128xf32, #tpu.memory_space<hbm>>) dst(%dma_wait3A_381 : memref<32x128xf32, #tpu.memory_space<vmem>>)
      %dma_wait3A_384 = arith.constant 3 : i32
      %dma_wait3A_385 = arith.constant 0 : i32
      %dma_wait3A_386 = arith.constant 0 : i32
      %dma_wait3A_387 = tpu.memref_slice %arg11[%dma_wait3A_384, %dma_wait3A_385, %dma_wait3A_386] : memref<8x32x128xf32, #tpu.memory_space<vmem>> -> memref<1x32x128xf32, #tpu.memory_space<vmem>>
      %dma_wait3A_388 = tpu.memref_squeeze %dma_wait3A_387 : memref<1x32x128xf32, #tpu.memory_space<vmem>> -> memref<32x128xf32, #tpu.memory_space<vmem>>
      %dma_wait3A_389 = arith.constant 0 : i32
      %dma_wait3A_390 = tpu.memref_slice %arg5[%dma_wait3A_389, %multiple_of3A_152] : memref<32x1000000xf32, #tpu.memory_space<hbm>> -> memref<32x128xf32, #tpu.memory_space<hbm>>
      %dma_wait3A_391 = arith.constant 0 : i32
      %dma_wait3A_392 = arith.constant 0 : i32
      %dma_wait3A_393 = tpu.memref_slice %arg11[%dma_wait3A_384, %dma_wait3A_391, %dma_wait3A_392] : memref<8x32x128xf32, #tpu.memory_space<vmem>> -> memref<1x32x128xf32, #tpu.memory_space<vmem>>
      %dma_wait3A_394 = tpu.memref_squeeze %dma_wait3A_393 : memref<1x32x128xf32, #tpu.memory_space<vmem>> -> memref<32x128xf32, #tpu.memory_space<vmem>>
      %dma_wait3A_395 = arith.constant 0 : i32
      %dma_wait3A_396 = tpu.memref_slice %arg5[%dma_wait3A_395, %multiple_of3A_152] : memref<32x1000000xf32, #tpu.memory_space<hbm>> -> memref<32x128xf32, #tpu.memory_space<hbm>>
      tpu.wait_dma2 semaphore(%arg15 : memref<!tpu.dma_semaphore, #tpu.memory_space<semaphore_mem>>) src(%dma_wait3A_396 : memref<32x128xf32, #tpu.memory_space<hbm>>) dst(%dma_wait3A_394 : memref<32x128xf32, #tpu.memory_space<vmem>>)
      %dma_wait3A_397 = arith.constant 4 : i32
      %dma_wait3A_398 = arith.constant 0 : i32
      %dma_wait3A_399 = arith.constant 0 : i32
      %dma_wait3A_400 = tpu.memref_slice %arg10[%dma_wait3A_397, %dma_wait3A_398, %dma_wait3A_399] : memref<8x32x128xf32, #tpu.memory_space<vmem>> -> memref<1x32x128xf32, #tpu.memory_space<vmem>>
      %dma_wait3A_401 = tpu.memref_squeeze %dma_wait3A_400 : memref<1x32x128xf32, #tpu.memory_space<vmem>> -> memref<32x128xf32, #tpu.memory_space<vmem>>
      %dma_wait3A_402 = arith.constant 0 : i32
      %dma_wait3A_403 = tpu.memref_slice %arg4[%dma_wait3A_402, %multiple_of3A_168] : memref<32x1000000xf32, #tpu.memory_space<hbm>> -> memref<32x128xf32, #tpu.memory_space<hbm>>
      %dma_wait3A_404 = arith.constant 0 : i32
      %dma_wait3A_405 = arith.constant 0 : i32
      %dma_wait3A_406 = tpu.memref_slice %arg10[%dma_wait3A_397, %dma_wait3A_404, %dma_wait3A_405] : memref<8x32x128xf32, #tpu.memory_space<vmem>> -> memref<1x32x128xf32, #tpu.memory_space<vmem>>
      %dma_wait3A_407 = tpu.memref_squeeze %dma_wait3A_406 : memref<1x32x128xf32, #tpu.memory_space<vmem>> -> memref<32x128xf32, #tpu.memory_space<vmem>>
      %dma_wait3A_408 = arith.constant 0 : i32
      %dma_wait3A_409 = tpu.memref_slice %arg4[%dma_wait3A_408, %multiple_of3A_168] : memref<32x1000000xf32, #tpu.memory_space<hbm>> -> memref<32x128xf32, #tpu.memory_space<hbm>>
      tpu.wait_dma2 semaphore(%arg14 : memref<!tpu.dma_semaphore, #tpu.memory_space<semaphore_mem>>) src(%dma_wait3A_409 : memref<32x128xf32, #tpu.memory_space<hbm>>) dst(%dma_wait3A_407 : memref<32x128xf32, #tpu.memory_space<vmem>>)
      %dma_wait3A_410 = arith.constant 4 : i32
      %dma_wait3A_411 = arith.constant 0 : i32
      %dma_wait3A_412 = arith.constant 0 : i32
      %dma_wait3A_413 = tpu.memref_slice %arg11[%dma_wait3A_410, %dma_wait3A_411, %dma_wait3A_412] : memref<8x32x128xf32, #tpu.memory_space<vmem>> -> memref<1x32x128xf32, #tpu.memory_space<vmem>>
      %dma_wait3A_414 = tpu.memref_squeeze %dma_wait3A_413 : memref<1x32x128xf32, #tpu.memory_space<vmem>> -> memref<32x128xf32, #tpu.memory_space<vmem>>
      %dma_wait3A_415 = arith.constant 0 : i32
      %dma_wait3A_416 = tpu.memref_slice %arg5[%dma_wait3A_415, %multiple_of3A_184] : memref<32x1000000xf32, #tpu.memory_space<hbm>> -> memref<32x128xf32, #tpu.memory_space<hbm>>
      %dma_wait3A_417 = arith.constant 0 : i32
      %dma_wait3A_418 = arith.constant 0 : i32
      %dma_wait3A_419 = tpu.memref_slice %arg11[%dma_wait3A_410, %dma_wait3A_417, %dma_wait3A_418] : memref<8x32x128xf32, #tpu.memory_space<vmem>> -> memref<1x32x128xf32, #tpu.memory_space<vmem>>
      %dma_wait3A_420 = tpu.memref_squeeze %dma_wait3A_419 : memref<1x32x128xf32, #tpu.memory_space<vmem>> -> memref<32x128xf32, #tpu.memory_space<vmem>>
      %dma_wait3A_421 = arith.constant 0 : i32
      %dma_wait3A_422 = tpu.memref_slice %arg5[%dma_wait3A_421, %multiple_of3A_184] : memref<32x1000000xf32, #tpu.memory_space<hbm>> -> memref<32x128xf32, #tpu.memory_space<hbm>>
      tpu.wait_dma2 semaphore(%arg15 : memref<!tpu.dma_semaphore, #tpu.memory_space<semaphore_mem>>) src(%dma_wait3A_422 : memref<32x128xf32, #tpu.memory_space<hbm>>) dst(%dma_wait3A_420 : memref<32x128xf32, #tpu.memory_space<vmem>>)
      %dma_wait3A_423 = arith.constant 5 : i32
      %dma_wait3A_424 = arith.constant 0 : i32
      %dma_wait3A_425 = arith.constant 0 : i32
      %dma_wait3A_426 = tpu.memref_slice %arg10[%dma_wait3A_423, %dma_wait3A_424, %dma_wait3A_425] : memref<8x32x128xf32, #tpu.memory_space<vmem>> -> memref<1x32x128xf32, #tpu.memory_space<vmem>>
      %dma_wait3A_427 = tpu.memref_squeeze %dma_wait3A_426 : memref<1x32x128xf32, #tpu.memory_space<vmem>> -> memref<32x128xf32, #tpu.memory_space<vmem>>
      %dma_wait3A_428 = arith.constant 0 : i32
      %dma_wait3A_429 = tpu.memref_slice %arg4[%dma_wait3A_428, %multiple_of3A_200] : memref<32x1000000xf32, #tpu.memory_space<hbm>> -> memref<32x128xf32, #tpu.memory_space<hbm>>
      %dma_wait3A_430 = arith.constant 0 : i32
      %dma_wait3A_431 = arith.constant 0 : i32
      %dma_wait3A_432 = tpu.memref_slice %arg10[%dma_wait3A_423, %dma_wait3A_430, %dma_wait3A_431] : memref<8x32x128xf32, #tpu.memory_space<vmem>> -> memref<1x32x128xf32, #tpu.memory_space<vmem>>
      %dma_wait3A_433 = tpu.memref_squeeze %dma_wait3A_432 : memref<1x32x128xf32, #tpu.memory_space<vmem>> -> memref<32x128xf32, #tpu.memory_space<vmem>>
      %dma_wait3A_434 = arith.constant 0 : i32
      %dma_wait3A_435 = tpu.memref_slice %arg4[%dma_wait3A_434, %multiple_of3A_200] : memref<32x1000000xf32, #tpu.memory_space<hbm>> -> memref<32x128xf32, #tpu.memory_space<hbm>>
      tpu.wait_dma2 semaphore(%arg14 : memref<!tpu.dma_semaphore, #tpu.memory_space<semaphore_mem>>) src(%dma_wait3A_435 : memref<32x128xf32, #tpu.memory_space<hbm>>) dst(%dma_wait3A_433 : memref<32x128xf32, #tpu.memory_space<vmem>>)
      %dma_wait3A_436 = arith.constant 5 : i32
      %dma_wait3A_437 = arith.constant 0 : i32
      %dma_wait3A_438 = arith.constant 0 : i32
      %dma_wait3A_439 = tpu.memref_slice %arg11[%dma_wait3A_436, %dma_wait3A_437, %dma_wait3A_438] : memref<8x32x128xf32, #tpu.memory_space<vmem>> -> memref<1x32x128xf32, #tpu.memory_space<vmem>>
      %dma_wait3A_440 = tpu.memref_squeeze %dma_wait3A_439 : memref<1x32x128xf32, #tpu.memory_space<vmem>> -> memref<32x128xf32, #tpu.memory_space<vmem>>
      %dma_wait3A_441 = arith.constant 0 : i32
      %dma_wait3A_442 = tpu.memref_slice %arg5[%dma_wait3A_441, %multiple_of3A_216] : memref<32x1000000xf32, #tpu.memory_space<hbm>> -> memref<32x128xf32, #tpu.memory_space<hbm>>
      %dma_wait3A_443 = arith.constant 0 : i32
      %dma_wait3A_444 = arith.constant 0 : i32
      %dma_wait3A_445 = tpu.memref_slice %arg11[%dma_wait3A_436, %dma_wait3A_443, %dma_wait3A_444] : memref<8x32x128xf32, #tpu.memory_space<vmem>> -> memref<1x32x128xf32, #tpu.memory_space<vmem>>
      %dma_wait3A_446 = tpu.memref_squeeze %dma_wait3A_445 : memref<1x32x128xf32, #tpu.memory_space<vmem>> -> memref<32x128xf32, #tpu.memory_space<vmem>>
      %dma_wait3A_447 = arith.constant 0 : i32
      %dma_wait3A_448 = tpu.memref_slice %arg5[%dma_wait3A_447, %multiple_of3A_216] : memref<32x1000000xf32, #tpu.memory_space<hbm>> -> memref<32x128xf32, #tpu.memory_space<hbm>>
      tpu.wait_dma2 semaphore(%arg15 : memref<!tpu.dma_semaphore, #tpu.memory_space<semaphore_mem>>) src(%dma_wait3A_448 : memref<32x128xf32, #tpu.memory_space<hbm>>) dst(%dma_wait3A_446 : memref<32x128xf32, #tpu.memory_space<vmem>>)
      %dma_wait3A_449 = arith.constant 6 : i32
      %dma_wait3A_450 = arith.constant 0 : i32
      %dma_wait3A_451 = arith.constant 0 : i32
      %dma_wait3A_452 = tpu.memref_slice %arg10[%dma_wait3A_449, %dma_wait3A_450, %dma_wait3A_451] : memref<8x32x128xf32, #tpu.memory_space<vmem>> -> memref<1x32x128xf32, #tpu.memory_space<vmem>>
      %dma_wait3A_453 = tpu.memref_squeeze %dma_wait3A_452 : memref<1x32x128xf32, #tpu.memory_space<vmem>> -> memref<32x128xf32, #tpu.memory_space<vmem>>
      %dma_wait3A_454 = arith.constant 0 : i32
      %dma_wait3A_455 = tpu.memref_slice %arg4[%dma_wait3A_454, %multiple_of3A_232] : memref<32x1000000xf32, #tpu.memory_space<hbm>> -> memref<32x128xf32, #tpu.memory_space<hbm>>
      %dma_wait3A_456 = arith.constant 0 : i32
      %dma_wait3A_457 = arith.constant 0 : i32
      %dma_wait3A_458 = tpu.memref_slice %arg10[%dma_wait3A_449, %dma_wait3A_456, %dma_wait3A_457] : memref<8x32x128xf32, #tpu.memory_space<vmem>> -> memref<1x32x128xf32, #tpu.memory_space<vmem>>
      %dma_wait3A_459 = tpu.memref_squeeze %dma_wait3A_458 : memref<1x32x128xf32, #tpu.memory_space<vmem>> -> memref<32x128xf32, #tpu.memory_space<vmem>>
      %dma_wait3A_460 = arith.constant 0 : i32
      %dma_wait3A_461 = tpu.memref_slice %arg4[%dma_wait3A_460, %multiple_of3A_232] : memref<32x1000000xf32, #tpu.memory_space<hbm>> -> memref<32x128xf32, #tpu.memory_space<hbm>>
      tpu.wait_dma2 semaphore(%arg14 : memref<!tpu.dma_semaphore, #tpu.memory_space<semaphore_mem>>) src(%dma_wait3A_461 : memref<32x128xf32, #tpu.memory_space<hbm>>) dst(%dma_wait3A_459 : memref<32x128xf32, #tpu.memory_space<vmem>>)
      %dma_wait3A_462 = arith.constant 6 : i32
      %dma_wait3A_463 = arith.constant 0 : i32
      %dma_wait3A_464 = arith.constant 0 : i32
      %dma_wait3A_465 = tpu.memref_slice %arg11[%dma_wait3A_462, %dma_wait3A_463, %dma_wait3A_464] : memref<8x32x128xf32, #tpu.memory_space<vmem>> -> memref<1x32x128xf32, #tpu.memory_space<vmem>>
      %dma_wait3A_466 = tpu.memref_squeeze %dma_wait3A_465 : memref<1x32x128xf32, #tpu.memory_space<vmem>> -> memref<32x128xf32, #tpu.memory_space<vmem>>
      %dma_wait3A_467 = arith.constant 0 : i32
      %dma_wait3A_468 = tpu.memref_slice %arg5[%dma_wait3A_467, %multiple_of3A_248] : memref<32x1000000xf32, #tpu.memory_space<hbm>> -> memref<32x128xf32, #tpu.memory_space<hbm>>
      %dma_wait3A_469 = arith.constant 0 : i32
      %dma_wait3A_470 = arith.constant 0 : i32
      %dma_wait3A_471 = tpu.memref_slice %arg11[%dma_wait3A_462, %dma_wait3A_469, %dma_wait3A_470] : memref<8x32x128xf32, #tpu.memory_space<vmem>> -> memref<1x32x128xf32, #tpu.memory_space<vmem>>
      %dma_wait3A_472 = tpu.memref_squeeze %dma_wait3A_471 : memref<1x32x128xf32, #tpu.memory_space<vmem>> -> memref<32x128xf32, #tpu.memory_space<vmem>>
      %dma_wait3A_473 = arith.constant 0 : i32
      %dma_wait3A_474 = tpu.memref_slice %arg5[%dma_wait3A_473, %multiple_of3A_248] : memref<32x1000000xf32, #tpu.memory_space<hbm>> -> memref<32x128xf32, #tpu.memory_space<hbm>>
      tpu.wait_dma2 semaphore(%arg15 : memref<!tpu.dma_semaphore, #tpu.memory_space<semaphore_mem>>) src(%dma_wait3A_474 : memref<32x128xf32, #tpu.memory_space<hbm>>) dst(%dma_wait3A_472 : memref<32x128xf32, #tpu.memory_space<vmem>>)
      %dma_wait3A_475 = arith.constant 7 : i32
      %dma_wait3A_476 = arith.constant 0 : i32
      %dma_wait3A_477 = arith.constant 0 : i32
      %dma_wait3A_478 = tpu.memref_slice %arg10[%dma_wait3A_475, %dma_wait3A_476, %dma_wait3A_477] : memref<8x32x128xf32, #tpu.memory_space<vmem>> -> memref<1x32x128xf32, #tpu.memory_space<vmem>>
      %dma_wait3A_479 = tpu.memref_squeeze %dma_wait3A_478 : memref<1x32x128xf32, #tpu.memory_space<vmem>> -> memref<32x128xf32, #tpu.memory_space<vmem>>
      %dma_wait3A_480 = arith.constant 0 : i32
      %dma_wait3A_481 = tpu.memref_slice %arg4[%dma_wait3A_480, %multiple_of3A_264] : memref<32x1000000xf32, #tpu.memory_space<hbm>> -> memref<32x128xf32, #tpu.memory_space<hbm>>
      %dma_wait3A_482 = arith.constant 0 : i32
      %dma_wait3A_483 = arith.constant 0 : i32
      %dma_wait3A_484 = tpu.memref_slice %arg10[%dma_wait3A_475, %dma_wait3A_482, %dma_wait3A_483] : memref<8x32x128xf32, #tpu.memory_space<vmem>> -> memref<1x32x128xf32, #tpu.memory_space<vmem>>
      %dma_wait3A_485 = tpu.memref_squeeze %dma_wait3A_484 : memref<1x32x128xf32, #tpu.memory_space<vmem>> -> memref<32x128xf32, #tpu.memory_space<vmem>>
      %dma_wait3A_486 = arith.constant 0 : i32
      %dma_wait3A_487 = tpu.memref_slice %arg4[%dma_wait3A_486, %multiple_of3A_264] : memref<32x1000000xf32, #tpu.memory_space<hbm>> -> memref<32x128xf32, #tpu.memory_space<hbm>>
      tpu.wait_dma2 semaphore(%arg14 : memref<!tpu.dma_semaphore, #tpu.memory_space<semaphore_mem>>) src(%dma_wait3A_487 : memref<32x128xf32, #tpu.memory_space<hbm>>) dst(%dma_wait3A_485 : memref<32x128xf32, #tpu.memory_space<vmem>>)
      %dma_wait3A_488 = arith.constant 7 : i32
      %dma_wait3A_489 = arith.constant 0 : i32
      %dma_wait3A_490 = arith.constant 0 : i32
      %dma_wait3A_491 = tpu.memref_slice %arg11[%dma_wait3A_488, %dma_wait3A_489, %dma_wait3A_490] : memref<8x32x128xf32, #tpu.memory_space<vmem>> -> memref<1x32x128xf32, #tpu.memory_space<vmem>>
      %dma_wait3A_492 = tpu.memref_squeeze %dma_wait3A_491 : memref<1x32x128xf32, #tpu.memory_space<vmem>> -> memref<32x128xf32, #tpu.memory_space<vmem>>
      %dma_wait3A_493 = arith.constant 0 : i32
      %dma_wait3A_494 = tpu.memref_slice %arg5[%dma_wait3A_493, %multiple_of3A_280] : memref<32x1000000xf32, #tpu.memory_space<hbm>> -> memref<32x128xf32, #tpu.memory_space<hbm>>
      %dma_wait3A_495 = arith.constant 0 : i32
      %dma_wait3A_496 = arith.constant 0 : i32
      %dma_wait3A_497 = tpu.memref_slice %arg11[%dma_wait3A_488, %dma_wait3A_495, %dma_wait3A_496] : memref<8x32x128xf32, #tpu.memory_space<vmem>> -> memref<1x32x128xf32, #tpu.memory_space<vmem>>
      %dma_wait3A_498 = tpu.memref_squeeze %dma_wait3A_497 : memref<1x32x128xf32, #tpu.memory_space<vmem>> -> memref<32x128xf32, #tpu.memory_space<vmem>>
      %dma_wait3A_499 = arith.constant 0 : i32
      %dma_wait3A_500 = tpu.memref_slice %arg5[%dma_wait3A_499, %multiple_of3A_280] : memref<32x1000000xf32, #tpu.memory_space<hbm>> -> memref<32x128xf32, #tpu.memory_space<hbm>>
      tpu.wait_dma2 semaphore(%arg15 : memref<!tpu.dma_semaphore, #tpu.memory_space<semaphore_mem>>) src(%dma_wait3A_500 : memref<32x128xf32, #tpu.memory_space<hbm>>) dst(%dma_wait3A_498 : memref<32x128xf32, #tpu.memory_space<vmem>>)
      %broadcast_in_dim3A = arith.constant 0.000000e+00 : f32
      %broadcast_in_dim3A_501 = vector.broadcast %broadcast_in_dim3A : f32 to vector<16xf32>
      %broadcast_in_dim3A_502 = arith.constant 0.000000e+00 : f32
      %broadcast_in_dim3A_503 = vector.broadcast %broadcast_in_dim3A_502 : f32 to vector<16xf32>
      %broadcast_in_dim3A_504 = arith.constant 0.000000e+00 : f32
      %broadcast_in_dim3A_505 = vector.broadcast %broadcast_in_dim3A_504 : f32 to vector<16xf32>
      %broadcast_in_dim3A_506 = arith.constant 0.000000e+00 : f32
      %broadcast_in_dim3A_507 = vector.broadcast %broadcast_in_dim3A_506 : f32 to vector<16xf32>
      %broadcast_in_dim3A_508 = arith.constant 0 : i32
      %broadcast_in_dim3A_509 = vector.broadcast %broadcast_in_dim3A_508 : i32 to vector<16xi32>
      %gather3A = tpu.vector_load_idx %arg10[%and3A_6, %broadcast_in_dim3A_509, %and3A_38] : memref<8x32x128xf32, #tpu.memory_space<vmem>>[vector<16xi32>, vector<16xi32>, vector<16xi32>], vector<16xf32>,
      %gather3A_510 = tpu.vector_load_idx %arg11[%and3A_6, %broadcast_in_dim3A_509, %and3A_41] : memref<8x32x128xf32, #tpu.memory_space<vmem>>[vector<16xi32>, vector<16xi32>, vector<16xi32>], vector<16xf32>,
      %slice3A_511 = vector.extract_strided_slice %get3A_9 {offsets = [0], sizes = [1], strides = [1]} : vector<16xf32> to vector<1xf32>
      %squeeze3A_512 = vector.extract %slice3A_511[0] : f32 from vector<1xf32>
      %mul3A_513 = arith.mulf %gather3A, %gather3A_510 : vector<16xf32>
      %mul3A_514 = vector.broadcast %squeeze3A_512 : f32 to vector<16xf32>
      %mul3A_515 = arith.mulf %mul3A_513, %mul3A_514 : vector<16xf32>
      %add3A_516 = arith.addf %broadcast_in_dim3A_501, %mul3A_515 : vector<16xf32>
      %broadcast_in_dim3A_517 = arith.constant 1 : i32
      %broadcast_in_dim3A_518 = vector.broadcast %broadcast_in_dim3A_517 : i32 to vector<16xi32>
      %gather3A_519 = tpu.vector_load_idx %arg10[%and3A_6, %broadcast_in_dim3A_518, %and3A_38] : memref<8x32x128xf32, #tpu.memory_space<vmem>>[vector<16xi32>, vector<16xi32>, vector<16xi32>], vector<16xf32>,
      %gather3A_520 = tpu.vector_load_idx %arg11[%and3A_6, %broadcast_in_dim3A_518, %and3A_41] : memref<8x32x128xf32, #tpu.memory_space<vmem>>[vector<16xi32>, vector<16xi32>, vector<16xi32>], vector<16xf32>,
      %slice3A_521 = vector.extract_strided_slice %get3A_9 {offsets = [1], sizes = [1], strides = [1]} : vector<16xf32> to vector<1xf32>
      %squeeze3A_522 = vector.extract %slice3A_521[0] : f32 from vector<1xf32>
      %mul3A_523 = arith.mulf %gather3A_519, %gather3A_520 : vector<16xf32>
      %mul3A_524 = vector.broadcast %squeeze3A_522 : f32 to vector<16xf32>
      %mul3A_525 = arith.mulf %mul3A_523, %mul3A_524 : vector<16xf32>
      %add3A_526 = arith.addf %broadcast_in_dim3A_503, %mul3A_525 : vector<16xf32>
      %broadcast_in_dim3A_527 = arith.constant 2 : i32
      %broadcast_in_dim3A_528 = vector.broadcast %broadcast_in_dim3A_527 : i32 to vector<16xi32>
      %gather3A_529 = tpu.vector_load_idx %arg10[%and3A_6, %broadcast_in_dim3A_528, %and3A_38] : memref<8x32x128xf32, #tpu.memory_space<vmem>>[vector<16xi32>, vector<16xi32>, vector<16xi32>], vector<16xf32>,
      %gather3A_530 = tpu.vector_load_idx %arg11[%and3A_6, %broadcast_in_dim3A_528, %and3A_41] : memref<8x32x128xf32, #tpu.memory_space<vmem>>[vector<16xi32>, vector<16xi32>, vector<16xi32>], vector<16xf32>,
      %slice3A_531 = vector.extract_strided_slice %get3A_9 {offsets = [2], sizes = [1], strides = [1]} : vector<16xf32> to vector<1xf32>
      %squeeze3A_532 = vector.extract %slice3A_531[0] : f32 from vector<1xf32>
      %mul3A_533 = arith.mulf %gather3A_529, %gather3A_530 : vector<16xf32>
      %mul3A_534 = vector.broadcast %squeeze3A_532 : f32 to vector<16xf32>
      %mul3A_535 = arith.mulf %mul3A_533, %mul3A_534 : vector<16xf32>
      %add3A_536 = arith.addf %broadcast_in_dim3A_505, %mul3A_535 : vector<16xf32>
      %broadcast_in_dim3A_537 = arith.constant 3 : i32
      %broadcast_in_dim3A_538 = vector.broadcast %broadcast_in_dim3A_537 : i32 to vector<16xi32>
      %gather3A_539 = tpu.vector_load_idx %arg10[%and3A_6, %broadcast_in_dim3A_538, %and3A_38] : memref<8x32x128xf32, #tpu.memory_space<vmem>>[vector<16xi32>, vector<16xi32>, vector<16xi32>], vector<16xf32>,
      %gather3A_540 = tpu.vector_load_idx %arg11[%and3A_6, %broadcast_in_dim3A_538, %and3A_41] : memref<8x32x128xf32, #tpu.memory_space<vmem>>[vector<16xi32>, vector<16xi32>, vector<16xi32>], vector<16xf32>,
      %slice3A_541 = vector.extract_strided_slice %get3A_9 {offsets = [3], sizes = [1], strides = [1]} : vector<16xf32> to vector<1xf32>
      %squeeze3A_542 = vector.extract %slice3A_541[0] : f32 from vector<1xf32>
      %mul3A_543 = arith.mulf %gather3A_539, %gather3A_540 : vector<16xf32>
      %mul3A_544 = vector.broadcast %squeeze3A_542 : f32 to vector<16xf32>
      %mul3A_545 = arith.mulf %mul3A_543, %mul3A_544 : vector<16xf32>
      %add3A_546 = arith.addf %broadcast_in_dim3A_507, %mul3A_545 : vector<16xf32>
      %broadcast_in_dim3A_547 = arith.constant 4 : i32
      %broadcast_in_dim3A_548 = vector.broadcast %broadcast_in_dim3A_547 : i32 to vector<16xi32>
      %gather3A_549 = tpu.vector_load_idx %arg10[%and3A_6, %broadcast_in_dim3A_548, %and3A_38] : memref<8x32x128xf32, #tpu.memory_space<vmem>>[vector<16xi32>, vector<16xi32>, vector<16xi32>], vector<16xf32>,
      %gather3A_550 = tpu.vector_load_idx %arg11[%and3A_6, %broadcast_in_dim3A_548, %and3A_41] : memref<8x32x128xf32, #tpu.memory_space<vmem>>[vector<16xi32>, vector<16xi32>, vector<16xi32>], vector<16xf32>,
      %slice3A_551 = vector.extract_strided_slice %get3A_9 {offsets = [4], sizes = [1], strides = [1]} : vector<16xf32> to vector<1xf32>
      %squeeze3A_552 = vector.extract %slice3A_551[0] : f32 from vector<1xf32>
      %mul3A_553 = arith.mulf %gather3A_549, %gather3A_550 : vector<16xf32>
      %mul3A_554 = vector.broadcast %squeeze3A_552 : f32 to vector<16xf32>
      %mul3A_555 = arith.mulf %mul3A_553, %mul3A_554 : vector<16xf32>
      %add3A_556 = arith.addf %add3A_516, %mul3A_555 : vector<16xf32>
      %broadcast_in_dim3A_557 = arith.constant 5 : i32
      %broadcast_in_dim3A_558 = vector.broadcast %broadcast_in_dim3A_557 : i32 to vector<16xi32>
      %gather3A_559 = tpu.vector_load_idx %arg10[%and3A_6, %broadcast_in_dim3A_558, %and3A_38] : memref<8x32x128xf32, #tpu.memory_space<vmem>>[vector<16xi32>, vector<16xi32>, vector<16xi32>], vector<16xf32>,
      %gather3A_560 = tpu.vector_load_idx %arg11[%and3A_6, %broadcast_in_dim3A_558, %and3A_41] : memref<8x32x128xf32, #tpu.memory_space<vmem>>[vector<16xi32>, vector<16xi32>, vector<16xi32>], vector<16xf32>,
      %slice3A_561 = vector.extract_strided_slice %get3A_9 {offsets = [5], sizes = [1], strides = [1]} : vector<16xf32> to vector<1xf32>
      %squeeze3A_562 = vector.extract %slice3A_561[0] : f32 from vector<1xf32>
      %mul3A_563 = arith.mulf %gather3A_559, %gather3A_560 : vector<16xf32>
      %mul3A_564 = vector.broadcast %squeeze3A_562 : f32 to vector<16xf32>
      %mul3A_565 = arith.mulf %mul3A_563, %mul3A_564 : vector<16xf32>
      %add3A_566 = arith.addf %add3A_526, %mul3A_565 : vector<16xf32>
      %broadcast_in_dim3A_567 = arith.constant 6 : i32
      %broadcast_in_dim3A_568 = vector.broadcast %broadcast_in_dim3A_567 : i32 to vector<16xi32>
      %gather3A_569 = tpu.vector_load_idx %arg10[%and3A_6, %broadcast_in_dim3A_568, %and3A_38] : memref<8x32x128xf32, #tpu.memory_space<vmem>>[vector<16xi32>, vector<16xi32>, vector<16xi32>], vector<16xf32>,
      %gather3A_570 = tpu.vector_load_idx %arg11[%and3A_6, %broadcast_in_dim3A_568, %and3A_41] : memref<8x32x128xf32, #tpu.memory_space<vmem>>[vector<16xi32>, vector<16xi32>, vector<16xi32>], vector<16xf32>,
      %slice3A_571 = vector.extract_strided_slice %get3A_9 {offsets = [6], sizes = [1], strides = [1]} : vector<16xf32> to vector<1xf32>
      %squeeze3A_572 = vector.extract %slice3A_571[0] : f32 from vector<1xf32>
      %mul3A_573 = arith.mulf %gather3A_569, %gather3A_570 : vector<16xf32>
      %mul3A_574 = vector.broadcast %squeeze3A_572 : f32 to vector<16xf32>
      %mul3A_575 = arith.mulf %mul3A_573, %mul3A_574 : vector<16xf32>
      %add3A_576 = arith.addf %add3A_536, %mul3A_575 : vector<16xf32>
      %broadcast_in_dim3A_577 = arith.constant 7 : i32
      %broadcast_in_dim3A_578 = vector.broadcast %broadcast_in_dim3A_577 : i32 to vector<16xi32>
      %gather3A_579 = tpu.vector_load_idx %arg10[%and3A_6, %broadcast_in_dim3A_578, %and3A_38] : memref<8x32x128xf32, #tpu.memory_space<vmem>>[vector<16xi32>, vector<16xi32>, vector<16xi32>], vector<16xf32>,
      %gather3A_580 = tpu.vector_load_idx %arg11[%and3A_6, %broadcast_in_dim3A_578, %and3A_41] : memref<8x32x128xf32, #tpu.memory_space<vmem>>[vector<16xi32>, vector<16xi32>, vector<16xi32>], vector<16xf32>,
      %slice3A_581 = vector.extract_strided_slice %get3A_9 {offsets = [7], sizes = [1], strides = [1]} : vector<16xf32> to vector<1xf32>
      %squeeze3A_582 = vector.extract %slice3A_581[0] : f32 from vector<1xf32>
      %mul3A_583 = arith.mulf %gather3A_579, %gather3A_580 : vector<16xf32>
      %mul3A_584 = vector.broadcast %squeeze3A_582 : f32 to vector<16xf32>
      %mul3A_585 = arith.mulf %mul3A_583, %mul3A_584 : vector<16xf32>
      %add3A_586 = arith.addf %add3A_546, %mul3A_585 : vector<16xf32>
      %broadcast_in_dim3A_587 = arith.constant 8 : i32
      %broadcast_in_dim3A_588 = vector.broadcast %broadcast_in_dim3A_587 : i32 to vector<16xi32>
      %gather3A_589 = tpu.vector_load_idx %arg10[%and3A_6, %broadcast_in_dim3A_588, %and3A_38] : memref<8x32x128xf32, #tpu.memory_space<vmem>>[vector<16xi32>, vector<16xi32>, vector<16xi32>], vector<16xf32>,
      %gather3A_590 = tpu.vector_load_idx %arg11[%and3A_6, %broadcast_in_dim3A_588, %and3A_41] : memref<8x32x128xf32, #tpu.memory_space<vmem>>[vector<16xi32>, vector<16xi32>, vector<16xi32>], vector<16xf32>,
      %slice3A_591 = vector.extract_strided_slice %get3A_9 {offsets = [8], sizes = [1], strides = [1]} : vector<16xf32> to vector<1xf32>
      %squeeze3A_592 = vector.extract %slice3A_591[0] : f32 from vector<1xf32>
      %mul3A_593 = arith.mulf %gather3A_589, %gather3A_590 : vector<16xf32>
      %mul3A_594 = vector.broadcast %squeeze3A_592 : f32 to vector<16xf32>
      %mul3A_595 = arith.mulf %mul3A_593, %mul3A_594 : vector<16xf32>
      %add3A_596 = arith.addf %add3A_556, %mul3A_595 : vector<16xf32>
      %broadcast_in_dim3A_597 = arith.constant 9 : i32
      %broadcast_in_dim3A_598 = vector.broadcast %broadcast_in_dim3A_597 : i32 to vector<16xi32>
      %gather3A_599 = tpu.vector_load_idx %arg10[%and3A_6, %broadcast_in_dim3A_598, %and3A_38] : memref<8x32x128xf32, #tpu.memory_space<vmem>>[vector<16xi32>, vector<16xi32>, vector<16xi32>], vector<16xf32>,
      %gather3A_600 = tpu.vector_load_idx %arg11[%and3A_6, %broadcast_in_dim3A_598, %and3A_41] : memref<8x32x128xf32, #tpu.memory_space<vmem>>[vector<16xi32>, vector<16xi32>, vector<16xi32>], vector<16xf32>,
      %slice3A_601 = vector.extract_strided_slice %get3A_9 {offsets = [9], sizes = [1], strides = [1]} : vector<16xf32> to vector<1xf32>
      %squeeze3A_602 = vector.extract %slice3A_601[0] : f32 from vector<1xf32>
      %mul3A_603 = arith.mulf %gather3A_599, %gather3A_600 : vector<16xf32>
      %mul3A_604 = vector.broadcast %squeeze3A_602 : f32 to vector<16xf32>
      %mul3A_605 = arith.mulf %mul3A_603, %mul3A_604 : vector<16xf32>
      %add3A_606 = arith.addf %add3A_566, %mul3A_605 : vector<16xf32>
      %broadcast_in_dim3A_607 = arith.constant 10 : i32
      %broadcast_in_dim3A_608 = vector.broadcast %broadcast_in_dim3A_607 : i32 to vector<16xi32>
      %gather3A_609 = tpu.vector_load_idx %arg10[%and3A_6, %broadcast_in_dim3A_608, %and3A_38] : memref<8x32x128xf32, #tpu.memory_space<vmem>>[vector<16xi32>, vector<16xi32>, vector<16xi32>], vector<16xf32>,
      %gather3A_610 = tpu.vector_load_idx %arg11[%and3A_6, %broadcast_in_dim3A_608, %and3A_41] : memref<8x32x128xf32, #tpu.memory_space<vmem>>[vector<16xi32>, vector<16xi32>, vector<16xi32>], vector<16xf32>,
      %slice3A_611 = vector.extract_strided_slice %get3A_9 {offsets = [10], sizes = [1], strides = [1]} : vector<16xf32> to vector<1xf32>
      %squeeze3A_612 = vector.extract %slice3A_611[0] : f32 from vector<1xf32>
      %mul3A_613 = arith.mulf %gather3A_609, %gather3A_610 : vector<16xf32>
      %mul3A_614 = vector.broadcast %squeeze3A_612 : f32 to vector<16xf32>
      %mul3A_615 = arith.mulf %mul3A_613, %mul3A_614 : vector<16xf32>
      %add3A_616 = arith.addf %add3A_576, %mul3A_615 : vector<16xf32>
      %broadcast_in_dim3A_617 = arith.constant 11 : i32
      %broadcast_in_dim3A_618 = vector.broadcast %broadcast_in_dim3A_617 : i32 to vector<16xi32>
      %gather3A_619 = tpu.vector_load_idx %arg10[%and3A_6, %broadcast_in_dim3A_618, %and3A_38] : memref<8x32x128xf32, #tpu.memory_space<vmem>>[vector<16xi32>, vector<16xi32>, vector<16xi32>], vector<16xf32>,
      %gather3A_620 = tpu.vector_load_idx %arg11[%and3A_6, %broadcast_in_dim3A_618, %and3A_41] : memref<8x32x128xf32, #tpu.memory_space<vmem>>[vector<16xi32>, vector<16xi32>, vector<16xi32>], vector<16xf32>,
      %slice3A_621 = vector.extract_strided_slice %get3A_9 {offsets = [11], sizes = [1], strides = [1]} : vector<16xf32> to vector<1xf32>
      %squeeze3A_622 = vector.extract %slice3A_621[0] : f32 from vector<1xf32>
      %mul3A_623 = arith.mulf %gather3A_619, %gather3A_620 : vector<16xf32>
      %mul3A_624 = vector.broadcast %squeeze3A_622 : f32 to vector<16xf32>
      %mul3A_625 = arith.mulf %mul3A_623, %mul3A_624 : vector<16xf32>
      %add3A_626 = arith.addf %add3A_586, %mul3A_625 : vector<16xf32>
      %broadcast_in_dim3A_627 = arith.constant 12 : i32
      %broadcast_in_dim3A_628 = vector.broadcast %broadcast_in_dim3A_627 : i32 to vector<16xi32>
      %gather3A_629 = tpu.vector_load_idx %arg10[%and3A_6, %broadcast_in_dim3A_628, %and3A_38] : memref<8x32x128xf32, #tpu.memory_space<vmem>>[vector<16xi32>, vector<16xi32>, vector<16xi32>], vector<16xf32>,
      %gather3A_630 = tpu.vector_load_idx %arg11[%and3A_6, %broadcast_in_dim3A_628, %and3A_41] : memref<8x32x128xf32, #tpu.memory_space<vmem>>[vector<16xi32>, vector<16xi32>, vector<16xi32>], vector<16xf32>,
      %slice3A_631 = vector.extract_strided_slice %get3A_9 {offsets = [12], sizes = [1], strides = [1]} : vector<16xf32> to vector<1xf32>
      %squeeze3A_632 = vector.extract %slice3A_631[0] : f32 from vector<1xf32>
      %mul3A_633 = arith.mulf %gather3A_629, %gather3A_630 : vector<16xf32>
      %mul3A_634 = vector.broadcast %squeeze3A_632 : f32 to vector<16xf32>
      %mul3A_635 = arith.mulf %mul3A_633, %mul3A_634 : vector<16xf32>
      %add3A_636 = arith.addf %add3A_596, %mul3A_635 : vector<16xf32>
      %broadcast_in_dim3A_637 = arith.constant 13 : i32
      %broadcast_in_dim3A_638 = vector.broadcast %broadcast_in_dim3A_637 : i32 to vector<16xi32>
      %gather3A_639 = tpu.vector_load_idx %arg10[%and3A_6, %broadcast_in_dim3A_638, %and3A_38] : memref<8x32x128xf32, #tpu.memory_space<vmem>>[vector<16xi32>, vector<16xi32>, vector<16xi32>], vector<16xf32>,
      %gather3A_640 = tpu.vector_load_idx %arg11[%and3A_6, %broadcast_in_dim3A_638, %and3A_41] : memref<8x32x128xf32, #tpu.memory_space<vmem>>[vector<16xi32>, vector<16xi32>, vector<16xi32>], vector<16xf32>,
      %slice3A_641 = vector.extract_strided_slice %get3A_9 {offsets = [13], sizes = [1], strides = [1]} : vector<16xf32> to vector<1xf32>
      %squeeze3A_642 = vector.extract %slice3A_641[0] : f32 from vector<1xf32>
      %mul3A_643 = arith.mulf %gather3A_639, %gather3A_640 : vector<16xf32>
      %mul3A_644 = vector.broadcast %squeeze3A_642 : f32 to vector<16xf32>
      %mul3A_645 = arith.mulf %mul3A_643, %mul3A_644 : vector<16xf32>
      %add3A_646 = arith.addf %add3A_606, %mul3A_645 : vector<16xf32>
      %broadcast_in_dim3A_647 = arith.constant 14 : i32
      %broadcast_in_dim3A_648 = vector.broadcast %broadcast_in_dim3A_647 : i32 to vector<16xi32>
      %gather3A_649 = tpu.vector_load_idx %arg10[%and3A_6, %broadcast_in_dim3A_648, %and3A_38] : memref<8x32x128xf32, #tpu.memory_space<vmem>>[vector<16xi32>, vector<16xi32>, vector<16xi32>], vector<16xf32>,
      %gather3A_650 = tpu.vector_load_idx %arg11[%and3A_6, %broadcast_in_dim3A_648, %and3A_41] : memref<8x32x128xf32, #tpu.memory_space<vmem>>[vector<16xi32>, vector<16xi32>, vector<16xi32>], vector<16xf32>,
      %slice3A_651 = vector.extract_strided_slice %get3A_9 {offsets = [14], sizes = [1], strides = [1]} : vector<16xf32> to vector<1xf32>
      %squeeze3A_652 = vector.extract %slice3A_651[0] : f32 from vector<1xf32>
      %mul3A_653 = arith.mulf %gather3A_649, %gather3A_650 : vector<16xf32>
      %mul3A_654 = vector.broadcast %squeeze3A_652 : f32 to vector<16xf32>
      %mul3A_655 = arith.mulf %mul3A_653, %mul3A_654 : vector<16xf32>
      %add3A_656 = arith.addf %add3A_616, %mul3A_655 : vector<16xf32>
      %broadcast_in_dim3A_657 = arith.constant 15 : i32
      %broadcast_in_dim3A_658 = vector.broadcast %broadcast_in_dim3A_657 : i32 to vector<16xi32>
      %gather3A_659 = tpu.vector_load_idx %arg10[%and3A_6, %broadcast_in_dim3A_658, %and3A_38] : memref<8x32x128xf32, #tpu.memory_space<vmem>>[vector<16xi32>, vector<16xi32>, vector<16xi32>], vector<16xf32>,
      %gather3A_660 = tpu.vector_load_idx %arg11[%and3A_6, %broadcast_in_dim3A_658, %and3A_41] : memref<8x32x128xf32, #tpu.memory_space<vmem>>[vector<16xi32>, vector<16xi32>, vector<16xi32>], vector<16xf32>,
      %slice3A_661 = vector.extract_strided_slice %get3A_9 {offsets = [15], sizes = [1], strides = [1]} : vector<16xf32> to vector<1xf32>
      %squeeze3A_662 = vector.extract %slice3A_661[0] : f32 from vector<1xf32>
      %mul3A_663 = arith.mulf %gather3A_659, %gather3A_660 : vector<16xf32>
      %mul3A_664 = vector.broadcast %squeeze3A_662 : f32 to vector<16xf32>
      %mul3A_665 = arith.mulf %mul3A_663, %mul3A_664 : vector<16xf32>
      %add3A_666 = arith.addf %add3A_626, %mul3A_665 : vector<16xf32>
      %broadcast_in_dim3A_667 = arith.constant 16 : i32
      %broadcast_in_dim3A_668 = vector.broadcast %broadcast_in_dim3A_667 : i32 to vector<16xi32>
      %gather3A_669 = tpu.vector_load_idx %arg10[%and3A_6, %broadcast_in_dim3A_668, %and3A_38] : memref<8x32x128xf32, #tpu.memory_space<vmem>>[vector<16xi32>, vector<16xi32>, vector<16xi32>], vector<16xf32>,
      %gather3A_670 = tpu.vector_load_idx %arg11[%and3A_6, %broadcast_in_dim3A_668, %and3A_41] : memref<8x32x128xf32, #tpu.memory_space<vmem>>[vector<16xi32>, vector<16xi32>, vector<16xi32>], vector<16xf32>,
      %slice3A_671 = vector.extract_strided_slice %get3A_11 {offsets = [0], sizes = [1], strides = [1]} : vector<16xf32> to vector<1xf32>
      %squeeze3A_672 = vector.extract %slice3A_671[0] : f32 from vector<1xf32>
      %mul3A_673 = arith.mulf %gather3A_669, %gather3A_670 : vector<16xf32>
      %mul3A_674 = vector.broadcast %squeeze3A_672 : f32 to vector<16xf32>
      %mul3A_675 = arith.mulf %mul3A_673, %mul3A_674 : vector<16xf32>
      %add3A_676 = arith.addf %add3A_636, %mul3A_675 : vector<16xf32>
      %broadcast_in_dim3A_677 = arith.constant 17 : i32
      %broadcast_in_dim3A_678 = vector.broadcast %broadcast_in_dim3A_677 : i32 to vector<16xi32>
      %gather3A_679 = tpu.vector_load_idx %arg10[%and3A_6, %broadcast_in_dim3A_678, %and3A_38] : memref<8x32x128xf32, #tpu.memory_space<vmem>>[vector<16xi32>, vector<16xi32>, vector<16xi32>], vector<16xf32>,
      %gather3A_680 = tpu.vector_load_idx %arg11[%and3A_6, %broadcast_in_dim3A_678, %and3A_41] : memref<8x32x128xf32, #tpu.memory_space<vmem>>[vector<16xi32>, vector<16xi32>, vector<16xi32>], vector<16xf32>,
      %slice3A_681 = vector.extract_strided_slice %get3A_11 {offsets = [1], sizes = [1], strides = [1]} : vector<16xf32> to vector<1xf32>
      %squeeze3A_682 = vector.extract %slice3A_681[0] : f32 from vector<1xf32>
      %mul3A_683 = arith.mulf %gather3A_679, %gather3A_680 : vector<16xf32>
      %mul3A_684 = vector.broadcast %squeeze3A_682 : f32 to vector<16xf32>
      %mul3A_685 = arith.mulf %mul3A_683, %mul3A_684 : vector<16xf32>
      %add3A_686 = arith.addf %add3A_646, %mul3A_685 : vector<16xf32>
      %broadcast_in_dim3A_687 = arith.constant 18 : i32
      %broadcast_in_dim3A_688 = vector.broadcast %broadcast_in_dim3A_687 : i32 to vector<16xi32>
      %gather3A_689 = tpu.vector_load_idx %arg10[%and3A_6, %broadcast_in_dim3A_688, %and3A_38] : memref<8x32x128xf32, #tpu.memory_space<vmem>>[vector<16xi32>, vector<16xi32>, vector<16xi32>], vector<16xf32>,
      %gather3A_690 = tpu.vector_load_idx %arg11[%and3A_6, %broadcast_in_dim3A_688, %and3A_41] : memref<8x32x128xf32, #tpu.memory_space<vmem>>[vector<16xi32>, vector<16xi32>, vector<16xi32>], vector<16xf32>,
      %slice3A_691 = vector.extract_strided_slice %get3A_11 {offsets = [2], sizes = [1], strides = [1]} : vector<16xf32> to vector<1xf32>
      %squeeze3A_692 = vector.extract %slice3A_691[0] : f32 from vector<1xf32>
      %mul3A_693 = arith.mulf %gather3A_689, %gather3A_690 : vector<16xf32>
      %mul3A_694 = vector.broadcast %squeeze3A_692 : f32 to vector<16xf32>
      %mul3A_695 = arith.mulf %mul3A_693, %mul3A_694 : vector<16xf32>
      %add3A_696 = arith.addf %add3A_656, %mul3A_695 : vector<16xf32>
      %broadcast_in_dim3A_697 = arith.constant 19 : i32
      %broadcast_in_dim3A_698 = vector.broadcast %broadcast_in_dim3A_697 : i32 to vector<16xi32>
      %gather3A_699 = tpu.vector_load_idx %arg10[%and3A_6, %broadcast_in_dim3A_698, %and3A_38] : memref<8x32x128xf32, #tpu.memory_space<vmem>>[vector<16xi32>, vector<16xi32>, vector<16xi32>], vector<16xf32>,
      %gather3A_700 = tpu.vector_load_idx %arg11[%and3A_6, %broadcast_in_dim3A_698, %and3A_41] : memref<8x32x128xf32, #tpu.memory_space<vmem>>[vector<16xi32>, vector<16xi32>, vector<16xi32>], vector<16xf32>,
      %slice3A_701 = vector.extract_strided_slice %get3A_11 {offsets = [3], sizes = [1], strides = [1]} : vector<16xf32> to vector<1xf32>
      %squeeze3A_702 = vector.extract %slice3A_701[0] : f32 from vector<1xf32>
      %mul3A_703 = arith.mulf %gather3A_699, %gather3A_700 : vector<16xf32>
      %mul3A_704 = vector.broadcast %squeeze3A_702 : f32 to vector<16xf32>
      %mul3A_705 = arith.mulf %mul3A_703, %mul3A_704 : vector<16xf32>
      %add3A_706 = arith.addf %add3A_666, %mul3A_705 : vector<16xf32>
      %broadcast_in_dim3A_707 = arith.constant 20 : i32
      %broadcast_in_dim3A_708 = vector.broadcast %broadcast_in_dim3A_707 : i32 to vector<16xi32>
      %gather3A_709 = tpu.vector_load_idx %arg10[%and3A_6, %broadcast_in_dim3A_708, %and3A_38] : memref<8x32x128xf32, #tpu.memory_space<vmem>>[vector<16xi32>, vector<16xi32>, vector<16xi32>], vector<16xf32>,
      %gather3A_710 = tpu.vector_load_idx %arg11[%and3A_6, %broadcast_in_dim3A_708, %and3A_41] : memref<8x32x128xf32, #tpu.memory_space<vmem>>[vector<16xi32>, vector<16xi32>, vector<16xi32>], vector<16xf32>,
      %slice3A_711 = vector.extract_strided_slice %get3A_11 {offsets = [4], sizes = [1], strides = [1]} : vector<16xf32> to vector<1xf32>
      %squeeze3A_712 = vector.extract %slice3A_711[0] : f32 from vector<1xf32>
      %mul3A_713 = arith.mulf %gather3A_709, %gather3A_710 : vector<16xf32>
      %mul3A_714 = vector.broadcast %squeeze3A_712 : f32 to vector<16xf32>
      %mul3A_715 = arith.mulf %mul3A_713, %mul3A_714 : vector<16xf32>
      %add3A_716 = arith.addf %add3A_676, %mul3A_715 : vector<16xf32>
      %broadcast_in_dim3A_717 = arith.constant 21 : i32
      %broadcast_in_dim3A_718 = vector.broadcast %broadcast_in_dim3A_717 : i32 to vector<16xi32>
      %gather3A_719 = tpu.vector_load_idx %arg10[%and3A_6, %broadcast_in_dim3A_718, %and3A_38] : memref<8x32x128xf32, #tpu.memory_space<vmem>>[vector<16xi32>, vector<16xi32>, vector<16xi32>], vector<16xf32>,
      %gather3A_720 = tpu.vector_load_idx %arg11[%and3A_6, %broadcast_in_dim3A_718, %and3A_41] : memref<8x32x128xf32, #tpu.memory_space<vmem>>[vector<16xi32>, vector<16xi32>, vector<16xi32>], vector<16xf32>,
      %slice3A_721 = vector.extract_strided_slice %get3A_11 {offsets = [5], sizes = [1], strides = [1]} : vector<16xf32> to vector<1xf32>
      %squeeze3A_722 = vector.extract %slice3A_721[0] : f32 from vector<1xf32>
      %mul3A_723 = arith.mulf %gather3A_719, %gather3A_720 : vector<16xf32>
      %mul3A_724 = vector.broadcast %squeeze3A_722 : f32 to vector<16xf32>
      %mul3A_725 = arith.mulf %mul3A_723, %mul3A_724 : vector<16xf32>
      %add3A_726 = arith.addf %add3A_686, %mul3A_725 : vector<16xf32>
      %broadcast_in_dim3A_727 = arith.constant 22 : i32
      %broadcast_in_dim3A_728 = vector.broadcast %broadcast_in_dim3A_727 : i32 to vector<16xi32>
      %gather3A_729 = tpu.vector_load_idx %arg10[%and3A_6, %broadcast_in_dim3A_728, %and3A_38] : memref<8x32x128xf32, #tpu.memory_space<vmem>>[vector<16xi32>, vector<16xi32>, vector<16xi32>], vector<16xf32>,
      %gather3A_730 = tpu.vector_load_idx %arg11[%and3A_6, %broadcast_in_dim3A_728, %and3A_41] : memref<8x32x128xf32, #tpu.memory_space<vmem>>[vector<16xi32>, vector<16xi32>, vector<16xi32>], vector<16xf32>,
      %slice3A_731 = vector.extract_strided_slice %get3A_11 {offsets = [6], sizes = [1], strides = [1]} : vector<16xf32> to vector<1xf32>
      %squeeze3A_732 = vector.extract %slice3A_731[0] : f32 from vector<1xf32>
      %mul3A_733 = arith.mulf %gather3A_729, %gather3A_730 : vector<16xf32>
      %mul3A_734 = vector.broadcast %squeeze3A_732 : f32 to vector<16xf32>
      %mul3A_735 = arith.mulf %mul3A_733, %mul3A_734 : vector<16xf32>
      %add3A_736 = arith.addf %add3A_696, %mul3A_735 : vector<16xf32>
      %broadcast_in_dim3A_737 = arith.constant 23 : i32
      %broadcast_in_dim3A_738 = vector.broadcast %broadcast_in_dim3A_737 : i32 to vector<16xi32>
      %gather3A_739 = tpu.vector_load_idx %arg10[%and3A_6, %broadcast_in_dim3A_738, %and3A_38] : memref<8x32x128xf32, #tpu.memory_space<vmem>>[vector<16xi32>, vector<16xi32>, vector<16xi32>], vector<16xf32>,
      %gather3A_740 = tpu.vector_load_idx %arg11[%and3A_6, %broadcast_in_dim3A_738, %and3A_41] : memref<8x32x128xf32, #tpu.memory_space<vmem>>[vector<16xi32>, vector<16xi32>, vector<16xi32>], vector<16xf32>,
      %slice3A_741 = vector.extract_strided_slice %get3A_11 {offsets = [7], sizes = [1], strides = [1]} : vector<16xf32> to vector<1xf32>
      %squeeze3A_742 = vector.extract %slice3A_741[0] : f32 from vector<1xf32>
      %mul3A_743 = arith.mulf %gather3A_739, %gather3A_740 : vector<16xf32>
      %mul3A_744 = vector.broadcast %squeeze3A_742 : f32 to vector<16xf32>
      %mul3A_745 = arith.mulf %mul3A_743, %mul3A_744 : vector<16xf32>
      %add3A_746 = arith.addf %add3A_706, %mul3A_745 : vector<16xf32>
      %broadcast_in_dim3A_747 = arith.constant 24 : i32
      %broadcast_in_dim3A_748 = vector.broadcast %broadcast_in_dim3A_747 : i32 to vector<16xi32>
      %gather3A_749 = tpu.vector_load_idx %arg10[%and3A_6, %broadcast_in_dim3A_748, %and3A_38] : memref<8x32x128xf32, #tpu.memory_space<vmem>>[vector<16xi32>, vector<16xi32>, vector<16xi32>], vector<16xf32>,
      %gather3A_750 = tpu.vector_load_idx %arg11[%and3A_6, %broadcast_in_dim3A_748, %and3A_41] : memref<8x32x128xf32, #tpu.memory_space<vmem>>[vector<16xi32>, vector<16xi32>, vector<16xi32>], vector<16xf32>,
      %slice3A_751 = vector.extract_strided_slice %get3A_11 {offsets = [8], sizes = [1], strides = [1]} : vector<16xf32> to vector<1xf32>
      %squeeze3A_752 = vector.extract %slice3A_751[0] : f32 from vector<1xf32>
      %mul3A_753 = arith.mulf %gather3A_749, %gather3A_750 : vector<16xf32>
      %mul3A_754 = vector.broadcast %squeeze3A_752 : f32 to vector<16xf32>
      %mul3A_755 = arith.mulf %mul3A_753, %mul3A_754 : vector<16xf32>
      %add3A_756 = arith.addf %add3A_716, %mul3A_755 : vector<16xf32>
      %broadcast_in_dim3A_757 = arith.constant 25 : i32
      %broadcast_in_dim3A_758 = vector.broadcast %broadcast_in_dim3A_757 : i32 to vector<16xi32>
      %gather3A_759 = tpu.vector_load_idx %arg10[%and3A_6, %broadcast_in_dim3A_758, %and3A_38] : memref<8x32x128xf32, #tpu.memory_space<vmem>>[vector<16xi32>, vector<16xi32>, vector<16xi32>], vector<16xf32>,
      %gather3A_760 = tpu.vector_load_idx %arg11[%and3A_6, %broadcast_in_dim3A_758, %and3A_41] : memref<8x32x128xf32, #tpu.memory_space<vmem>>[vector<16xi32>, vector<16xi32>, vector<16xi32>], vector<16xf32>,
      %slice3A_761 = vector.extract_strided_slice %get3A_11 {offsets = [9], sizes = [1], strides = [1]} : vector<16xf32> to vector<1xf32>
      %squeeze3A_762 = vector.extract %slice3A_761[0] : f32 from vector<1xf32>
      %mul3A_763 = arith.mulf %gather3A_759, %gather3A_760 : vector<16xf32>
      %mul3A_764 = vector.broadcast %squeeze3A_762 : f32 to vector<16xf32>
      %mul3A_765 = arith.mulf %mul3A_763, %mul3A_764 : vector<16xf32>
      %add3A_766 = arith.addf %add3A_726, %mul3A_765 : vector<16xf32>
      %broadcast_in_dim3A_767 = arith.constant 26 : i32
      %broadcast_in_dim3A_768 = vector.broadcast %broadcast_in_dim3A_767 : i32 to vector<16xi32>
      %gather3A_769 = tpu.vector_load_idx %arg10[%and3A_6, %broadcast_in_dim3A_768, %and3A_38] : memref<8x32x128xf32, #tpu.memory_space<vmem>>[vector<16xi32>, vector<16xi32>, vector<16xi32>], vector<16xf32>,
      %gather3A_770 = tpu.vector_load_idx %arg11[%and3A_6, %broadcast_in_dim3A_768, %and3A_41] : memref<8x32x128xf32, #tpu.memory_space<vmem>>[vector<16xi32>, vector<16xi32>, vector<16xi32>], vector<16xf32>,
      %slice3A_771 = vector.extract_strided_slice %get3A_11 {offsets = [10], sizes = [1], strides = [1]} : vector<16xf32> to vector<1xf32>
      %squeeze3A_772 = vector.extract %slice3A_771[0] : f32 from vector<1xf32>
      %mul3A_773 = arith.mulf %gather3A_769, %gather3A_770 : vector<16xf32>
      %mul3A_774 = vector.broadcast %squeeze3A_772 : f32 to vector<16xf32>
      %mul3A_775 = arith.mulf %mul3A_773, %mul3A_774 : vector<16xf32>
      %add3A_776 = arith.addf %add3A_736, %mul3A_775 : vector<16xf32>
      %broadcast_in_dim3A_777 = arith.constant 27 : i32
      %broadcast_in_dim3A_778 = vector.broadcast %broadcast_in_dim3A_777 : i32 to vector<16xi32>
      %gather3A_779 = tpu.vector_load_idx %arg10[%and3A_6, %broadcast_in_dim3A_778, %and3A_38] : memref<8x32x128xf32, #tpu.memory_space<vmem>>[vector<16xi32>, vector<16xi32>, vector<16xi32>], vector<16xf32>,
      %gather3A_780 = tpu.vector_load_idx %arg11[%and3A_6, %broadcast_in_dim3A_778, %and3A_41] : memref<8x32x128xf32, #tpu.memory_space<vmem>>[vector<16xi32>, vector<16xi32>, vector<16xi32>], vector<16xf32>,
      %slice3A_781 = vector.extract_strided_slice %get3A_11 {offsets = [11], sizes = [1], strides = [1]} : vector<16xf32> to vector<1xf32>
      %squeeze3A_782 = vector.extract %slice3A_781[0] : f32 from vector<1xf32>
      %mul3A_783 = arith.mulf %gather3A_779, %gather3A_780 : vector<16xf32>
      %mul3A_784 = vector.broadcast %squeeze3A_782 : f32 to vector<16xf32>
      %mul3A_785 = arith.mulf %mul3A_783, %mul3A_784 : vector<16xf32>
      %add3A_786 = arith.addf %add3A_746, %mul3A_785 : vector<16xf32>
      %broadcast_in_dim3A_787 = arith.constant 28 : i32
      %broadcast_in_dim3A_788 = vector.broadcast %broadcast_in_dim3A_787 : i32 to vector<16xi32>
      %gather3A_789 = tpu.vector_load_idx %arg10[%and3A_6, %broadcast_in_dim3A_788, %and3A_38] : memref<8x32x128xf32, #tpu.memory_space<vmem>>[vector<16xi32>, vector<16xi32>, vector<16xi32>], vector<16xf32>,
      %gather3A_790 = tpu.vector_load_idx %arg11[%and3A_6, %broadcast_in_dim3A_788, %and3A_41] : memref<8x32x128xf32, #tpu.memory_space<vmem>>[vector<16xi32>, vector<16xi32>, vector<16xi32>], vector<16xf32>,
      %slice3A_791 = vector.extract_strided_slice %get3A_11 {offsets = [12], sizes = [1], strides = [1]} : vector<16xf32> to vector<1xf32>
      %squeeze3A_792 = vector.extract %slice3A_791[0] : f32 from vector<1xf32>
      %mul3A_793 = arith.mulf %gather3A_789, %gather3A_790 : vector<16xf32>
      %mul3A_794 = vector.broadcast %squeeze3A_792 : f32 to vector<16xf32>
      %mul3A_795 = arith.mulf %mul3A_793, %mul3A_794 : vector<16xf32>
      %add3A_796 = arith.addf %add3A_756, %mul3A_795 : vector<16xf32>
      %broadcast_in_dim3A_797 = arith.constant 29 : i32
      %broadcast_in_dim3A_798 = vector.broadcast %broadcast_in_dim3A_797 : i32 to vector<16xi32>
      %gather3A_799 = tpu.vector_load_idx %arg10[%and3A_6, %broadcast_in_dim3A_798, %and3A_38] : memref<8x32x128xf32, #tpu.memory_space<vmem>>[vector<16xi32>, vector<16xi32>, vector<16xi32>], vector<16xf32>,
      %gather3A_800 = tpu.vector_load_idx %arg11[%and3A_6, %broadcast_in_dim3A_798, %and3A_41] : memref<8x32x128xf32, #tpu.memory_space<vmem>>[vector<16xi32>, vector<16xi32>, vector<16xi32>], vector<16xf32>,
      %slice3A_801 = vector.extract_strided_slice %get3A_11 {offsets = [13], sizes = [1], strides = [1]} : vector<16xf32> to vector<1xf32>
      %squeeze3A_802 = vector.extract %slice3A_801[0] : f32 from vector<1xf32>
      %mul3A_803 = arith.mulf %gather3A_799, %gather3A_800 : vector<16xf32>
      %mul3A_804 = vector.broadcast %squeeze3A_802 : f32 to vector<16xf32>
      %mul3A_805 = arith.mulf %mul3A_803, %mul3A_804 : vector<16xf32>
      %add3A_806 = arith.addf %add3A_766, %mul3A_805 : vector<16xf32>
      %broadcast_in_dim3A_807 = arith.constant 30 : i32
      %broadcast_in_dim3A_808 = vector.broadcast %broadcast_in_dim3A_807 : i32 to vector<16xi32>
      %gather3A_809 = tpu.vector_load_idx %arg10[%and3A_6, %broadcast_in_dim3A_808, %and3A_38] : memref<8x32x128xf32, #tpu.memory_space<vmem>>[vector<16xi32>, vector<16xi32>, vector<16xi32>], vector<16xf32>,
      %gather3A_810 = tpu.vector_load_idx %arg11[%and3A_6, %broadcast_in_dim3A_808, %and3A_41] : memref<8x32x128xf32, #tpu.memory_space<vmem>>[vector<16xi32>, vector<16xi32>, vector<16xi32>], vector<16xf32>,
      %slice3A_811 = vector.extract_strided_slice %get3A_11 {offsets = [14], sizes = [1], strides = [1]} : vector<16xf32> to vector<1xf32>
      %squeeze3A_812 = vector.extract %slice3A_811[0] : f32 from vector<1xf32>
      %mul3A_813 = arith.mulf %gather3A_809, %gather3A_810 : vector<16xf32>
      %mul3A_814 = vector.broadcast %squeeze3A_812 : f32 to vector<16xf32>
      %mul3A_815 = arith.mulf %mul3A_813, %mul3A_814 : vector<16xf32>
      %add3A_816 = arith.addf %add3A_776, %mul3A_815 : vector<16xf32>
      %broadcast_in_dim3A_817 = arith.constant 31 : i32
      %broadcast_in_dim3A_818 = vector.broadcast %broadcast_in_dim3A_817 : i32 to vector<16xi32>
      %gather3A_819 = tpu.vector_load_idx %arg10[%and3A_6, %broadcast_in_dim3A_818, %and3A_38] : memref<8x32x128xf32, #tpu.memory_space<vmem>>[vector<16xi32>, vector<16xi32>, vector<16xi32>], vector<16xf32>,
      %gather3A_820 = tpu.vector_load_idx %arg11[%and3A_6, %broadcast_in_dim3A_818, %and3A_41] : memref<8x32x128xf32, #tpu.memory_space<vmem>>[vector<16xi32>, vector<16xi32>, vector<16xi32>], vector<16xf32>,
      %slice3A_821 = vector.extract_strided_slice %get3A_11 {offsets = [15], sizes = [1], strides = [1]} : vector<16xf32> to vector<1xf32>
      %squeeze3A_822 = vector.extract %slice3A_821[0] : f32 from vector<1xf32>
      %mul3A_823 = arith.mulf %gather3A_819, %gather3A_820 : vector<16xf32>
      %mul3A_824 = vector.broadcast %squeeze3A_822 : f32 to vector<16xf32>
      %mul3A_825 = arith.mulf %mul3A_823, %mul3A_824 : vector<16xf32>
      %add3A_826 = arith.addf %add3A_786, %mul3A_825 : vector<16xf32>
      %add3A_827 = arith.addf %add3A_796, %add3A_806 : vector<16xf32>
      %add3A_828 = arith.addf %add3A_816, %add3A_826 : vector<16xf32>
      %add3A_829 = arith.addf %add3A_827, %add3A_828 : vector<16xf32>
      %slice3A_830 = vector.extract_strided_slice %shift_left3A_29 {offsets = [8], sizes = [1], strides = [1]} : vector<16xi32> to vector<1xi32>
      %squeeze3A_831 = vector.extract %slice3A_830[0] : i32 from vector<1xi32>
      %multiple_of3A_832 = tpu.assume_multiple %squeeze3A_831, 128 : i32
      %dma_start3A_833 = arith.constant 0 : i32
      %dma_start3A_834 = arith.constant 0 : i32
      %dma_start3A_835 = arith.constant 0 : i32
      %dma_start3A_836 = tpu.memref_slice %arg10[%dma_start3A_833, %dma_start3A_834, %dma_start3A_835] : memref<8x32x128xf32, #tpu.memory_space<vmem>> -> memref<1x32x128xf32, #tpu.memory_space<vmem>>
      %dma_start3A_837 = tpu.memref_squeeze %dma_start3A_836 : memref<1x32x128xf32, #tpu.memory_space<vmem>> -> memref<32x128xf32, #tpu.memory_space<vmem>>
      %dma_start3A_838 = arith.constant 0 : i32
      %dma_start3A_839 = tpu.memref_slice %arg4[%dma_start3A_838, %multiple_of3A_832] : memref<32x1000000xf32, #tpu.memory_space<hbm>> -> memref<32x128xf32, #tpu.memory_space<hbm>>
      %dma_start3A_840 = arith.constant 0 : i32
      %dma_start3A_841 = arith.constant 0 : i32
      %dma_start3A_842 = tpu.memref_slice %arg10[%dma_start3A_833, %dma_start3A_840, %dma_start3A_841] : memref<8x32x128xf32, #tpu.memory_space<vmem>> -> memref<1x32x128xf32, #tpu.memory_space<vmem>>
      %dma_start3A_843 = tpu.memref_squeeze %dma_start3A_842 : memref<1x32x128xf32, #tpu.memory_space<vmem>> -> memref<32x128xf32, #tpu.memory_space<vmem>>
      %dma_start3A_844 = arith.constant 0 : i32
      %dma_start3A_845 = tpu.memref_slice %arg4[%dma_start3A_844, %multiple_of3A_832] : memref<32x1000000xf32, #tpu.memory_space<hbm>> -> memref<32x128xf32, #tpu.memory_space<hbm>>
      tpu.enqueue_dma source(%dma_start3A_845 : memref<32x128xf32, #tpu.memory_space<hbm>>) target(%dma_start3A_843 : memref<32x128xf32, #tpu.memory_space<vmem>>) target_semaphore(%arg14 : memref<!tpu.dma_semaphore, #tpu.memory_space<semaphore_mem>>)
      %slice3A_846 = vector.extract_strided_slice %shift_left3A_35 {offsets = [8], sizes = [1], strides = [1]} : vector<16xi32> to vector<1xi32>
      %squeeze3A_847 = vector.extract %slice3A_846[0] : i32 from vector<1xi32>
      %multiple_of3A_848 = tpu.assume_multiple %squeeze3A_847, 128 : i32
      %dma_start3A_849 = arith.constant 0 : i32
      %dma_start3A_850 = arith.constant 0 : i32
      %dma_start3A_851 = arith.constant 0 : i32
      %dma_start3A_852 = tpu.memref_slice %arg11[%dma_start3A_849, %dma_start3A_850, %dma_start3A_851] : memref<8x32x128xf32, #tpu.memory_space<vmem>> -> memref<1x32x128xf32, #tpu.memory_space<vmem>>
      %dma_start3A_853 = tpu.memref_squeeze %dma_start3A_852 : memref<1x32x128xf32, #tpu.memory_space<vmem>> -> memref<32x128xf32, #tpu.memory_space<vmem>>
      %dma_start3A_854 = arith.constant 0 : i32
      %dma_start3A_855 = tpu.memref_slice %arg5[%dma_start3A_854, %multiple_of3A_848] : memref<32x1000000xf32, #tpu.memory_space<hbm>> -> memref<32x128xf32, #tpu.memory_space<hbm>>
      %dma_start3A_856 = arith.constant 0 : i32
      %dma_start3A_857 = arith.constant 0 : i32
      %dma_start3A_858 = tpu.memref_slice %arg11[%dma_start3A_849, %dma_start3A_856, %dma_start3A_857] : memref<8x32x128xf32, #tpu.memory_space<vmem>> -> memref<1x32x128xf32, #tpu.memory_space<vmem>>
      %dma_start3A_859 = tpu.memref_squeeze %dma_start3A_858 : memref<1x32x128xf32, #tpu.memory_space<vmem>> -> memref<32x128xf32, #tpu.memory_space<vmem>>
      %dma_start3A_860 = arith.constant 0 : i32
      %dma_start3A_861 = tpu.memref_slice %arg5[%dma_start3A_860, %multiple_of3A_848] : memref<32x1000000xf32, #tpu.memory_space<hbm>> -> memref<32x128xf32, #tpu.memory_space<hbm>>
      tpu.enqueue_dma source(%dma_start3A_861 : memref<32x128xf32, #tpu.memory_space<hbm>>) target(%dma_start3A_859 : memref<32x128xf32, #tpu.memory_space<vmem>>) target_semaphore(%arg15 : memref<!tpu.dma_semaphore, #tpu.memory_space<semaphore_mem>>)
      %slice3A_862 = vector.extract_strided_slice %shift_left3A_29 {offsets = [9], sizes = [1], strides = [1]} : vector<16xi32> to vector<1xi32>
      %squeeze3A_863 = vector.extract %slice3A_862[0] : i32 from vector<1xi32>
      %multiple_of3A_864 = tpu.assume_multiple %squeeze3A_863, 128 : i32
      %dma_start3A_865 = arith.constant 1 : i32
      %dma_start3A_866 = arith.constant 0 : i32
      %dma_start3A_867 = arith.constant 0 : i32
      %dma_start3A_868 = tpu.memref_slice %arg10[%dma_start3A_865, %dma_start3A_866, %dma_start3A_867] : memref<8x32x128xf32, #tpu.memory_space<vmem>> -> memref<1x32x128xf32, #tpu.memory_space<vmem>>
      %dma_start3A_869 = tpu.memref_squeeze %dma_start3A_868 : memref<1x32x128xf32, #tpu.memory_space<vmem>> -> memref<32x128xf32, #tpu.memory_space<vmem>>
      %dma_start3A_870 = arith.constant 0 : i32
      %dma_start3A_871 = tpu.memref_slice %arg4[%dma_start3A_870, %multiple_of3A_864] : memref<32x1000000xf32, #tpu.memory_space<hbm>> -> memref<32x128xf32, #tpu.memory_space<hbm>>
      %dma_start3A_872 = arith.constant 0 : i32
      %dma_start3A_873 = arith.constant 0 : i32
      %dma_start3A_874 = tpu.memref_slice %arg10[%dma_start3A_865, %dma_start3A_872, %dma_start3A_873] : memref<8x32x128xf32, #tpu.memory_space<vmem>> -> memref<1x32x128xf32, #tpu.memory_space<vmem>>
      %dma_start3A_875 = tpu.memref_squeeze %dma_start3A_874 : memref<1x32x128xf32, #tpu.memory_space<vmem>> -> memref<32x128xf32, #tpu.memory_space<vmem>>
      %dma_start3A_876 = arith.constant 0 : i32
      %dma_start3A_877 = tpu.memref_slice %arg4[%dma_start3A_876, %multiple_of3A_864] : memref<32x1000000xf32, #tpu.memory_space<hbm>> -> memref<32x128xf32, #tpu.memory_space<hbm>>
      tpu.enqueue_dma source(%dma_start3A_877 : memref<32x128xf32, #tpu.memory_space<hbm>>) target(%dma_start3A_875 : memref<32x128xf32, #tpu.memory_space<vmem>>) target_semaphore(%arg14 : memref<!tpu.dma_semaphore, #tpu.memory_space<semaphore_mem>>)
      %slice3A_878 = vector.extract_strided_slice %shift_left3A_35 {offsets = [9], sizes = [1], strides = [1]} : vector<16xi32> to vector<1xi32>
      %squeeze3A_879 = vector.extract %slice3A_878[0] : i32 from vector<1xi32>
      %multiple_of3A_880 = tpu.assume_multiple %squeeze3A_879, 128 : i32
      %dma_start3A_881 = arith.constant 1 : i32
      %dma_start3A_882 = arith.constant 0 : i32
      %dma_start3A_883 = arith.constant 0 : i32
      %dma_start3A_884 = tpu.memref_slice %arg11[%dma_start3A_881, %dma_start3A_882, %dma_start3A_883] : memref<8x32x128xf32, #tpu.memory_space<vmem>> -> memref<1x32x128xf32, #tpu.memory_space<vmem>>
      %dma_start3A_885 = tpu.memref_squeeze %dma_start3A_884 : memref<1x32x128xf32, #tpu.memory_space<vmem>> -> memref<32x128xf32, #tpu.memory_space<vmem>>
      %dma_start3A_886 = arith.constant 0 : i32
      %dma_start3A_887 = tpu.memref_slice %arg5[%dma_start3A_886, %multiple_of3A_880] : memref<32x1000000xf32, #tpu.memory_space<hbm>> -> memref<32x128xf32, #tpu.memory_space<hbm>>
      %dma_start3A_888 = arith.constant 0 : i32
      %dma_start3A_889 = arith.constant 0 : i32
      %dma_start3A_890 = tpu.memref_slice %arg11[%dma_start3A_881, %dma_start3A_888, %dma_start3A_889] : memref<8x32x128xf32, #tpu.memory_space<vmem>> -> memref<1x32x128xf32, #tpu.memory_space<vmem>>
      %dma_start3A_891 = tpu.memref_squeeze %dma_start3A_890 : memref<1x32x128xf32, #tpu.memory_space<vmem>> -> memref<32x128xf32, #tpu.memory_space<vmem>>
      %dma_start3A_892 = arith.constant 0 : i32
      %dma_start3A_893 = tpu.memref_slice %arg5[%dma_start3A_892, %multiple_of3A_880] : memref<32x1000000xf32, #tpu.memory_space<hbm>> -> memref<32x128xf32, #tpu.memory_space<hbm>>
      tpu.enqueue_dma source(%dma_start3A_893 : memref<32x128xf32, #tpu.memory_space<hbm>>) target(%dma_start3A_891 : memref<32x128xf32, #tpu.memory_space<vmem>>) target_semaphore(%arg15 : memref<!tpu.dma_semaphore, #tpu.memory_space<semaphore_mem>>)
      %slice3A_894 = vector.extract_strided_slice %shift_left3A_29 {offsets = [10], sizes = [1], strides = [1]} : vector<16xi32> to vector<1xi32>
      %squeeze3A_895 = vector.extract %slice3A_894[0] : i32 from vector<1xi32>
      %multiple_of3A_896 = tpu.assume_multiple %squeeze3A_895, 128 : i32
      %dma_start3A_897 = arith.constant 2 : i32
      %dma_start3A_898 = arith.constant 0 : i32
      %dma_start3A_899 = arith.constant 0 : i32
      %dma_start3A_900 = tpu.memref_slice %arg10[%dma_start3A_897, %dma_start3A_898, %dma_start3A_899] : memref<8x32x128xf32, #tpu.memory_space<vmem>> -> memref<1x32x128xf32, #tpu.memory_space<vmem>>
      %dma_start3A_901 = tpu.memref_squeeze %dma_start3A_900 : memref<1x32x128xf32, #tpu.memory_space<vmem>> -> memref<32x128xf32, #tpu.memory_space<vmem>>
      %dma_start3A_902 = arith.constant 0 : i32
      %dma_start3A_903 = tpu.memref_slice %arg4[%dma_start3A_902, %multiple_of3A_896] : memref<32x1000000xf32, #tpu.memory_space<hbm>> -> memref<32x128xf32, #tpu.memory_space<hbm>>
      %dma_start3A_904 = arith.constant 0 : i32
      %dma_start3A_905 = arith.constant 0 : i32
      %dma_start3A_906 = tpu.memref_slice %arg10[%dma_start3A_897, %dma_start3A_904, %dma_start3A_905] : memref<8x32x128xf32, #tpu.memory_space<vmem>> -> memref<1x32x128xf32, #tpu.memory_space<vmem>>
      %dma_start3A_907 = tpu.memref_squeeze %dma_start3A_906 : memref<1x32x128xf32, #tpu.memory_space<vmem>> -> memref<32x128xf32, #tpu.memory_space<vmem>>
      %dma_start3A_908 = arith.constant 0 : i32
      %dma_start3A_909 = tpu.memref_slice %arg4[%dma_start3A_908, %multiple_of3A_896] : memref<32x1000000xf32, #tpu.memory_space<hbm>> -> memref<32x128xf32, #tpu.memory_space<hbm>>
      tpu.enqueue_dma source(%dma_start3A_909 : memref<32x128xf32, #tpu.memory_space<hbm>>) target(%dma_start3A_907 : memref<32x128xf32, #tpu.memory_space<vmem>>) target_semaphore(%arg14 : memref<!tpu.dma_semaphore, #tpu.memory_space<semaphore_mem>>)
      %slice3A_910 = vector.extract_strided_slice %shift_left3A_35 {offsets = [10], sizes = [1], strides = [1]} : vector<16xi32> to vector<1xi32>
      %squeeze3A_911 = vector.extract %slice3A_910[0] : i32 from vector<1xi32>
      %multiple_of3A_912 = tpu.assume_multiple %squeeze3A_911, 128 : i32
      %dma_start3A_913 = arith.constant 2 : i32
      %dma_start3A_914 = arith.constant 0 : i32
      %dma_start3A_915 = arith.constant 0 : i32
      %dma_start3A_916 = tpu.memref_slice %arg11[%dma_start3A_913, %dma_start3A_914, %dma_start3A_915] : memref<8x32x128xf32, #tpu.memory_space<vmem>> -> memref<1x32x128xf32, #tpu.memory_space<vmem>>
      %dma_start3A_917 = tpu.memref_squeeze %dma_start3A_916 : memref<1x32x128xf32, #tpu.memory_space<vmem>> -> memref<32x128xf32, #tpu.memory_space<vmem>>
      %dma_start3A_918 = arith.constant 0 : i32
      %dma_start3A_919 = tpu.memref_slice %arg5[%dma_start3A_918, %multiple_of3A_912] : memref<32x1000000xf32, #tpu.memory_space<hbm>> -> memref<32x128xf32, #tpu.memory_space<hbm>>
      %dma_start3A_920 = arith.constant 0 : i32
      %dma_start3A_921 = arith.constant 0 : i32
      %dma_start3A_922 = tpu.memref_slice %arg11[%dma_start3A_913, %dma_start3A_920, %dma_start3A_921] : memref<8x32x128xf32, #tpu.memory_space<vmem>> -> memref<1x32x128xf32, #tpu.memory_space<vmem>>
      %dma_start3A_923 = tpu.memref_squeeze %dma_start3A_922 : memref<1x32x128xf32, #tpu.memory_space<vmem>> -> memref<32x128xf32, #tpu.memory_space<vmem>>
      %dma_start3A_924 = arith.constant 0 : i32
      %dma_start3A_925 = tpu.memref_slice %arg5[%dma_start3A_924, %multiple_of3A_912] : memref<32x1000000xf32, #tpu.memory_space<hbm>> -> memref<32x128xf32, #tpu.memory_space<hbm>>
      tpu.enqueue_dma source(%dma_start3A_925 : memref<32x128xf32, #tpu.memory_space<hbm>>) target(%dma_start3A_923 : memref<32x128xf32, #tpu.memory_space<vmem>>) target_semaphore(%arg15 : memref<!tpu.dma_semaphore, #tpu.memory_space<semaphore_mem>>)
      %slice3A_926 = vector.extract_strided_slice %shift_left3A_29 {offsets = [11], sizes = [1], strides = [1]} : vector<16xi32> to vector<1xi32>
      %squeeze3A_927 = vector.extract %slice3A_926[0] : i32 from vector<1xi32>
      %multiple_of3A_928 = tpu.assume_multiple %squeeze3A_927, 128 : i32
      %dma_start3A_929 = arith.constant 3 : i32
      %dma_start3A_930 = arith.constant 0 : i32
      %dma_start3A_931 = arith.constant 0 : i32
      %dma_start3A_932 = tpu.memref_slice %arg10[%dma_start3A_929, %dma_start3A_930, %dma_start3A_931] : memref<8x32x128xf32, #tpu.memory_space<vmem>> -> memref<1x32x128xf32, #tpu.memory_space<vmem>>
      %dma_start3A_933 = tpu.memref_squeeze %dma_start3A_932 : memref<1x32x128xf32, #tpu.memory_space<vmem>> -> memref<32x128xf32, #tpu.memory_space<vmem>>
      %dma_start3A_934 = arith.constant 0 : i32
      %dma_start3A_935 = tpu.memref_slice %arg4[%dma_start3A_934, %multiple_of3A_928] : memref<32x1000000xf32, #tpu.memory_space<hbm>> -> memref<32x128xf32, #tpu.memory_space<hbm>>
      %dma_start3A_936 = arith.constant 0 : i32
      %dma_start3A_937 = arith.constant 0 : i32
      %dma_start3A_938 = tpu.memref_slice %arg10[%dma_start3A_929, %dma_start3A_936, %dma_start3A_937] : memref<8x32x128xf32, #tpu.memory_space<vmem>> -> memref<1x32x128xf32, #tpu.memory_space<vmem>>
      %dma_start3A_939 = tpu.memref_squeeze %dma_start3A_938 : memref<1x32x128xf32, #tpu.memory_space<vmem>> -> memref<32x128xf32, #tpu.memory_space<vmem>>
      %dma_start3A_940 = arith.constant 0 : i32
      %dma_start3A_941 = tpu.memref_slice %arg4[%dma_start3A_940, %multiple_of3A_928] : memref<32x1000000xf32, #tpu.memory_space<hbm>> -> memref<32x128xf32, #tpu.memory_space<hbm>>
      tpu.enqueue_dma source(%dma_start3A_941 : memref<32x128xf32, #tpu.memory_space<hbm>>) target(%dma_start3A_939 : memref<32x128xf32, #tpu.memory_space<vmem>>) target_semaphore(%arg14 : memref<!tpu.dma_semaphore, #tpu.memory_space<semaphore_mem>>)
      %slice3A_942 = vector.extract_strided_slice %shift_left3A_35 {offsets = [11], sizes = [1], strides = [1]} : vector<16xi32> to vector<1xi32>
      %squeeze3A_943 = vector.extract %slice3A_942[0] : i32 from vector<1xi32>
      %multiple_of3A_944 = tpu.assume_multiple %squeeze3A_943, 128 : i32
      %dma_start3A_945 = arith.constant 3 : i32
      %dma_start3A_946 = arith.constant 0 : i32
      %dma_start3A_947 = arith.constant 0 : i32
      %dma_start3A_948 = tpu.memref_slice %arg11[%dma_start3A_945, %dma_start3A_946, %dma_start3A_947] : memref<8x32x128xf32, #tpu.memory_space<vmem>> -> memref<1x32x128xf32, #tpu.memory_space<vmem>>
      %dma_start3A_949 = tpu.memref_squeeze %dma_start3A_948 : memref<1x32x128xf32, #tpu.memory_space<vmem>> -> memref<32x128xf32, #tpu.memory_space<vmem>>
      %dma_start3A_950 = arith.constant 0 : i32
      %dma_start3A_951 = tpu.memref_slice %arg5[%dma_start3A_950, %multiple_of3A_944] : memref<32x1000000xf32, #tpu.memory_space<hbm>> -> memref<32x128xf32, #tpu.memory_space<hbm>>
      %dma_start3A_952 = arith.constant 0 : i32
      %dma_start3A_953 = arith.constant 0 : i32
      %dma_start3A_954 = tpu.memref_slice %arg11[%dma_start3A_945, %dma_start3A_952, %dma_start3A_953] : memref<8x32x128xf32, #tpu.memory_space<vmem>> -> memref<1x32x128xf32, #tpu.memory_space<vmem>>
      %dma_start3A_955 = tpu.memref_squeeze %dma_start3A_954 : memref<1x32x128xf32, #tpu.memory_space<vmem>> -> memref<32x128xf32, #tpu.memory_space<vmem>>
      %dma_start3A_956 = arith.constant 0 : i32
      %dma_start3A_957 = tpu.memref_slice %arg5[%dma_start3A_956, %multiple_of3A_944] : memref<32x1000000xf32, #tpu.memory_space<hbm>> -> memref<32x128xf32, #tpu.memory_space<hbm>>
      tpu.enqueue_dma source(%dma_start3A_957 : memref<32x128xf32, #tpu.memory_space<hbm>>) target(%dma_start3A_955 : memref<32x128xf32, #tpu.memory_space<vmem>>) target_semaphore(%arg15 : memref<!tpu.dma_semaphore, #tpu.memory_space<semaphore_mem>>)
      %slice3A_958 = vector.extract_strided_slice %shift_left3A_29 {offsets = [12], sizes = [1], strides = [1]} : vector<16xi32> to vector<1xi32>
      %squeeze3A_959 = vector.extract %slice3A_958[0] : i32 from vector<1xi32>
      %multiple_of3A_960 = tpu.assume_multiple %squeeze3A_959, 128 : i32
      %dma_start3A_961 = arith.constant 4 : i32
      %dma_start3A_962 = arith.constant 0 : i32
      %dma_start3A_963 = arith.constant 0 : i32
      %dma_start3A_964 = tpu.memref_slice %arg10[%dma_start3A_961, %dma_start3A_962, %dma_start3A_963] : memref<8x32x128xf32, #tpu.memory_space<vmem>> -> memref<1x32x128xf32, #tpu.memory_space<vmem>>
      %dma_start3A_965 = tpu.memref_squeeze %dma_start3A_964 : memref<1x32x128xf32, #tpu.memory_space<vmem>> -> memref<32x128xf32, #tpu.memory_space<vmem>>
      %dma_start3A_966 = arith.constant 0 : i32
      %dma_start3A_967 = tpu.memref_slice %arg4[%dma_start3A_966, %multiple_of3A_960] : memref<32x1000000xf32, #tpu.memory_space<hbm>> -> memref<32x128xf32, #tpu.memory_space<hbm>>
      %dma_start3A_968 = arith.constant 0 : i32
      %dma_start3A_969 = arith.constant 0 : i32
      %dma_start3A_970 = tpu.memref_slice %arg10[%dma_start3A_961, %dma_start3A_968, %dma_start3A_969] : memref<8x32x128xf32, #tpu.memory_space<vmem>> -> memref<1x32x128xf32, #tpu.memory_space<vmem>>
      %dma_start3A_971 = tpu.memref_squeeze %dma_start3A_970 : memref<1x32x128xf32, #tpu.memory_space<vmem>> -> memref<32x128xf32, #tpu.memory_space<vmem>>
      %dma_start3A_972 = arith.constant 0 : i32
      %dma_start3A_973 = tpu.memref_slice %arg4[%dma_start3A_972, %multiple_of3A_960] : memref<32x1000000xf32, #tpu.memory_space<hbm>> -> memref<32x128xf32, #tpu.memory_space<hbm>>
      tpu.enqueue_dma source(%dma_start3A_973 : memref<32x128xf32, #tpu.memory_space<hbm>>) target(%dma_start3A_971 : memref<32x128xf32, #tpu.memory_space<vmem>>) target_semaphore(%arg14 : memref<!tpu.dma_semaphore, #tpu.memory_space<semaphore_mem>>)
      %slice3A_974 = vector.extract_strided_slice %shift_left3A_35 {offsets = [12], sizes = [1], strides = [1]} : vector<16xi32> to vector<1xi32>
      %squeeze3A_975 = vector.extract %slice3A_974[0] : i32 from vector<1xi32>
      %multiple_of3A_976 = tpu.assume_multiple %squeeze3A_975, 128 : i32
      %dma_start3A_977 = arith.constant 4 : i32
      %dma_start3A_978 = arith.constant 0 : i32
      %dma_start3A_979 = arith.constant 0 : i32
      %dma_start3A_980 = tpu.memref_slice %arg11[%dma_start3A_977, %dma_start3A_978, %dma_start3A_979] : memref<8x32x128xf32, #tpu.memory_space<vmem>> -> memref<1x32x128xf32, #tpu.memory_space<vmem>>
      %dma_start3A_981 = tpu.memref_squeeze %dma_start3A_980 : memref<1x32x128xf32, #tpu.memory_space<vmem>> -> memref<32x128xf32, #tpu.memory_space<vmem>>
      %dma_start3A_982 = arith.constant 0 : i32
      %dma_start3A_983 = tpu.memref_slice %arg5[%dma_start3A_982, %multiple_of3A_976] : memref<32x1000000xf32, #tpu.memory_space<hbm>> -> memref<32x128xf32, #tpu.memory_space<hbm>>
      %dma_start3A_984 = arith.constant 0 : i32
      %dma_start3A_985 = arith.constant 0 : i32
      %dma_start3A_986 = tpu.memref_slice %arg11[%dma_start3A_977, %dma_start3A_984, %dma_start3A_985] : memref<8x32x128xf32, #tpu.memory_space<vmem>> -> memref<1x32x128xf32, #tpu.memory_space<vmem>>
      %dma_start3A_987 = tpu.memref_squeeze %dma_start3A_986 : memref<1x32x128xf32, #tpu.memory_space<vmem>> -> memref<32x128xf32, #tpu.memory_space<vmem>>
      %dma_start3A_988 = arith.constant 0 : i32
      %dma_start3A_989 = tpu.memref_slice %arg5[%dma_start3A_988, %multiple_of3A_976] : memref<32x1000000xf32, #tpu.memory_space<hbm>> -> memref<32x128xf32, #tpu.memory_space<hbm>>
      tpu.enqueue_dma source(%dma_start3A_989 : memref<32x128xf32, #tpu.memory_space<hbm>>) target(%dma_start3A_987 : memref<32x128xf32, #tpu.memory_space<vmem>>) target_semaphore(%arg15 : memref<!tpu.dma_semaphore, #tpu.memory_space<semaphore_mem>>)
      %slice3A_990 = vector.extract_strided_slice %shift_left3A_29 {offsets = [13], sizes = [1], strides = [1]} : vector<16xi32> to vector<1xi32>
      %squeeze3A_991 = vector.extract %slice3A_990[0] : i32 from vector<1xi32>
      %multiple_of3A_992 = tpu.assume_multiple %squeeze3A_991, 128 : i32
      %dma_start3A_993 = arith.constant 5 : i32
      %dma_start3A_994 = arith.constant 0 : i32
      %dma_start3A_995 = arith.constant 0 : i32
      %dma_start3A_996 = tpu.memref_slice %arg10[%dma_start3A_993, %dma_start3A_994, %dma_start3A_995] : memref<8x32x128xf32, #tpu.memory_space<vmem>> -> memref<1x32x128xf32, #tpu.memory_space<vmem>>
      %dma_start3A_997 = tpu.memref_squeeze %dma_start3A_996 : memref<1x32x128xf32, #tpu.memory_space<vmem>> -> memref<32x128xf32, #tpu.memory_space<vmem>>
      %dma_start3A_998 = arith.constant 0 : i32
      %dma_start3A_999 = tpu.memref_slice %arg4[%dma_start3A_998, %multiple_of3A_992] : memref<32x1000000xf32, #tpu.memory_space<hbm>> -> memref<32x128xf32, #tpu.memory_space<hbm>>
      %dma_start3A_1000 = arith.constant 0 : i32
      %dma_start3A_1001 = arith.constant 0 : i32
      %dma_start3A_1002 = tpu.memref_slice %arg10[%dma_start3A_993, %dma_start3A_1000, %dma_start3A_1001] : memref<8x32x128xf32, #tpu.memory_space<vmem>> -> memref<1x32x128xf32, #tpu.memory_space<vmem>>
      %dma_start3A_1003 = tpu.memref_squeeze %dma_start3A_1002 : memref<1x32x128xf32, #tpu.memory_space<vmem>> -> memref<32x128xf32, #tpu.memory_space<vmem>>
      %dma_start3A_1004 = arith.constant 0 : i32
      %dma_start3A_1005 = tpu.memref_slice %arg4[%dma_start3A_1004, %multiple_of3A_992] : memref<32x1000000xf32, #tpu.memory_space<hbm>> -> memref<32x128xf32, #tpu.memory_space<hbm>>
      tpu.enqueue_dma source(%dma_start3A_1005 : memref<32x128xf32, #tpu.memory_space<hbm>>) target(%dma_start3A_1003 : memref<32x128xf32, #tpu.memory_space<vmem>>) target_semaphore(%arg14 : memref<!tpu.dma_semaphore, #tpu.memory_space<semaphore_mem>>)
      %slice3A_1006 = vector.extract_strided_slice %shift_left3A_35 {offsets = [13], sizes = [1], strides = [1]} : vector<16xi32> to vector<1xi32>
      %squeeze3A_1007 = vector.extract %slice3A_1006[0] : i32 from vector<1xi32>
      %multiple_of3A_1008 = tpu.assume_multiple %squeeze3A_1007, 128 : i32
      %dma_start3A_1009 = arith.constant 5 : i32
      %dma_start3A_1010 = arith.constant 0 : i32
      %dma_start3A_1011 = arith.constant 0 : i32
      %dma_start3A_1012 = tpu.memref_slice %arg11[%dma_start3A_1009, %dma_start3A_1010, %dma_start3A_1011] : memref<8x32x128xf32, #tpu.memory_space<vmem>> -> memref<1x32x128xf32, #tpu.memory_space<vmem>>
      %dma_start3A_1013 = tpu.memref_squeeze %dma_start3A_1012 : memref<1x32x128xf32, #tpu.memory_space<vmem>> -> memref<32x128xf32, #tpu.memory_space<vmem>>
      %dma_start3A_1014 = arith.constant 0 : i32
      %dma_start3A_1015 = tpu.memref_slice %arg5[%dma_start3A_1014, %multiple_of3A_1008] : memref<32x1000000xf32, #tpu.memory_space<hbm>> -> memref<32x128xf32, #tpu.memory_space<hbm>>
      %dma_start3A_1016 = arith.constant 0 : i32
      %dma_start3A_1017 = arith.constant 0 : i32
      %dma_start3A_1018 = tpu.memref_slice %arg11[%dma_start3A_1009, %dma_start3A_1016, %dma_start3A_1017] : memref<8x32x128xf32, #tpu.memory_space<vmem>> -> memref<1x32x128xf32, #tpu.memory_space<vmem>>
      %dma_start3A_1019 = tpu.memref_squeeze %dma_start3A_1018 : memref<1x32x128xf32, #tpu.memory_space<vmem>> -> memref<32x128xf32, #tpu.memory_space<vmem>>
      %dma_start3A_1020 = arith.constant 0 : i32
      %dma_start3A_1021 = tpu.memref_slice %arg5[%dma_start3A_1020, %multiple_of3A_1008] : memref<32x1000000xf32, #tpu.memory_space<hbm>> -> memref<32x128xf32, #tpu.memory_space<hbm>>
      tpu.enqueue_dma source(%dma_start3A_1021 : memref<32x128xf32, #tpu.memory_space<hbm>>) target(%dma_start3A_1019 : memref<32x128xf32, #tpu.memory_space<vmem>>) target_semaphore(%arg15 : memref<!tpu.dma_semaphore, #tpu.memory_space<semaphore_mem>>)
      %slice3A_1022 = vector.extract_strided_slice %shift_left3A_29 {offsets = [14], sizes = [1], strides = [1]} : vector<16xi32> to vector<1xi32>
      %squeeze3A_1023 = vector.extract %slice3A_1022[0] : i32 from vector<1xi32>
      %multiple_of3A_1024 = tpu.assume_multiple %squeeze3A_1023, 128 : i32
      %dma_start3A_1025 = arith.constant 6 : i32
      %dma_start3A_1026 = arith.constant 0 : i32
      %dma_start3A_1027 = arith.constant 0 : i32
      %dma_start3A_1028 = tpu.memref_slice %arg10[%dma_start3A_1025, %dma_start3A_1026, %dma_start3A_1027] : memref<8x32x128xf32, #tpu.memory_space<vmem>> -> memref<1x32x128xf32, #tpu.memory_space<vmem>>
      %dma_start3A_1029 = tpu.memref_squeeze %dma_start3A_1028 : memref<1x32x128xf32, #tpu.memory_space<vmem>> -> memref<32x128xf32, #tpu.memory_space<vmem>>
      %dma_start3A_1030 = arith.constant 0 : i32
      %dma_start3A_1031 = tpu.memref_slice %arg4[%dma_start3A_1030, %multiple_of3A_1024] : memref<32x1000000xf32, #tpu.memory_space<hbm>> -> memref<32x128xf32, #tpu.memory_space<hbm>>
      %dma_start3A_1032 = arith.constant 0 : i32
      %dma_start3A_1033 = arith.constant 0 : i32
      %dma_start3A_1034 = tpu.memref_slice %arg10[%dma_start3A_1025, %dma_start3A_1032, %dma_start3A_1033] : memref<8x32x128xf32, #tpu.memory_space<vmem>> -> memref<1x32x128xf32, #tpu.memory_space<vmem>>
      %dma_start3A_1035 = tpu.memref_squeeze %dma_start3A_1034 : memref<1x32x128xf32, #tpu.memory_space<vmem>> -> memref<32x128xf32, #tpu.memory_space<vmem>>
      %dma_start3A_1036 = arith.constant 0 : i32
      %dma_start3A_1037 = tpu.memref_slice %arg4[%dma_start3A_1036, %multiple_of3A_1024] : memref<32x1000000xf32, #tpu.memory_space<hbm>> -> memref<32x128xf32, #tpu.memory_space<hbm>>
      tpu.enqueue_dma source(%dma_start3A_1037 : memref<32x128xf32, #tpu.memory_space<hbm>>) target(%dma_start3A_1035 : memref<32x128xf32, #tpu.memory_space<vmem>>) target_semaphore(%arg14 : memref<!tpu.dma_semaphore, #tpu.memory_space<semaphore_mem>>)
      %slice3A_1038 = vector.extract_strided_slice %shift_left3A_35 {offsets = [14], sizes = [1], strides = [1]} : vector<16xi32> to vector<1xi32>
      %squeeze3A_1039 = vector.extract %slice3A_1038[0] : i32 from vector<1xi32>
      %multiple_of3A_1040 = tpu.assume_multiple %squeeze3A_1039, 128 : i32
      %dma_start3A_1041 = arith.constant 6 : i32
      %dma_start3A_1042 = arith.constant 0 : i32
      %dma_start3A_1043 = arith.constant 0 : i32
      %dma_start3A_1044 = tpu.memref_slice %arg11[%dma_start3A_1041, %dma_start3A_1042, %dma_start3A_1043] : memref<8x32x128xf32, #tpu.memory_space<vmem>> -> memref<1x32x128xf32, #tpu.memory_space<vmem>>
      %dma_start3A_1045 = tpu.memref_squeeze %dma_start3A_1044 : memref<1x32x128xf32, #tpu.memory_space<vmem>> -> memref<32x128xf32, #tpu.memory_space<vmem>>
      %dma_start3A_1046 = arith.constant 0 : i32
      %dma_start3A_1047 = tpu.memref_slice %arg5[%dma_start3A_1046, %multiple_of3A_1040] : memref<32x1000000xf32, #tpu.memory_space<hbm>> -> memref<32x128xf32, #tpu.memory_space<hbm>>
      %dma_start3A_1048 = arith.constant 0 : i32
      %dma_start3A_1049 = arith.constant 0 : i32
      %dma_start3A_1050 = tpu.memref_slice %arg11[%dma_start3A_1041, %dma_start3A_1048, %dma_start3A_1049] : memref<8x32x128xf32, #tpu.memory_space<vmem>> -> memref<1x32x128xf32, #tpu.memory_space<vmem>>
      %dma_start3A_1051 = tpu.memref_squeeze %dma_start3A_1050 : memref<1x32x128xf32, #tpu.memory_space<vmem>> -> memref<32x128xf32, #tpu.memory_space<vmem>>
      %dma_start3A_1052 = arith.constant 0 : i32
      %dma_start3A_1053 = tpu.memref_slice %arg5[%dma_start3A_1052, %multiple_of3A_1040] : memref<32x1000000xf32, #tpu.memory_space<hbm>> -> memref<32x128xf32, #tpu.memory_space<hbm>>
      tpu.enqueue_dma source(%dma_start3A_1053 : memref<32x128xf32, #tpu.memory_space<hbm>>) target(%dma_start3A_1051 : memref<32x128xf32, #tpu.memory_space<vmem>>) target_semaphore(%arg15 : memref<!tpu.dma_semaphore, #tpu.memory_space<semaphore_mem>>)
      %slice3A_1054 = vector.extract_strided_slice %shift_left3A_29 {offsets = [15], sizes = [1], strides = [1]} : vector<16xi32> to vector<1xi32>
      %squeeze3A_1055 = vector.extract %slice3A_1054[0] : i32 from vector<1xi32>
      %multiple_of3A_1056 = tpu.assume_multiple %squeeze3A_1055, 128 : i32
      %dma_start3A_1057 = arith.constant 7 : i32
      %dma_start3A_1058 = arith.constant 0 : i32
      %dma_start3A_1059 = arith.constant 0 : i32
      %dma_start3A_1060 = tpu.memref_slice %arg10[%dma_start3A_1057, %dma_start3A_1058, %dma_start3A_1059] : memref<8x32x128xf32, #tpu.memory_space<vmem>> -> memref<1x32x128xf32, #tpu.memory_space<vmem>>
      %dma_start3A_1061 = tpu.memref_squeeze %dma_start3A_1060 : memref<1x32x128xf32, #tpu.memory_space<vmem>> -> memref<32x128xf32, #tpu.memory_space<vmem>>
      %dma_start3A_1062 = arith.constant 0 : i32
      %dma_start3A_1063 = tpu.memref_slice %arg4[%dma_start3A_1062, %multiple_of3A_1056] : memref<32x1000000xf32, #tpu.memory_space<hbm>> -> memref<32x128xf32, #tpu.memory_space<hbm>>
      %dma_start3A_1064 = arith.constant 0 : i32
      %dma_start3A_1065 = arith.constant 0 : i32
      %dma_start3A_1066 = tpu.memref_slice %arg10[%dma_start3A_1057, %dma_start3A_1064, %dma_start3A_1065] : memref<8x32x128xf32, #tpu.memory_space<vmem>> -> memref<1x32x128xf32, #tpu.memory_space<vmem>>
      %dma_start3A_1067 = tpu.memref_squeeze %dma_start3A_1066 : memref<1x32x128xf32, #tpu.memory_space<vmem>> -> memref<32x128xf32, #tpu.memory_space<vmem>>
      %dma_start3A_1068 = arith.constant 0 : i32
      %dma_start3A_1069 = tpu.memref_slice %arg4[%dma_start3A_1068, %multiple_of3A_1056] : memref<32x1000000xf32, #tpu.memory_space<hbm>> -> memref<32x128xf32, #tpu.memory_space<hbm>>
      tpu.enqueue_dma source(%dma_start3A_1069 : memref<32x128xf32, #tpu.memory_space<hbm>>) target(%dma_start3A_1067 : memref<32x128xf32, #tpu.memory_space<vmem>>) target_semaphore(%arg14 : memref<!tpu.dma_semaphore, #tpu.memory_space<semaphore_mem>>)
      %slice3A_1070 = vector.extract_strided_slice %shift_left3A_35 {offsets = [15], sizes = [1], strides = [1]} : vector<16xi32> to vector<1xi32>
      %squeeze3A_1071 = vector.extract %slice3A_1070[0] : i32 from vector<1xi32>
      %multiple_of3A_1072 = tpu.assume_multiple %squeeze3A_1071, 128 : i32
      %dma_start3A_1073 = arith.constant 7 : i32
      %dma_start3A_1074 = arith.constant 0 : i32
      %dma_start3A_1075 = arith.constant 0 : i32
      %dma_start3A_1076 = tpu.memref_slice %arg11[%dma_start3A_1073, %dma_start3A_1074, %dma_start3A_1075] : memref<8x32x128xf32, #tpu.memory_space<vmem>> -> memref<1x32x128xf32, #tpu.memory_space<vmem>>
      %dma_start3A_1077 = tpu.memref_squeeze %dma_start3A_1076 : memref<1x32x128xf32, #tpu.memory_space<vmem>> -> memref<32x128xf32, #tpu.memory_space<vmem>>
      %dma_start3A_1078 = arith.constant 0 : i32
      %dma_start3A_1079 = tpu.memref_slice %arg5[%dma_start3A_1078, %multiple_of3A_1072] : memref<32x1000000xf32, #tpu.memory_space<hbm>> -> memref<32x128xf32, #tpu.memory_space<hbm>>
      %dma_start3A_1080 = arith.constant 0 : i32
      %dma_start3A_1081 = arith.constant 0 : i32
      %dma_start3A_1082 = tpu.memref_slice %arg11[%dma_start3A_1073, %dma_start3A_1080, %dma_start3A_1081] : memref<8x32x128xf32, #tpu.memory_space<vmem>> -> memref<1x32x128xf32, #tpu.memory_space<vmem>>
      %dma_start3A_1083 = tpu.memref_squeeze %dma_start3A_1082 : memref<1x32x128xf32, #tpu.memory_space<vmem>> -> memref<32x128xf32, #tpu.memory_space<vmem>>
      %dma_start3A_1084 = arith.constant 0 : i32
      %dma_start3A_1085 = tpu.memref_slice %arg5[%dma_start3A_1084, %multiple_of3A_1072] : memref<32x1000000xf32, #tpu.memory_space<hbm>> -> memref<32x128xf32, #tpu.memory_space<hbm>>
      tpu.enqueue_dma source(%dma_start3A_1085 : memref<32x128xf32, #tpu.memory_space<hbm>>) target(%dma_start3A_1083 : memref<32x128xf32, #tpu.memory_space<vmem>>) target_semaphore(%arg15 : memref<!tpu.dma_semaphore, #tpu.memory_space<semaphore_mem>>)
      %dma_wait3A_1086 = arith.constant 0 : i32
      %dma_wait3A_1087 = arith.constant 0 : i32
      %dma_wait3A_1088 = arith.constant 0 : i32
      %dma_wait3A_1089 = tpu.memref_slice %arg10[%dma_wait3A_1086, %dma_wait3A_1087, %dma_wait3A_1088] : memref<8x32x128xf32, #tpu.memory_space<vmem>> -> memref<1x32x128xf32, #tpu.memory_space<vmem>>
      %dma_wait3A_1090 = tpu.memref_squeeze %dma_wait3A_1089 : memref<1x32x128xf32, #tpu.memory_space<vmem>> -> memref<32x128xf32, #tpu.memory_space<vmem>>
      %dma_wait3A_1091 = arith.constant 0 : i32
      %dma_wait3A_1092 = tpu.memref_slice %arg4[%dma_wait3A_1091, %multiple_of3A_832] : memref<32x1000000xf32, #tpu.memory_space<hbm>> -> memref<32x128xf32, #tpu.memory_space<hbm>>
      %dma_wait3A_1093 = arith.constant 0 : i32
      %dma_wait3A_1094 = arith.constant 0 : i32
      %dma_wait3A_1095 = tpu.memref_slice %arg10[%dma_wait3A_1086, %dma_wait3A_1093, %dma_wait3A_1094] : memref<8x32x128xf32, #tpu.memory_space<vmem>> -> memref<1x32x128xf32, #tpu.memory_space<vmem>>
      %dma_wait3A_1096 = tpu.memref_squeeze %dma_wait3A_1095 : memref<1x32x128xf32, #tpu.memory_space<vmem>> -> memref<32x128xf32, #tpu.memory_space<vmem>>
      %dma_wait3A_1097 = arith.constant 0 : i32
      %dma_wait3A_1098 = tpu.memref_slice %arg4[%dma_wait3A_1097, %multiple_of3A_832] : memref<32x1000000xf32, #tpu.memory_space<hbm>> -> memref<32x128xf32, #tpu.memory_space<hbm>>
      tpu.wait_dma2 semaphore(%arg14 : memref<!tpu.dma_semaphore, #tpu.memory_space<semaphore_mem>>) src(%dma_wait3A_1098 : memref<32x128xf32, #tpu.memory_space<hbm>>) dst(%dma_wait3A_1096 : memref<32x128xf32, #tpu.memory_space<vmem>>)
      %dma_wait3A_1099 = arith.constant 0 : i32
      %dma_wait3A_1100 = arith.constant 0 : i32
      %dma_wait3A_1101 = arith.constant 0 : i32
      %dma_wait3A_1102 = tpu.memref_slice %arg11[%dma_wait3A_1099, %dma_wait3A_1100, %dma_wait3A_1101] : memref<8x32x128xf32, #tpu.memory_space<vmem>> -> memref<1x32x128xf32, #tpu.memory_space<vmem>>
      %dma_wait3A_1103 = tpu.memref_squeeze %dma_wait3A_1102 : memref<1x32x128xf32, #tpu.memory_space<vmem>> -> memref<32x128xf32, #tpu.memory_space<vmem>>
      %dma_wait3A_1104 = arith.constant 0 : i32
      %dma_wait3A_1105 = tpu.memref_slice %arg5[%dma_wait3A_1104, %multiple_of3A_848] : memref<32x1000000xf32, #tpu.memory_space<hbm>> -> memref<32x128xf32, #tpu.memory_space<hbm>>
      %dma_wait3A_1106 = arith.constant 0 : i32
      %dma_wait3A_1107 = arith.constant 0 : i32
      %dma_wait3A_1108 = tpu.memref_slice %arg11[%dma_wait3A_1099, %dma_wait3A_1106, %dma_wait3A_1107] : memref<8x32x128xf32, #tpu.memory_space<vmem>> -> memref<1x32x128xf32, #tpu.memory_space<vmem>>
      %dma_wait3A_1109 = tpu.memref_squeeze %dma_wait3A_1108 : memref<1x32x128xf32, #tpu.memory_space<vmem>> -> memref<32x128xf32, #tpu.memory_space<vmem>>
      %dma_wait3A_1110 = arith.constant 0 : i32
      %dma_wait3A_1111 = tpu.memref_slice %arg5[%dma_wait3A_1110, %multiple_of3A_848] : memref<32x1000000xf32, #tpu.memory_space<hbm>> -> memref<32x128xf32, #tpu.memory_space<hbm>>
      tpu.wait_dma2 semaphore(%arg15 : memref<!tpu.dma_semaphore, #tpu.memory_space<semaphore_mem>>) src(%dma_wait3A_1111 : memref<32x128xf32, #tpu.memory_space<hbm>>) dst(%dma_wait3A_1109 : memref<32x128xf32, #tpu.memory_space<vmem>>)
      %dma_wait3A_1112 = arith.constant 1 : i32
      %dma_wait3A_1113 = arith.constant 0 : i32
      %dma_wait3A_1114 = arith.constant 0 : i32
      %dma_wait3A_1115 = tpu.memref_slice %arg10[%dma_wait3A_1112, %dma_wait3A_1113, %dma_wait3A_1114] : memref<8x32x128xf32, #tpu.memory_space<vmem>> -> memref<1x32x128xf32, #tpu.memory_space<vmem>>
      %dma_wait3A_1116 = tpu.memref_squeeze %dma_wait3A_1115 : memref<1x32x128xf32, #tpu.memory_space<vmem>> -> memref<32x128xf32, #tpu.memory_space<vmem>>
      %dma_wait3A_1117 = arith.constant 0 : i32
      %dma_wait3A_1118 = tpu.memref_slice %arg4[%dma_wait3A_1117, %multiple_of3A_864] : memref<32x1000000xf32, #tpu.memory_space<hbm>> -> memref<32x128xf32, #tpu.memory_space<hbm>>
      %dma_wait3A_1119 = arith.constant 0 : i32
      %dma_wait3A_1120 = arith.constant 0 : i32
      %dma_wait3A_1121 = tpu.memref_slice %arg10[%dma_wait3A_1112, %dma_wait3A_1119, %dma_wait3A_1120] : memref<8x32x128xf32, #tpu.memory_space<vmem>> -> memref<1x32x128xf32, #tpu.memory_space<vmem>>
      %dma_wait3A_1122 = tpu.memref_squeeze %dma_wait3A_1121 : memref<1x32x128xf32, #tpu.memory_space<vmem>> -> memref<32x128xf32, #tpu.memory_space<vmem>>
      %dma_wait3A_1123 = arith.constant 0 : i32
      %dma_wait3A_1124 = tpu.memref_slice %arg4[%dma_wait3A_1123, %multiple_of3A_864] : memref<32x1000000xf32, #tpu.memory_space<hbm>> -> memref<32x128xf32, #tpu.memory_space<hbm>>
      tpu.wait_dma2 semaphore(%arg14 : memref<!tpu.dma_semaphore, #tpu.memory_space<semaphore_mem>>) src(%dma_wait3A_1124 : memref<32x128xf32, #tpu.memory_space<hbm>>) dst(%dma_wait3A_1122 : memref<32x128xf32, #tpu.memory_space<vmem>>)
      %dma_wait3A_1125 = arith.constant 1 : i32
      %dma_wait3A_1126 = arith.constant 0 : i32
      %dma_wait3A_1127 = arith.constant 0 : i32
      %dma_wait3A_1128 = tpu.memref_slice %arg11[%dma_wait3A_1125, %dma_wait3A_1126, %dma_wait3A_1127] : memref<8x32x128xf32, #tpu.memory_space<vmem>> -> memref<1x32x128xf32, #tpu.memory_space<vmem>>
      %dma_wait3A_1129 = tpu.memref_squeeze %dma_wait3A_1128 : memref<1x32x128xf32, #tpu.memory_space<vmem>> -> memref<32x128xf32, #tpu.memory_space<vmem>>
      %dma_wait3A_1130 = arith.constant 0 : i32
      %dma_wait3A_1131 = tpu.memref_slice %arg5[%dma_wait3A_1130, %multiple_of3A_880] : memref<32x1000000xf32, #tpu.memory_space<hbm>> -> memref<32x128xf32, #tpu.memory_space<hbm>>
      %dma_wait3A_1132 = arith.constant 0 : i32
      %dma_wait3A_1133 = arith.constant 0 : i32
      %dma_wait3A_1134 = tpu.memref_slice %arg11[%dma_wait3A_1125, %dma_wait3A_1132, %dma_wait3A_1133] : memref<8x32x128xf32, #tpu.memory_space<vmem>> -> memref<1x32x128xf32, #tpu.memory_space<vmem>>
      %dma_wait3A_1135 = tpu.memref_squeeze %dma_wait3A_1134 : memref<1x32x128xf32, #tpu.memory_space<vmem>> -> memref<32x128xf32, #tpu.memory_space<vmem>>
      %dma_wait3A_1136 = arith.constant 0 : i32
      %dma_wait3A_1137 = tpu.memref_slice %arg5[%dma_wait3A_1136, %multiple_of3A_880] : memref<32x1000000xf32, #tpu.memory_space<hbm>> -> memref<32x128xf32, #tpu.memory_space<hbm>>
      tpu.wait_dma2 semaphore(%arg15 : memref<!tpu.dma_semaphore, #tpu.memory_space<semaphore_mem>>) src(%dma_wait3A_1137 : memref<32x128xf32, #tpu.memory_space<hbm>>) dst(%dma_wait3A_1135 : memref<32x128xf32, #tpu.memory_space<vmem>>)
      %dma_wait3A_1138 = arith.constant 2 : i32
      %dma_wait3A_1139 = arith.constant 0 : i32
      %dma_wait3A_1140 = arith.constant 0 : i32
      %dma_wait3A_1141 = tpu.memref_slice %arg10[%dma_wait3A_1138, %dma_wait3A_1139, %dma_wait3A_1140] : memref<8x32x128xf32, #tpu.memory_space<vmem>> -> memref<1x32x128xf32, #tpu.memory_space<vmem>>
      %dma_wait3A_1142 = tpu.memref_squeeze %dma_wait3A_1141 : memref<1x32x128xf32, #tpu.memory_space<vmem>> -> memref<32x128xf32, #tpu.memory_space<vmem>>
      %dma_wait3A_1143 = arith.constant 0 : i32
      %dma_wait3A_1144 = tpu.memref_slice %arg4[%dma_wait3A_1143, %multiple_of3A_896] : memref<32x1000000xf32, #tpu.memory_space<hbm>> -> memref<32x128xf32, #tpu.memory_space<hbm>>
      %dma_wait3A_1145 = arith.constant 0 : i32
      %dma_wait3A_1146 = arith.constant 0 : i32
      %dma_wait3A_1147 = tpu.memref_slice %arg10[%dma_wait3A_1138, %dma_wait3A_1145, %dma_wait3A_1146] : memref<8x32x128xf32, #tpu.memory_space<vmem>> -> memref<1x32x128xf32, #tpu.memory_space<vmem>>
      %dma_wait3A_1148 = tpu.memref_squeeze %dma_wait3A_1147 : memref<1x32x128xf32, #tpu.memory_space<vmem>> -> memref<32x128xf32, #tpu.memory_space<vmem>>
      %dma_wait3A_1149 = arith.constant 0 : i32
      %dma_wait3A_1150 = tpu.memref_slice %arg4[%dma_wait3A_1149, %multiple_of3A_896] : memref<32x1000000xf32, #tpu.memory_space<hbm>> -> memref<32x128xf32, #tpu.memory_space<hbm>>
      tpu.wait_dma2 semaphore(%arg14 : memref<!tpu.dma_semaphore, #tpu.memory_space<semaphore_mem>>) src(%dma_wait3A_1150 : memref<32x128xf32, #tpu.memory_space<hbm>>) dst(%dma_wait3A_1148 : memref<32x128xf32, #tpu.memory_space<vmem>>)
      %dma_wait3A_1151 = arith.constant 2 : i32
      %dma_wait3A_1152 = arith.constant 0 : i32
      %dma_wait3A_1153 = arith.constant 0 : i32
      %dma_wait3A_1154 = tpu.memref_slice %arg11[%dma_wait3A_1151, %dma_wait3A_1152, %dma_wait3A_1153] : memref<8x32x128xf32, #tpu.memory_space<vmem>> -> memref<1x32x128xf32, #tpu.memory_space<vmem>>
      %dma_wait3A_1155 = tpu.memref_squeeze %dma_wait3A_1154 : memref<1x32x128xf32, #tpu.memory_space<vmem>> -> memref<32x128xf32, #tpu.memory_space<vmem>>
      %dma_wait3A_1156 = arith.constant 0 : i32
      %dma_wait3A_1157 = tpu.memref_slice %arg5[%dma_wait3A_1156, %multiple_of3A_912] : memref<32x1000000xf32, #tpu.memory_space<hbm>> -> memref<32x128xf32, #tpu.memory_space<hbm>>
      %dma_wait3A_1158 = arith.constant 0 : i32
      %dma_wait3A_1159 = arith.constant 0 : i32
      %dma_wait3A_1160 = tpu.memref_slice %arg11[%dma_wait3A_1151, %dma_wait3A_1158, %dma_wait3A_1159] : memref<8x32x128xf32, #tpu.memory_space<vmem>> -> memref<1x32x128xf32, #tpu.memory_space<vmem>>
      %dma_wait3A_1161 = tpu.memref_squeeze %dma_wait3A_1160 : memref<1x32x128xf32, #tpu.memory_space<vmem>> -> memref<32x128xf32, #tpu.memory_space<vmem>>
      %dma_wait3A_1162 = arith.constant 0 : i32
      %dma_wait3A_1163 = tpu.memref_slice %arg5[%dma_wait3A_1162, %multiple_of3A_912] : memref<32x1000000xf32, #tpu.memory_space<hbm>> -> memref<32x128xf32, #tpu.memory_space<hbm>>
      tpu.wait_dma2 semaphore(%arg15 : memref<!tpu.dma_semaphore, #tpu.memory_space<semaphore_mem>>) src(%dma_wait3A_1163 : memref<32x128xf32, #tpu.memory_space<hbm>>) dst(%dma_wait3A_1161 : memref<32x128xf32, #tpu.memory_space<vmem>>)
      %dma_wait3A_1164 = arith.constant 3 : i32
      %dma_wait3A_1165 = arith.constant 0 : i32
      %dma_wait3A_1166 = arith.constant 0 : i32
      %dma_wait3A_1167 = tpu.memref_slice %arg10[%dma_wait3A_1164, %dma_wait3A_1165, %dma_wait3A_1166] : memref<8x32x128xf32, #tpu.memory_space<vmem>> -> memref<1x32x128xf32, #tpu.memory_space<vmem>>
      %dma_wait3A_1168 = tpu.memref_squeeze %dma_wait3A_1167 : memref<1x32x128xf32, #tpu.memory_space<vmem>> -> memref<32x128xf32, #tpu.memory_space<vmem>>
      %dma_wait3A_1169 = arith.constant 0 : i32
      %dma_wait3A_1170 = tpu.memref_slice %arg4[%dma_wait3A_1169, %multiple_of3A_928] : memref<32x1000000xf32, #tpu.memory_space<hbm>> -> memref<32x128xf32, #tpu.memory_space<hbm>>
      %dma_wait3A_1171 = arith.constant 0 : i32
      %dma_wait3A_1172 = arith.constant 0 : i32
      %dma_wait3A_1173 = tpu.memref_slice %arg10[%dma_wait3A_1164, %dma_wait3A_1171, %dma_wait3A_1172] : memref<8x32x128xf32, #tpu.memory_space<vmem>> -> memref<1x32x128xf32, #tpu.memory_space<vmem>>
      %dma_wait3A_1174 = tpu.memref_squeeze %dma_wait3A_1173 : memref<1x32x128xf32, #tpu.memory_space<vmem>> -> memref<32x128xf32, #tpu.memory_space<vmem>>
      %dma_wait3A_1175 = arith.constant 0 : i32
      %dma_wait3A_1176 = tpu.memref_slice %arg4[%dma_wait3A_1175, %multiple_of3A_928] : memref<32x1000000xf32, #tpu.memory_space<hbm>> -> memref<32x128xf32, #tpu.memory_space<hbm>>
      tpu.wait_dma2 semaphore(%arg14 : memref<!tpu.dma_semaphore, #tpu.memory_space<semaphore_mem>>) src(%dma_wait3A_1176 : memref<32x128xf32, #tpu.memory_space<hbm>>) dst(%dma_wait3A_1174 : memref<32x128xf32, #tpu.memory_space<vmem>>)
      %dma_wait3A_1177 = arith.constant 3 : i32
      %dma_wait3A_1178 = arith.constant 0 : i32
      %dma_wait3A_1179 = arith.constant 0 : i32
      %dma_wait3A_1180 = tpu.memref_slice %arg11[%dma_wait3A_1177, %dma_wait3A_1178, %dma_wait3A_1179] : memref<8x32x128xf32, #tpu.memory_space<vmem>> -> memref<1x32x128xf32, #tpu.memory_space<vmem>>
      %dma_wait3A_1181 = tpu.memref_squeeze %dma_wait3A_1180 : memref<1x32x128xf32, #tpu.memory_space<vmem>> -> memref<32x128xf32, #tpu.memory_space<vmem>>
      %dma_wait3A_1182 = arith.constant 0 : i32
      %dma_wait3A_1183 = tpu.memref_slice %arg5[%dma_wait3A_1182, %multiple_of3A_944] : memref<32x1000000xf32, #tpu.memory_space<hbm>> -> memref<32x128xf32, #tpu.memory_space<hbm>>
      %dma_wait3A_1184 = arith.constant 0 : i32
      %dma_wait3A_1185 = arith.constant 0 : i32
      %dma_wait3A_1186 = tpu.memref_slice %arg11[%dma_wait3A_1177, %dma_wait3A_1184, %dma_wait3A_1185] : memref<8x32x128xf32, #tpu.memory_space<vmem>> -> memref<1x32x128xf32, #tpu.memory_space<vmem>>
      %dma_wait3A_1187 = tpu.memref_squeeze %dma_wait3A_1186 : memref<1x32x128xf32, #tpu.memory_space<vmem>> -> memref<32x128xf32, #tpu.memory_space<vmem>>
      %dma_wait3A_1188 = arith.constant 0 : i32
      %dma_wait3A_1189 = tpu.memref_slice %arg5[%dma_wait3A_1188, %multiple_of3A_944] : memref<32x1000000xf32, #tpu.memory_space<hbm>> -> memref<32x128xf32, #tpu.memory_space<hbm>>
      tpu.wait_dma2 semaphore(%arg15 : memref<!tpu.dma_semaphore, #tpu.memory_space<semaphore_mem>>) src(%dma_wait3A_1189 : memref<32x128xf32, #tpu.memory_space<hbm>>) dst(%dma_wait3A_1187 : memref<32x128xf32, #tpu.memory_space<vmem>>)
      %dma_wait3A_1190 = arith.constant 4 : i32
      %dma_wait3A_1191 = arith.constant 0 : i32
      %dma_wait3A_1192 = arith.constant 0 : i32
      %dma_wait3A_1193 = tpu.memref_slice %arg10[%dma_wait3A_1190, %dma_wait3A_1191, %dma_wait3A_1192] : memref<8x32x128xf32, #tpu.memory_space<vmem>> -> memref<1x32x128xf32, #tpu.memory_space<vmem>>
      %dma_wait3A_1194 = tpu.memref_squeeze %dma_wait3A_1193 : memref<1x32x128xf32, #tpu.memory_space<vmem>> -> memref<32x128xf32, #tpu.memory_space<vmem>>
      %dma_wait3A_1195 = arith.constant 0 : i32
      %dma_wait3A_1196 = tpu.memref_slice %arg4[%dma_wait3A_1195, %multiple_of3A_960] : memref<32x1000000xf32, #tpu.memory_space<hbm>> -> memref<32x128xf32, #tpu.memory_space<hbm>>
      %dma_wait3A_1197 = arith.constant 0 : i32
      %dma_wait3A_1198 = arith.constant 0 : i32
      %dma_wait3A_1199 = tpu.memref_slice %arg10[%dma_wait3A_1190, %dma_wait3A_1197, %dma_wait3A_1198] : memref<8x32x128xf32, #tpu.memory_space<vmem>> -> memref<1x32x128xf32, #tpu.memory_space<vmem>>
      %dma_wait3A_1200 = tpu.memref_squeeze %dma_wait3A_1199 : memref<1x32x128xf32, #tpu.memory_space<vmem>> -> memref<32x128xf32, #tpu.memory_space<vmem>>
      %dma_wait3A_1201 = arith.constant 0 : i32
      %dma_wait3A_1202 = tpu.memref_slice %arg4[%dma_wait3A_1201, %multiple_of3A_960] : memref<32x1000000xf32, #tpu.memory_space<hbm>> -> memref<32x128xf32, #tpu.memory_space<hbm>>
      tpu.wait_dma2 semaphore(%arg14 : memref<!tpu.dma_semaphore, #tpu.memory_space<semaphore_mem>>) src(%dma_wait3A_1202 : memref<32x128xf32, #tpu.memory_space<hbm>>) dst(%dma_wait3A_1200 : memref<32x128xf32, #tpu.memory_space<vmem>>)
      %dma_wait3A_1203 = arith.constant 4 : i32
      %dma_wait3A_1204 = arith.constant 0 : i32
      %dma_wait3A_1205 = arith.constant 0 : i32
      %dma_wait3A_1206 = tpu.memref_slice %arg11[%dma_wait3A_1203, %dma_wait3A_1204, %dma_wait3A_1205] : memref<8x32x128xf32, #tpu.memory_space<vmem>> -> memref<1x32x128xf32, #tpu.memory_space<vmem>>
      %dma_wait3A_1207 = tpu.memref_squeeze %dma_wait3A_1206 : memref<1x32x128xf32, #tpu.memory_space<vmem>> -> memref<32x128xf32, #tpu.memory_space<vmem>>
      %dma_wait3A_1208 = arith.constant 0 : i32
      %dma_wait3A_1209 = tpu.memref_slice %arg5[%dma_wait3A_1208, %multiple_of3A_976] : memref<32x1000000xf32, #tpu.memory_space<hbm>> -> memref<32x128xf32, #tpu.memory_space<hbm>>
      %dma_wait3A_1210 = arith.constant 0 : i32
      %dma_wait3A_1211 = arith.constant 0 : i32
      %dma_wait3A_1212 = tpu.memref_slice %arg11[%dma_wait3A_1203, %dma_wait3A_1210, %dma_wait3A_1211] : memref<8x32x128xf32, #tpu.memory_space<vmem>> -> memref<1x32x128xf32, #tpu.memory_space<vmem>>
      %dma_wait3A_1213 = tpu.memref_squeeze %dma_wait3A_1212 : memref<1x32x128xf32, #tpu.memory_space<vmem>> -> memref<32x128xf32, #tpu.memory_space<vmem>>
      %dma_wait3A_1214 = arith.constant 0 : i32
      %dma_wait3A_1215 = tpu.memref_slice %arg5[%dma_wait3A_1214, %multiple_of3A_976] : memref<32x1000000xf32, #tpu.memory_space<hbm>> -> memref<32x128xf32, #tpu.memory_space<hbm>>
      tpu.wait_dma2 semaphore(%arg15 : memref<!tpu.dma_semaphore, #tpu.memory_space<semaphore_mem>>) src(%dma_wait3A_1215 : memref<32x128xf32, #tpu.memory_space<hbm>>) dst(%dma_wait3A_1213 : memref<32x128xf32, #tpu.memory_space<vmem>>)
      %dma_wait3A_1216 = arith.constant 5 : i32
      %dma_wait3A_1217 = arith.constant 0 : i32
      %dma_wait3A_1218 = arith.constant 0 : i32
      %dma_wait3A_1219 = tpu.memref_slice %arg10[%dma_wait3A_1216, %dma_wait3A_1217, %dma_wait3A_1218] : memref<8x32x128xf32, #tpu.memory_space<vmem>> -> memref<1x32x128xf32, #tpu.memory_space<vmem>>
      %dma_wait3A_1220 = tpu.memref_squeeze %dma_wait3A_1219 : memref<1x32x128xf32, #tpu.memory_space<vmem>> -> memref<32x128xf32, #tpu.memory_space<vmem>>
      %dma_wait3A_1221 = arith.constant 0 : i32
      %dma_wait3A_1222 = tpu.memref_slice %arg4[%dma_wait3A_1221, %multiple_of3A_992] : memref<32x1000000xf32, #tpu.memory_space<hbm>> -> memref<32x128xf32, #tpu.memory_space<hbm>>
      %dma_wait3A_1223 = arith.constant 0 : i32
      %dma_wait3A_1224 = arith.constant 0 : i32
      %dma_wait3A_1225 = tpu.memref_slice %arg10[%dma_wait3A_1216, %dma_wait3A_1223, %dma_wait3A_1224] : memref<8x32x128xf32, #tpu.memory_space<vmem>> -> memref<1x32x128xf32, #tpu.memory_space<vmem>>
      %dma_wait3A_1226 = tpu.memref_squeeze %dma_wait3A_1225 : memref<1x32x128xf32, #tpu.memory_space<vmem>> -> memref<32x128xf32, #tpu.memory_space<vmem>>
      %dma_wait3A_1227 = arith.constant 0 : i32
      %dma_wait3A_1228 = tpu.memref_slice %arg4[%dma_wait3A_1227, %multiple_of3A_992] : memref<32x1000000xf32, #tpu.memory_space<hbm>> -> memref<32x128xf32, #tpu.memory_space<hbm>>
      tpu.wait_dma2 semaphore(%arg14 : memref<!tpu.dma_semaphore, #tpu.memory_space<semaphore_mem>>) src(%dma_wait3A_1228 : memref<32x128xf32, #tpu.memory_space<hbm>>) dst(%dma_wait3A_1226 : memref<32x128xf32, #tpu.memory_space<vmem>>)
      %dma_wait3A_1229 = arith.constant 5 : i32
      %dma_wait3A_1230 = arith.constant 0 : i32
      %dma_wait3A_1231 = arith.constant 0 : i32
      %dma_wait3A_1232 = tpu.memref_slice %arg11[%dma_wait3A_1229, %dma_wait3A_1230, %dma_wait3A_1231] : memref<8x32x128xf32, #tpu.memory_space<vmem>> -> memref<1x32x128xf32, #tpu.memory_space<vmem>>
      %dma_wait3A_1233 = tpu.memref_squeeze %dma_wait3A_1232 : memref<1x32x128xf32, #tpu.memory_space<vmem>> -> memref<32x128xf32, #tpu.memory_space<vmem>>
      %dma_wait3A_1234 = arith.constant 0 : i32
      %dma_wait3A_1235 = tpu.memref_slice %arg5[%dma_wait3A_1234, %multiple_of3A_1008] : memref<32x1000000xf32, #tpu.memory_space<hbm>> -> memref<32x128xf32, #tpu.memory_space<hbm>>
      %dma_wait3A_1236 = arith.constant 0 : i32
      %dma_wait3A_1237 = arith.constant 0 : i32
      %dma_wait3A_1238 = tpu.memref_slice %arg11[%dma_wait3A_1229, %dma_wait3A_1236, %dma_wait3A_1237] : memref<8x32x128xf32, #tpu.memory_space<vmem>> -> memref<1x32x128xf32, #tpu.memory_space<vmem>>
      %dma_wait3A_1239 = tpu.memref_squeeze %dma_wait3A_1238 : memref<1x32x128xf32, #tpu.memory_space<vmem>> -> memref<32x128xf32, #tpu.memory_space<vmem>>
      %dma_wait3A_1240 = arith.constant 0 : i32
      %dma_wait3A_1241 = tpu.memref_slice %arg5[%dma_wait3A_1240, %multiple_of3A_1008] : memref<32x1000000xf32, #tpu.memory_space<hbm>> -> memref<32x128xf32, #tpu.memory_space<hbm>>
      tpu.wait_dma2 semaphore(%arg15 : memref<!tpu.dma_semaphore, #tpu.memory_space<semaphore_mem>>) src(%dma_wait3A_1241 : memref<32x128xf32, #tpu.memory_space<hbm>>) dst(%dma_wait3A_1239 : memref<32x128xf32, #tpu.memory_space<vmem>>)
      %dma_wait3A_1242 = arith.constant 6 : i32
      %dma_wait3A_1243 = arith.constant 0 : i32
      %dma_wait3A_1244 = arith.constant 0 : i32
      %dma_wait3A_1245 = tpu.memref_slice %arg10[%dma_wait3A_1242, %dma_wait3A_1243, %dma_wait3A_1244] : memref<8x32x128xf32, #tpu.memory_space<vmem>> -> memref<1x32x128xf32, #tpu.memory_space<vmem>>
      %dma_wait3A_1246 = tpu.memref_squeeze %dma_wait3A_1245 : memref<1x32x128xf32, #tpu.memory_space<vmem>> -> memref<32x128xf32, #tpu.memory_space<vmem>>
      %dma_wait3A_1247 = arith.constant 0 : i32
      %dma_wait3A_1248 = tpu.memref_slice %arg4[%dma_wait3A_1247, %multiple_of3A_1024] : memref<32x1000000xf32, #tpu.memory_space<hbm>> -> memref<32x128xf32, #tpu.memory_space<hbm>>
      %dma_wait3A_1249 = arith.constant 0 : i32
      %dma_wait3A_1250 = arith.constant 0 : i32
      %dma_wait3A_1251 = tpu.memref_slice %arg10[%dma_wait3A_1242, %dma_wait3A_1249, %dma_wait3A_1250] : memref<8x32x128xf32, #tpu.memory_space<vmem>> -> memref<1x32x128xf32, #tpu.memory_space<vmem>>
      %dma_wait3A_1252 = tpu.memref_squeeze %dma_wait3A_1251 : memref<1x32x128xf32, #tpu.memory_space<vmem>> -> memref<32x128xf32, #tpu.memory_space<vmem>>
      %dma_wait3A_1253 = arith.constant 0 : i32
      %dma_wait3A_1254 = tpu.memref_slice %arg4[%dma_wait3A_1253, %multiple_of3A_1024] : memref<32x1000000xf32, #tpu.memory_space<hbm>> -> memref<32x128xf32, #tpu.memory_space<hbm>>
      tpu.wait_dma2 semaphore(%arg14 : memref<!tpu.dma_semaphore, #tpu.memory_space<semaphore_mem>>) src(%dma_wait3A_1254 : memref<32x128xf32, #tpu.memory_space<hbm>>) dst(%dma_wait3A_1252 : memref<32x128xf32, #tpu.memory_space<vmem>>)
      %dma_wait3A_1255 = arith.constant 6 : i32
      %dma_wait3A_1256 = arith.constant 0 : i32
      %dma_wait3A_1257 = arith.constant 0 : i32
      %dma_wait3A_1258 = tpu.memref_slice %arg11[%dma_wait3A_1255, %dma_wait3A_1256, %dma_wait3A_1257] : memref<8x32x128xf32, #tpu.memory_space<vmem>> -> memref<1x32x128xf32, #tpu.memory_space<vmem>>
      %dma_wait3A_1259 = tpu.memref_squeeze %dma_wait3A_1258 : memref<1x32x128xf32, #tpu.memory_space<vmem>> -> memref<32x128xf32, #tpu.memory_space<vmem>>
      %dma_wait3A_1260 = arith.constant 0 : i32
      %dma_wait3A_1261 = tpu.memref_slice %arg5[%dma_wait3A_1260, %multiple_of3A_1040] : memref<32x1000000xf32, #tpu.memory_space<hbm>> -> memref<32x128xf32, #tpu.memory_space<hbm>>
      %dma_wait3A_1262 = arith.constant 0 : i32
      %dma_wait3A_1263 = arith.constant 0 : i32
      %dma_wait3A_1264 = tpu.memref_slice %arg11[%dma_wait3A_1255, %dma_wait3A_1262, %dma_wait3A_1263] : memref<8x32x128xf32, #tpu.memory_space<vmem>> -> memref<1x32x128xf32, #tpu.memory_space<vmem>>
      %dma_wait3A_1265 = tpu.memref_squeeze %dma_wait3A_1264 : memref<1x32x128xf32, #tpu.memory_space<vmem>> -> memref<32x128xf32, #tpu.memory_space<vmem>>
      %dma_wait3A_1266 = arith.constant 0 : i32
      %dma_wait3A_1267 = tpu.memref_slice %arg5[%dma_wait3A_1266, %multiple_of3A_1040] : memref<32x1000000xf32, #tpu.memory_space<hbm>> -> memref<32x128xf32, #tpu.memory_space<hbm>>
      tpu.wait_dma2 semaphore(%arg15 : memref<!tpu.dma_semaphore, #tpu.memory_space<semaphore_mem>>) src(%dma_wait3A_1267 : memref<32x128xf32, #tpu.memory_space<hbm>>) dst(%dma_wait3A_1265 : memref<32x128xf32, #tpu.memory_space<vmem>>)
      %dma_wait3A_1268 = arith.constant 7 : i32
      %dma_wait3A_1269 = arith.constant 0 : i32
      %dma_wait3A_1270 = arith.constant 0 : i32
      %dma_wait3A_1271 = tpu.memref_slice %arg10[%dma_wait3A_1268, %dma_wait3A_1269, %dma_wait3A_1270] : memref<8x32x128xf32, #tpu.memory_space<vmem>> -> memref<1x32x128xf32, #tpu.memory_space<vmem>>
      %dma_wait3A_1272 = tpu.memref_squeeze %dma_wait3A_1271 : memref<1x32x128xf32, #tpu.memory_space<vmem>> -> memref<32x128xf32, #tpu.memory_space<vmem>>
      %dma_wait3A_1273 = arith.constant 0 : i32
      %dma_wait3A_1274 = tpu.memref_slice %arg4[%dma_wait3A_1273, %multiple_of3A_1056] : memref<32x1000000xf32, #tpu.memory_space<hbm>> -> memref<32x128xf32, #tpu.memory_space<hbm>>
      %dma_wait3A_1275 = arith.constant 0 : i32
      %dma_wait3A_1276 = arith.constant 0 : i32
      %dma_wait3A_1277 = tpu.memref_slice %arg10[%dma_wait3A_1268, %dma_wait3A_1275, %dma_wait3A_1276] : memref<8x32x128xf32, #tpu.memory_space<vmem>> -> memref<1x32x128xf32, #tpu.memory_space<vmem>>
      %dma_wait3A_1278 = tpu.memref_squeeze %dma_wait3A_1277 : memref<1x32x128xf32, #tpu.memory_space<vmem>> -> memref<32x128xf32, #tpu.memory_space<vmem>>
      %dma_wait3A_1279 = arith.constant 0 : i32
      %dma_wait3A_1280 = tpu.memref_slice %arg4[%dma_wait3A_1279, %multiple_of3A_1056] : memref<32x1000000xf32, #tpu.memory_space<hbm>> -> memref<32x128xf32, #tpu.memory_space<hbm>>
      tpu.wait_dma2 semaphore(%arg14 : memref<!tpu.dma_semaphore, #tpu.memory_space<semaphore_mem>>) src(%dma_wait3A_1280 : memref<32x128xf32, #tpu.memory_space<hbm>>) dst(%dma_wait3A_1278 : memref<32x128xf32, #tpu.memory_space<vmem>>)
      %dma_wait3A_1281 = arith.constant 7 : i32
      %dma_wait3A_1282 = arith.constant 0 : i32
      %dma_wait3A_1283 = arith.constant 0 : i32
      %dma_wait3A_1284 = tpu.memref_slice %arg11[%dma_wait3A_1281, %dma_wait3A_1282, %dma_wait3A_1283] : memref<8x32x128xf32, #tpu.memory_space<vmem>> -> memref<1x32x128xf32, #tpu.memory_space<vmem>>
      %dma_wait3A_1285 = tpu.memref_squeeze %dma_wait3A_1284 : memref<1x32x128xf32, #tpu.memory_space<vmem>> -> memref<32x128xf32, #tpu.memory_space<vmem>>
      %dma_wait3A_1286 = arith.constant 0 : i32
      %dma_wait3A_1287 = tpu.memref_slice %arg5[%dma_wait3A_1286, %multiple_of3A_1072] : memref<32x1000000xf32, #tpu.memory_space<hbm>> -> memref<32x128xf32, #tpu.memory_space<hbm>>
      %dma_wait3A_1288 = arith.constant 0 : i32
      %dma_wait3A_1289 = arith.constant 0 : i32
      %dma_wait3A_1290 = tpu.memref_slice %arg11[%dma_wait3A_1281, %dma_wait3A_1288, %dma_wait3A_1289] : memref<8x32x128xf32, #tpu.memory_space<vmem>> -> memref<1x32x128xf32, #tpu.memory_space<vmem>>
      %dma_wait3A_1291 = tpu.memref_squeeze %dma_wait3A_1290 : memref<1x32x128xf32, #tpu.memory_space<vmem>> -> memref<32x128xf32, #tpu.memory_space<vmem>>
      %dma_wait3A_1292 = arith.constant 0 : i32
      %dma_wait3A_1293 = tpu.memref_slice %arg5[%dma_wait3A_1292, %multiple_of3A_1072] : memref<32x1000000xf32, #tpu.memory_space<hbm>> -> memref<32x128xf32, #tpu.memory_space<hbm>>
      tpu.wait_dma2 semaphore(%arg15 : memref<!tpu.dma_semaphore, #tpu.memory_space<semaphore_mem>>) src(%dma_wait3A_1293 : memref<32x128xf32, #tpu.memory_space<hbm>>) dst(%dma_wait3A_1291 : memref<32x128xf32, #tpu.memory_space<vmem>>)
      %broadcast_in_dim3A_1294 = arith.constant 0.000000e+00 : f32
      %broadcast_in_dim3A_1295 = vector.broadcast %broadcast_in_dim3A_1294 : f32 to vector<16xf32>
      %broadcast_in_dim3A_1296 = arith.constant 0.000000e+00 : f32
      %broadcast_in_dim3A_1297 = vector.broadcast %broadcast_in_dim3A_1296 : f32 to vector<16xf32>
      %broadcast_in_dim3A_1298 = arith.constant 0.000000e+00 : f32
      %broadcast_in_dim3A_1299 = vector.broadcast %broadcast_in_dim3A_1298 : f32 to vector<16xf32>
      %broadcast_in_dim3A_1300 = arith.constant 0.000000e+00 : f32
      %broadcast_in_dim3A_1301 = vector.broadcast %broadcast_in_dim3A_1300 : f32 to vector<16xf32>
      %broadcast_in_dim3A_1302 = arith.constant 0 : i32
      %broadcast_in_dim3A_1303 = vector.broadcast %broadcast_in_dim3A_1302 : i32 to vector<16xi32>
      %gather3A_1304 = tpu.vector_load_idx %arg10[%and3A_6, %broadcast_in_dim3A_1303, %and3A_38] : memref<8x32x128xf32, #tpu.memory_space<vmem>>[vector<16xi32>, vector<16xi32>, vector<16xi32>], vector<16xf32>,
      %gather3A_1305 = tpu.vector_load_idx %arg11[%and3A_6, %broadcast_in_dim3A_1303, %and3A_41] : memref<8x32x128xf32, #tpu.memory_space<vmem>>[vector<16xi32>, vector<16xi32>, vector<16xi32>], vector<16xf32>,
      %slice3A_1306 = vector.extract_strided_slice %get3A_9 {offsets = [0], sizes = [1], strides = [1]} : vector<16xf32> to vector<1xf32>
      %squeeze3A_1307 = vector.extract %slice3A_1306[0] : f32 from vector<1xf32>
      %mul3A_1308 = arith.mulf %gather3A_1304, %gather3A_1305 : vector<16xf32>
      %mul3A_1309 = vector.broadcast %squeeze3A_1307 : f32 to vector<16xf32>
      %mul3A_1310 = arith.mulf %mul3A_1308, %mul3A_1309 : vector<16xf32>
      %add3A_1311 = arith.addf %broadcast_in_dim3A_1295, %mul3A_1310 : vector<16xf32>
      %broadcast_in_dim3A_1312 = arith.constant 1 : i32
      %broadcast_in_dim3A_1313 = vector.broadcast %broadcast_in_dim3A_1312 : i32 to vector<16xi32>
      %gather3A_1314 = tpu.vector_load_idx %arg10[%and3A_6, %broadcast_in_dim3A_1313, %and3A_38] : memref<8x32x128xf32, #tpu.memory_space<vmem>>[vector<16xi32>, vector<16xi32>, vector<16xi32>], vector<16xf32>,
      %gather3A_1315 = tpu.vector_load_idx %arg11[%and3A_6, %broadcast_in_dim3A_1313, %and3A_41] : memref<8x32x128xf32, #tpu.memory_space<vmem>>[vector<16xi32>, vector<16xi32>, vector<16xi32>], vector<16xf32>,
      %slice3A_1316 = vector.extract_strided_slice %get3A_9 {offsets = [1], sizes = [1], strides = [1]} : vector<16xf32> to vector<1xf32>
      %squeeze3A_1317 = vector.extract %slice3A_1316[0] : f32 from vector<1xf32>
      %mul3A_1318 = arith.mulf %gather3A_1314, %gather3A_1315 : vector<16xf32>
      %mul3A_1319 = vector.broadcast %squeeze3A_1317 : f32 to vector<16xf32>
      %mul3A_1320 = arith.mulf %mul3A_1318, %mul3A_1319 : vector<16xf32>
      %add3A_1321 = arith.addf %broadcast_in_dim3A_1297, %mul3A_1320 : vector<16xf32>
      %broadcast_in_dim3A_1322 = arith.constant 2 : i32
      %broadcast_in_dim3A_1323 = vector.broadcast %broadcast_in_dim3A_1322 : i32 to vector<16xi32>
      %gather3A_1324 = tpu.vector_load_idx %arg10[%and3A_6, %broadcast_in_dim3A_1323, %and3A_38] : memref<8x32x128xf32, #tpu.memory_space<vmem>>[vector<16xi32>, vector<16xi32>, vector<16xi32>], vector<16xf32>,
      %gather3A_1325 = tpu.vector_load_idx %arg11[%and3A_6, %broadcast_in_dim3A_1323, %and3A_41] : memref<8x32x128xf32, #tpu.memory_space<vmem>>[vector<16xi32>, vector<16xi32>, vector<16xi32>], vector<16xf32>,
      %slice3A_1326 = vector.extract_strided_slice %get3A_9 {offsets = [2], sizes = [1], strides = [1]} : vector<16xf32> to vector<1xf32>
      %squeeze3A_1327 = vector.extract %slice3A_1326[0] : f32 from vector<1xf32>
      %mul3A_1328 = arith.mulf %gather3A_1324, %gather3A_1325 : vector<16xf32>
      %mul3A_1329 = vector.broadcast %squeeze3A_1327 : f32 to vector<16xf32>
      %mul3A_1330 = arith.mulf %mul3A_1328, %mul3A_1329 : vector<16xf32>
      %add3A_1331 = arith.addf %broadcast_in_dim3A_1299, %mul3A_1330 : vector<16xf32>
      %broadcast_in_dim3A_1332 = arith.constant 3 : i32
      %broadcast_in_dim3A_1333 = vector.broadcast %broadcast_in_dim3A_1332 : i32 to vector<16xi32>
      %gather3A_1334 = tpu.vector_load_idx %arg10[%and3A_6, %broadcast_in_dim3A_1333, %and3A_38] : memref<8x32x128xf32, #tpu.memory_space<vmem>>[vector<16xi32>, vector<16xi32>, vector<16xi32>], vector<16xf32>,
      %gather3A_1335 = tpu.vector_load_idx %arg11[%and3A_6, %broadcast_in_dim3A_1333, %and3A_41] : memref<8x32x128xf32, #tpu.memory_space<vmem>>[vector<16xi32>, vector<16xi32>, vector<16xi32>], vector<16xf32>,
      %slice3A_1336 = vector.extract_strided_slice %get3A_9 {offsets = [3], sizes = [1], strides = [1]} : vector<16xf32> to vector<1xf32>
      %squeeze3A_1337 = vector.extract %slice3A_1336[0] : f32 from vector<1xf32>
      %mul3A_1338 = arith.mulf %gather3A_1334, %gather3A_1335 : vector<16xf32>
      %mul3A_1339 = vector.broadcast %squeeze3A_1337 : f32 to vector<16xf32>
      %mul3A_1340 = arith.mulf %mul3A_1338, %mul3A_1339 : vector<16xf32>
      %add3A_1341 = arith.addf %broadcast_in_dim3A_1301, %mul3A_1340 : vector<16xf32>
      %broadcast_in_dim3A_1342 = arith.constant 4 : i32
      %broadcast_in_dim3A_1343 = vector.broadcast %broadcast_in_dim3A_1342 : i32 to vector<16xi32>
      %gather3A_1344 = tpu.vector_load_idx %arg10[%and3A_6, %broadcast_in_dim3A_1343, %and3A_38] : memref<8x32x128xf32, #tpu.memory_space<vmem>>[vector<16xi32>, vector<16xi32>, vector<16xi32>], vector<16xf32>,
      %gather3A_1345 = tpu.vector_load_idx %arg11[%and3A_6, %broadcast_in_dim3A_1343, %and3A_41] : memref<8x32x128xf32, #tpu.memory_space<vmem>>[vector<16xi32>, vector<16xi32>, vector<16xi32>], vector<16xf32>,
      %slice3A_1346 = vector.extract_strided_slice %get3A_9 {offsets = [4], sizes = [1], strides = [1]} : vector<16xf32> to vector<1xf32>
      %squeeze3A_1347 = vector.extract %slice3A_1346[0] : f32 from vector<1xf32>
      %mul3A_1348 = arith.mulf %gather3A_1344, %gather3A_1345 : vector<16xf32>
      %mul3A_1349 = vector.broadcast %squeeze3A_1347 : f32 to vector<16xf32>
      %mul3A_1350 = arith.mulf %mul3A_1348, %mul3A_1349 : vector<16xf32>
      %add3A_1351 = arith.addf %add3A_1311, %mul3A_1350 : vector<16xf32>
      %broadcast_in_dim3A_1352 = arith.constant 5 : i32
      %broadcast_in_dim3A_1353 = vector.broadcast %broadcast_in_dim3A_1352 : i32 to vector<16xi32>
      %gather3A_1354 = tpu.vector_load_idx %arg10[%and3A_6, %broadcast_in_dim3A_1353, %and3A_38] : memref<8x32x128xf32, #tpu.memory_space<vmem>>[vector<16xi32>, vector<16xi32>, vector<16xi32>], vector<16xf32>,
      %gather3A_1355 = tpu.vector_load_idx %arg11[%and3A_6, %broadcast_in_dim3A_1353, %and3A_41] : memref<8x32x128xf32, #tpu.memory_space<vmem>>[vector<16xi32>, vector<16xi32>, vector<16xi32>], vector<16xf32>,
      %slice3A_1356 = vector.extract_strided_slice %get3A_9 {offsets = [5], sizes = [1], strides = [1]} : vector<16xf32> to vector<1xf32>
      %squeeze3A_1357 = vector.extract %slice3A_1356[0] : f32 from vector<1xf32>
      %mul3A_1358 = arith.mulf %gather3A_1354, %gather3A_1355 : vector<16xf32>
      %mul3A_1359 = vector.broadcast %squeeze3A_1357 : f32 to vector<16xf32>
      %mul3A_1360 = arith.mulf %mul3A_1358, %mul3A_1359 : vector<16xf32>
      %add3A_1361 = arith.addf %add3A_1321, %mul3A_1360 : vector<16xf32>
      %broadcast_in_dim3A_1362 = arith.constant 6 : i32
      %broadcast_in_dim3A_1363 = vector.broadcast %broadcast_in_dim3A_1362 : i32 to vector<16xi32>
      %gather3A_1364 = tpu.vector_load_idx %arg10[%and3A_6, %broadcast_in_dim3A_1363, %and3A_38] : memref<8x32x128xf32, #tpu.memory_space<vmem>>[vector<16xi32>, vector<16xi32>, vector<16xi32>], vector<16xf32>,
      %gather3A_1365 = tpu.vector_load_idx %arg11[%and3A_6, %broadcast_in_dim3A_1363, %and3A_41] : memref<8x32x128xf32, #tpu.memory_space<vmem>>[vector<16xi32>, vector<16xi32>, vector<16xi32>], vector<16xf32>,
      %slice3A_1366 = vector.extract_strided_slice %get3A_9 {offsets = [6], sizes = [1], strides = [1]} : vector<16xf32> to vector<1xf32>
      %squeeze3A_1367 = vector.extract %slice3A_1366[0] : f32 from vector<1xf32>
      %mul3A_1368 = arith.mulf %gather3A_1364, %gather3A_1365 : vector<16xf32>
      %mul3A_1369 = vector.broadcast %squeeze3A_1367 : f32 to vector<16xf32>
      %mul3A_1370 = arith.mulf %mul3A_1368, %mul3A_1369 : vector<16xf32>
      %add3A_1371 = arith.addf %add3A_1331, %mul3A_1370 : vector<16xf32>
      %broadcast_in_dim3A_1372 = arith.constant 7 : i32
      %broadcast_in_dim3A_1373 = vector.broadcast %broadcast_in_dim3A_1372 : i32 to vector<16xi32>
      %gather3A_1374 = tpu.vector_load_idx %arg10[%and3A_6, %broadcast_in_dim3A_1373, %and3A_38] : memref<8x32x128xf32, #tpu.memory_space<vmem>>[vector<16xi32>, vector<16xi32>, vector<16xi32>], vector<16xf32>,
      %gather3A_1375 = tpu.vector_load_idx %arg11[%and3A_6, %broadcast_in_dim3A_1373, %and3A_41] : memref<8x32x128xf32, #tpu.memory_space<vmem>>[vector<16xi32>, vector<16xi32>, vector<16xi32>], vector<16xf32>,
      %slice3A_1376 = vector.extract_strided_slice %get3A_9 {offsets = [7], sizes = [1], strides = [1]} : vector<16xf32> to vector<1xf32>
      %squeeze3A_1377 = vector.extract %slice3A_1376[0] : f32 from vector<1xf32>
      %mul3A_1378 = arith.mulf %gather3A_1374, %gather3A_1375 : vector<16xf32>
      %mul3A_1379 = vector.broadcast %squeeze3A_1377 : f32 to vector<16xf32>
      %mul3A_1380 = arith.mulf %mul3A_1378, %mul3A_1379 : vector<16xf32>
      %add3A_1381 = arith.addf %add3A_1341, %mul3A_1380 : vector<16xf32>
      %broadcast_in_dim3A_1382 = arith.constant 8 : i32
      %broadcast_in_dim3A_1383 = vector.broadcast %broadcast_in_dim3A_1382 : i32 to vector<16xi32>
      %gather3A_1384 = tpu.vector_load_idx %arg10[%and3A_6, %broadcast_in_dim3A_1383, %and3A_38] : memref<8x32x128xf32, #tpu.memory_space<vmem>>[vector<16xi32>, vector<16xi32>, vector<16xi32>], vector<16xf32>,
      %gather3A_1385 = tpu.vector_load_idx %arg11[%and3A_6, %broadcast_in_dim3A_1383, %and3A_41] : memref<8x32x128xf32, #tpu.memory_space<vmem>>[vector<16xi32>, vector<16xi32>, vector<16xi32>], vector<16xf32>,
      %slice3A_1386 = vector.extract_strided_slice %get3A_9 {offsets = [8], sizes = [1], strides = [1]} : vector<16xf32> to vector<1xf32>
      %squeeze3A_1387 = vector.extract %slice3A_1386[0] : f32 from vector<1xf32>
      %mul3A_1388 = arith.mulf %gather3A_1384, %gather3A_1385 : vector<16xf32>
      %mul3A_1389 = vector.broadcast %squeeze3A_1387 : f32 to vector<16xf32>
      %mul3A_1390 = arith.mulf %mul3A_1388, %mul3A_1389 : vector<16xf32>
      %add3A_1391 = arith.addf %add3A_1351, %mul3A_1390 : vector<16xf32>
      %broadcast_in_dim3A_1392 = arith.constant 9 : i32
      %broadcast_in_dim3A_1393 = vector.broadcast %broadcast_in_dim3A_1392 : i32 to vector<16xi32>
      %gather3A_1394 = tpu.vector_load_idx %arg10[%and3A_6, %broadcast_in_dim3A_1393, %and3A_38] : memref<8x32x128xf32, #tpu.memory_space<vmem>>[vector<16xi32>, vector<16xi32>, vector<16xi32>], vector<16xf32>,
      %gather3A_1395 = tpu.vector_load_idx %arg11[%and3A_6, %broadcast_in_dim3A_1393, %and3A_41] : memref<8x32x128xf32, #tpu.memory_space<vmem>>[vector<16xi32>, vector<16xi32>, vector<16xi32>], vector<16xf32>,
      %slice3A_1396 = vector.extract_strided_slice %get3A_9 {offsets = [9], sizes = [1], strides = [1]} : vector<16xf32> to vector<1xf32>
      %squeeze3A_1397 = vector.extract %slice3A_1396[0] : f32 from vector<1xf32>
      %mul3A_1398 = arith.mulf %gather3A_1394, %gather3A_1395 : vector<16xf32>
      %mul3A_1399 = vector.broadcast %squeeze3A_1397 : f32 to vector<16xf32>
      %mul3A_1400 = arith.mulf %mul3A_1398, %mul3A_1399 : vector<16xf32>
      %add3A_1401 = arith.addf %add3A_1361, %mul3A_1400 : vector<16xf32>
      %broadcast_in_dim3A_1402 = arith.constant 10 : i32
      %broadcast_in_dim3A_1403 = vector.broadcast %broadcast_in_dim3A_1402 : i32 to vector<16xi32>
      %gather3A_1404 = tpu.vector_load_idx %arg10[%and3A_6, %broadcast_in_dim3A_1403, %and3A_38] : memref<8x32x128xf32, #tpu.memory_space<vmem>>[vector<16xi32>, vector<16xi32>, vector<16xi32>], vector<16xf32>,
      %gather3A_1405 = tpu.vector_load_idx %arg11[%and3A_6, %broadcast_in_dim3A_1403, %and3A_41] : memref<8x32x128xf32, #tpu.memory_space<vmem>>[vector<16xi32>, vector<16xi32>, vector<16xi32>], vector<16xf32>,
      %slice3A_1406 = vector.extract_strided_slice %get3A_9 {offsets = [10], sizes = [1], strides = [1]} : vector<16xf32> to vector<1xf32>
      %squeeze3A_1407 = vector.extract %slice3A_1406[0] : f32 from vector<1xf32>
      %mul3A_1408 = arith.mulf %gather3A_1404, %gather3A_1405 : vector<16xf32>
      %mul3A_1409 = vector.broadcast %squeeze3A_1407 : f32 to vector<16xf32>
      %mul3A_1410 = arith.mulf %mul3A_1408, %mul3A_1409 : vector<16xf32>
      %add3A_1411 = arith.addf %add3A_1371, %mul3A_1410 : vector<16xf32>
      %broadcast_in_dim3A_1412 = arith.constant 11 : i32
      %broadcast_in_dim3A_1413 = vector.broadcast %broadcast_in_dim3A_1412 : i32 to vector<16xi32>
      %gather3A_1414 = tpu.vector_load_idx %arg10[%and3A_6, %broadcast_in_dim3A_1413, %and3A_38] : memref<8x32x128xf32, #tpu.memory_space<vmem>>[vector<16xi32>, vector<16xi32>, vector<16xi32>], vector<16xf32>,
      %gather3A_1415 = tpu.vector_load_idx %arg11[%and3A_6, %broadcast_in_dim3A_1413, %and3A_41] : memref<8x32x128xf32, #tpu.memory_space<vmem>>[vector<16xi32>, vector<16xi32>, vector<16xi32>], vector<16xf32>,
      %slice3A_1416 = vector.extract_strided_slice %get3A_9 {offsets = [11], sizes = [1], strides = [1]} : vector<16xf32> to vector<1xf32>
      %squeeze3A_1417 = vector.extract %slice3A_1416[0] : f32 from vector<1xf32>
      %mul3A_1418 = arith.mulf %gather3A_1414, %gather3A_1415 : vector<16xf32>
      %mul3A_1419 = vector.broadcast %squeeze3A_1417 : f32 to vector<16xf32>
      %mul3A_1420 = arith.mulf %mul3A_1418, %mul3A_1419 : vector<16xf32>
      %add3A_1421 = arith.addf %add3A_1381, %mul3A_1420 : vector<16xf32>
      %broadcast_in_dim3A_1422 = arith.constant 12 : i32
      %broadcast_in_dim3A_1423 = vector.broadcast %broadcast_in_dim3A_1422 : i32 to vector<16xi32>
      %gather3A_1424 = tpu.vector_load_idx %arg10[%and3A_6, %broadcast_in_dim3A_1423, %and3A_38] : memref<8x32x128xf32, #tpu.memory_space<vmem>>[vector<16xi32>, vector<16xi32>, vector<16xi32>], vector<16xf32>,
      %gather3A_1425 = tpu.vector_load_idx %arg11[%and3A_6, %broadcast_in_dim3A_1423, %and3A_41] : memref<8x32x128xf32, #tpu.memory_space<vmem>>[vector<16xi32>, vector<16xi32>, vector<16xi32>], vector<16xf32>,
      %slice3A_1426 = vector.extract_strided_slice %get3A_9 {offsets = [12], sizes = [1], strides = [1]} : vector<16xf32> to vector<1xf32>
      %squeeze3A_1427 = vector.extract %slice3A_1426[0] : f32 from vector<1xf32>
      %mul3A_1428 = arith.mulf %gather3A_1424, %gather3A_1425 : vector<16xf32>
      %mul3A_1429 = vector.broadcast %squeeze3A_1427 : f32 to vector<16xf32>
      %mul3A_1430 = arith.mulf %mul3A_1428, %mul3A_1429 : vector<16xf32>
      %add3A_1431 = arith.addf %add3A_1391, %mul3A_1430 : vector<16xf32>
      %broadcast_in_dim3A_1432 = arith.constant 13 : i32
      %broadcast_in_dim3A_1433 = vector.broadcast %broadcast_in_dim3A_1432 : i32 to vector<16xi32>
      %gather3A_1434 = tpu.vector_load_idx %arg10[%and3A_6, %broadcast_in_dim3A_1433, %and3A_38] : memref<8x32x128xf32, #tpu.memory_space<vmem>>[vector<16xi32>, vector<16xi32>, vector<16xi32>], vector<16xf32>,
      %gather3A_1435 = tpu.vector_load_idx %arg11[%and3A_6, %broadcast_in_dim3A_1433, %and3A_41] : memref<8x32x128xf32, #tpu.memory_space<vmem>>[vector<16xi32>, vector<16xi32>, vector<16xi32>], vector<16xf32>,
      %slice3A_1436 = vector.extract_strided_slice %get3A_9 {offsets = [13], sizes = [1], strides = [1]} : vector<16xf32> to vector<1xf32>
      %squeeze3A_1437 = vector.extract %slice3A_1436[0] : f32 from vector<1xf32>
      %mul3A_1438 = arith.mulf %gather3A_1434, %gather3A_1435 : vector<16xf32>
      %mul3A_1439 = vector.broadcast %squeeze3A_1437 : f32 to vector<16xf32>
      %mul3A_1440 = arith.mulf %mul3A_1438, %mul3A_1439 : vector<16xf32>
      %add3A_1441 = arith.addf %add3A_1401, %mul3A_1440 : vector<16xf32>
      %broadcast_in_dim3A_1442 = arith.constant 14 : i32
      %broadcast_in_dim3A_1443 = vector.broadcast %broadcast_in_dim3A_1442 : i32 to vector<16xi32>
      %gather3A_1444 = tpu.vector_load_idx %arg10[%and3A_6, %broadcast_in_dim3A_1443, %and3A_38] : memref<8x32x128xf32, #tpu.memory_space<vmem>>[vector<16xi32>, vector<16xi32>, vector<16xi32>], vector<16xf32>,
      %gather3A_1445 = tpu.vector_load_idx %arg11[%and3A_6, %broadcast_in_dim3A_1443, %and3A_41] : memref<8x32x128xf32, #tpu.memory_space<vmem>>[vector<16xi32>, vector<16xi32>, vector<16xi32>], vector<16xf32>,
      %slice3A_1446 = vector.extract_strided_slice %get3A_9 {offsets = [14], sizes = [1], strides = [1]} : vector<16xf32> to vector<1xf32>
      %squeeze3A_1447 = vector.extract %slice3A_1446[0] : f32 from vector<1xf32>
      %mul3A_1448 = arith.mulf %gather3A_1444, %gather3A_1445 : vector<16xf32>
      %mul3A_1449 = vector.broadcast %squeeze3A_1447 : f32 to vector<16xf32>
      %mul3A_1450 = arith.mulf %mul3A_1448, %mul3A_1449 : vector<16xf32>
      %add3A_1451 = arith.addf %add3A_1411, %mul3A_1450 : vector<16xf32>
      %broadcast_in_dim3A_1452 = arith.constant 15 : i32
      %broadcast_in_dim3A_1453 = vector.broadcast %broadcast_in_dim3A_1452 : i32 to vector<16xi32>
      %gather3A_1454 = tpu.vector_load_idx %arg10[%and3A_6, %broadcast_in_dim3A_1453, %and3A_38] : memref<8x32x128xf32, #tpu.memory_space<vmem>>[vector<16xi32>, vector<16xi32>, vector<16xi32>], vector<16xf32>,
      %gather3A_1455 = tpu.vector_load_idx %arg11[%and3A_6, %broadcast_in_dim3A_1453, %and3A_41] : memref<8x32x128xf32, #tpu.memory_space<vmem>>[vector<16xi32>, vector<16xi32>, vector<16xi32>], vector<16xf32>,
      %slice3A_1456 = vector.extract_strided_slice %get3A_9 {offsets = [15], sizes = [1], strides = [1]} : vector<16xf32> to vector<1xf32>
      %squeeze3A_1457 = vector.extract %slice3A_1456[0] : f32 from vector<1xf32>
      %mul3A_1458 = arith.mulf %gather3A_1454, %gather3A_1455 : vector<16xf32>
      %mul3A_1459 = vector.broadcast %squeeze3A_1457 : f32 to vector<16xf32>
      %mul3A_1460 = arith.mulf %mul3A_1458, %mul3A_1459 : vector<16xf32>
      %add3A_1461 = arith.addf %add3A_1421, %mul3A_1460 : vector<16xf32>
      %broadcast_in_dim3A_1462 = arith.constant 16 : i32
      %broadcast_in_dim3A_1463 = vector.broadcast %broadcast_in_dim3A_1462 : i32 to vector<16xi32>
      %gather3A_1464 = tpu.vector_load_idx %arg10[%and3A_6, %broadcast_in_dim3A_1463, %and3A_38] : memref<8x32x128xf32, #tpu.memory_space<vmem>>[vector<16xi32>, vector<16xi32>, vector<16xi32>], vector<16xf32>,
      %gather3A_1465 = tpu.vector_load_idx %arg11[%and3A_6, %broadcast_in_dim3A_1463, %and3A_41] : memref<8x32x128xf32, #tpu.memory_space<vmem>>[vector<16xi32>, vector<16xi32>, vector<16xi32>], vector<16xf32>,
      %slice3A_1466 = vector.extract_strided_slice %get3A_11 {offsets = [0], sizes = [1], strides = [1]} : vector<16xf32> to vector<1xf32>
      %squeeze3A_1467 = vector.extract %slice3A_1466[0] : f32 from vector<1xf32>
      %mul3A_1468 = arith.mulf %gather3A_1464, %gather3A_1465 : vector<16xf32>
      %mul3A_1469 = vector.broadcast %squeeze3A_1467 : f32 to vector<16xf32>
      %mul3A_1470 = arith.mulf %mul3A_1468, %mul3A_1469 : vector<16xf32>
      %add3A_1471 = arith.addf %add3A_1431, %mul3A_1470 : vector<16xf32>
      %broadcast_in_dim3A_1472 = arith.constant 17 : i32
      %broadcast_in_dim3A_1473 = vector.broadcast %broadcast_in_dim3A_1472 : i32 to vector<16xi32>
      %gather3A_1474 = tpu.vector_load_idx %arg10[%and3A_6, %broadcast_in_dim3A_1473, %and3A_38] : memref<8x32x128xf32, #tpu.memory_space<vmem>>[vector<16xi32>, vector<16xi32>, vector<16xi32>], vector<16xf32>,
      %gather3A_1475 = tpu.vector_load_idx %arg11[%and3A_6, %broadcast_in_dim3A_1473, %and3A_41] : memref<8x32x128xf32, #tpu.memory_space<vmem>>[vector<16xi32>, vector<16xi32>, vector<16xi32>], vector<16xf32>,
      %slice3A_1476 = vector.extract_strided_slice %get3A_11 {offsets = [1], sizes = [1], strides = [1]} : vector<16xf32> to vector<1xf32>
      %squeeze3A_1477 = vector.extract %slice3A_1476[0] : f32 from vector<1xf32>
      %mul3A_1478 = arith.mulf %gather3A_1474, %gather3A_1475 : vector<16xf32>
      %mul3A_1479 = vector.broadcast %squeeze3A_1477 : f32 to vector<16xf32>
      %mul3A_1480 = arith.mulf %mul3A_1478, %mul3A_1479 : vector<16xf32>
      %add3A_1481 = arith.addf %add3A_1441, %mul3A_1480 : vector<16xf32>
      %broadcast_in_dim3A_1482 = arith.constant 18 : i32
      %broadcast_in_dim3A_1483 = vector.broadcast %broadcast_in_dim3A_1482 : i32 to vector<16xi32>
      %gather3A_1484 = tpu.vector_load_idx %arg10[%and3A_6, %broadcast_in_dim3A_1483, %and3A_38] : memref<8x32x128xf32, #tpu.memory_space<vmem>>[vector<16xi32>, vector<16xi32>, vector<16xi32>], vector<16xf32>,
      %gather3A_1485 = tpu.vector_load_idx %arg11[%and3A_6, %broadcast_in_dim3A_1483, %and3A_41] : memref<8x32x128xf32, #tpu.memory_space<vmem>>[vector<16xi32>, vector<16xi32>, vector<16xi32>], vector<16xf32>,
      %slice3A_1486 = vector.extract_strided_slice %get3A_11 {offsets = [2], sizes = [1], strides = [1]} : vector<16xf32> to vector<1xf32>
      %squeeze3A_1487 = vector.extract %slice3A_1486[0] : f32 from vector<1xf32>
      %mul3A_1488 = arith.mulf %gather3A_1484, %gather3A_1485 : vector<16xf32>
      %mul3A_1489 = vector.broadcast %squeeze3A_1487 : f32 to vector<16xf32>
      %mul3A_1490 = arith.mulf %mul3A_1488, %mul3A_1489 : vector<16xf32>
      %add3A_1491 = arith.addf %add3A_1451, %mul3A_1490 : vector<16xf32>
      %broadcast_in_dim3A_1492 = arith.constant 19 : i32
      %broadcast_in_dim3A_1493 = vector.broadcast %broadcast_in_dim3A_1492 : i32 to vector<16xi32>
      %gather3A_1494 = tpu.vector_load_idx %arg10[%and3A_6, %broadcast_in_dim3A_1493, %and3A_38] : memref<8x32x128xf32, #tpu.memory_space<vmem>>[vector<16xi32>, vector<16xi32>, vector<16xi32>], vector<16xf32>,
      %gather3A_1495 = tpu.vector_load_idx %arg11[%and3A_6, %broadcast_in_dim3A_1493, %and3A_41] : memref<8x32x128xf32, #tpu.memory_space<vmem>>[vector<16xi32>, vector<16xi32>, vector<16xi32>], vector<16xf32>,
      %slice3A_1496 = vector.extract_strided_slice %get3A_11 {offsets = [3], sizes = [1], strides = [1]} : vector<16xf32> to vector<1xf32>
      %squeeze3A_1497 = vector.extract %slice3A_1496[0] : f32 from vector<1xf32>
      %mul3A_1498 = arith.mulf %gather3A_1494, %gather3A_1495 : vector<16xf32>
      %mul3A_1499 = vector.broadcast %squeeze3A_1497 : f32 to vector<16xf32>
      %mul3A_1500 = arith.mulf %mul3A_1498, %mul3A_1499 : vector<16xf32>
      %add3A_1501 = arith.addf %add3A_1461, %mul3A_1500 : vector<16xf32>
      %broadcast_in_dim3A_1502 = arith.constant 20 : i32
      %broadcast_in_dim3A_1503 = vector.broadcast %broadcast_in_dim3A_1502 : i32 to vector<16xi32>
      %gather3A_1504 = tpu.vector_load_idx %arg10[%and3A_6, %broadcast_in_dim3A_1503, %and3A_38] : memref<8x32x128xf32, #tpu.memory_space<vmem>>[vector<16xi32>, vector<16xi32>, vector<16xi32>], vector<16xf32>,
      %gather3A_1505 = tpu.vector_load_idx %arg11[%and3A_6, %broadcast_in_dim3A_1503, %and3A_41] : memref<8x32x128xf32, #tpu.memory_space<vmem>>[vector<16xi32>, vector<16xi32>, vector<16xi32>], vector<16xf32>,
      %slice3A_1506 = vector.extract_strided_slice %get3A_11 {offsets = [4], sizes = [1], strides = [1]} : vector<16xf32> to vector<1xf32>
      %squeeze3A_1507 = vector.extract %slice3A_1506[0] : f32 from vector<1xf32>
      %mul3A_1508 = arith.mulf %gather3A_1504, %gather3A_1505 : vector<16xf32>
      %mul3A_1509 = vector.broadcast %squeeze3A_1507 : f32 to vector<16xf32>
      %mul3A_1510 = arith.mulf %mul3A_1508, %mul3A_1509 : vector<16xf32>
      %add3A_1511 = arith.addf %add3A_1471, %mul3A_1510 : vector<16xf32>
      %broadcast_in_dim3A_1512 = arith.constant 21 : i32
      %broadcast_in_dim3A_1513 = vector.broadcast %broadcast_in_dim3A_1512 : i32 to vector<16xi32>
      %gather3A_1514 = tpu.vector_load_idx %arg10[%and3A_6, %broadcast_in_dim3A_1513, %and3A_38] : memref<8x32x128xf32, #tpu.memory_space<vmem>>[vector<16xi32>, vector<16xi32>, vector<16xi32>], vector<16xf32>,
      %gather3A_1515 = tpu.vector_load_idx %arg11[%and3A_6, %broadcast_in_dim3A_1513, %and3A_41] : memref<8x32x128xf32, #tpu.memory_space<vmem>>[vector<16xi32>, vector<16xi32>, vector<16xi32>], vector<16xf32>,
      %slice3A_1516 = vector.extract_strided_slice %get3A_11 {offsets = [5], sizes = [1], strides = [1]} : vector<16xf32> to vector<1xf32>
      %squeeze3A_1517 = vector.extract %slice3A_1516[0] : f32 from vector<1xf32>
      %mul3A_1518 = arith.mulf %gather3A_1514, %gather3A_1515 : vector<16xf32>
      %mul3A_1519 = vector.broadcast %squeeze3A_1517 : f32 to vector<16xf32>
      %mul3A_1520 = arith.mulf %mul3A_1518, %mul3A_1519 : vector<16xf32>
      %add3A_1521 = arith.addf %add3A_1481, %mul3A_1520 : vector<16xf32>
      %broadcast_in_dim3A_1522 = arith.constant 22 : i32
      %broadcast_in_dim3A_1523 = vector.broadcast %broadcast_in_dim3A_1522 : i32 to vector<16xi32>
      %gather3A_1524 = tpu.vector_load_idx %arg10[%and3A_6, %broadcast_in_dim3A_1523, %and3A_38] : memref<8x32x128xf32, #tpu.memory_space<vmem>>[vector<16xi32>, vector<16xi32>, vector<16xi32>], vector<16xf32>,
      %gather3A_1525 = tpu.vector_load_idx %arg11[%and3A_6, %broadcast_in_dim3A_1523, %and3A_41] : memref<8x32x128xf32, #tpu.memory_space<vmem>>[vector<16xi32>, vector<16xi32>, vector<16xi32>], vector<16xf32>,
      %slice3A_1526 = vector.extract_strided_slice %get3A_11 {offsets = [6], sizes = [1], strides = [1]} : vector<16xf32> to vector<1xf32>
      %squeeze3A_1527 = vector.extract %slice3A_1526[0] : f32 from vector<1xf32>
      %mul3A_1528 = arith.mulf %gather3A_1524, %gather3A_1525 : vector<16xf32>
      %mul3A_1529 = vector.broadcast %squeeze3A_1527 : f32 to vector<16xf32>
      %mul3A_1530 = arith.mulf %mul3A_1528, %mul3A_1529 : vector<16xf32>
      %add3A_1531 = arith.addf %add3A_1491, %mul3A_1530 : vector<16xf32>
      %broadcast_in_dim3A_1532 = arith.constant 23 : i32
      %broadcast_in_dim3A_1533 = vector.broadcast %broadcast_in_dim3A_1532 : i32 to vector<16xi32>
      %gather3A_1534 = tpu.vector_load_idx %arg10[%and3A_6, %broadcast_in_dim3A_1533, %and3A_38] : memref<8x32x128xf32, #tpu.memory_space<vmem>>[vector<16xi32>, vector<16xi32>, vector<16xi32>], vector<16xf32>,
      %gather3A_1535 = tpu.vector_load_idx %arg11[%and3A_6, %broadcast_in_dim3A_1533, %and3A_41] : memref<8x32x128xf32, #tpu.memory_space<vmem>>[vector<16xi32>, vector<16xi32>, vector<16xi32>], vector<16xf32>,
      %slice3A_1536 = vector.extract_strided_slice %get3A_11 {offsets = [7], sizes = [1], strides = [1]} : vector<16xf32> to vector<1xf32>
      %squeeze3A_1537 = vector.extract %slice3A_1536[0] : f32 from vector<1xf32>
      %mul3A_1538 = arith.mulf %gather3A_1534, %gather3A_1535 : vector<16xf32>
      %mul3A_1539 = vector.broadcast %squeeze3A_1537 : f32 to vector<16xf32>
      %mul3A_1540 = arith.mulf %mul3A_1538, %mul3A_1539 : vector<16xf32>
      %add3A_1541 = arith.addf %add3A_1501, %mul3A_1540 : vector<16xf32>
      %broadcast_in_dim3A_1542 = arith.constant 24 : i32
      %broadcast_in_dim3A_1543 = vector.broadcast %broadcast_in_dim3A_1542 : i32 to vector<16xi32>
      %gather3A_1544 = tpu.vector_load_idx %arg10[%and3A_6, %broadcast_in_dim3A_1543, %and3A_38] : memref<8x32x128xf32, #tpu.memory_space<vmem>>[vector<16xi32>, vector<16xi32>, vector<16xi32>], vector<16xf32>,
      %gather3A_1545 = tpu.vector_load_idx %arg11[%and3A_6, %broadcast_in_dim3A_1543, %and3A_41] : memref<8x32x128xf32, #tpu.memory_space<vmem>>[vector<16xi32>, vector<16xi32>, vector<16xi32>], vector<16xf32>,
      %slice3A_1546 = vector.extract_strided_slice %get3A_11 {offsets = [8], sizes = [1], strides = [1]} : vector<16xf32> to vector<1xf32>
      %squeeze3A_1547 = vector.extract %slice3A_1546[0] : f32 from vector<1xf32>
      %mul3A_1548 = arith.mulf %gather3A_1544, %gather3A_1545 : vector<16xf32>
      %mul3A_1549 = vector.broadcast %squeeze3A_1547 : f32 to vector<16xf32>
      %mul3A_1550 = arith.mulf %mul3A_1548, %mul3A_1549 : vector<16xf32>
      %add3A_1551 = arith.addf %add3A_1511, %mul3A_1550 : vector<16xf32>
      %broadcast_in_dim3A_1552 = arith.constant 25 : i32
      %broadcast_in_dim3A_1553 = vector.broadcast %broadcast_in_dim3A_1552 : i32 to vector<16xi32>
      %gather3A_1554 = tpu.vector_load_idx %arg10[%and3A_6, %broadcast_in_dim3A_1553, %and3A_38] : memref<8x32x128xf32, #tpu.memory_space<vmem>>[vector<16xi32>, vector<16xi32>, vector<16xi32>], vector<16xf32>,
      %gather3A_1555 = tpu.vector_load_idx %arg11[%and3A_6, %broadcast_in_dim3A_1553, %and3A_41] : memref<8x32x128xf32, #tpu.memory_space<vmem>>[vector<16xi32>, vector<16xi32>, vector<16xi32>], vector<16xf32>,
      %slice3A_1556 = vector.extract_strided_slice %get3A_11 {offsets = [9], sizes = [1], strides = [1]} : vector<16xf32> to vector<1xf32>
      %squeeze3A_1557 = vector.extract %slice3A_1556[0] : f32 from vector<1xf32>
      %mul3A_1558 = arith.mulf %gather3A_1554, %gather3A_1555 : vector<16xf32>
      %mul3A_1559 = vector.broadcast %squeeze3A_1557 : f32 to vector<16xf32>
      %mul3A_1560 = arith.mulf %mul3A_1558, %mul3A_1559 : vector<16xf32>
      %add3A_1561 = arith.addf %add3A_1521, %mul3A_1560 : vector<16xf32>
      %broadcast_in_dim3A_1562 = arith.constant 26 : i32
      %broadcast_in_dim3A_1563 = vector.broadcast %broadcast_in_dim3A_1562 : i32 to vector<16xi32>
      %gather3A_1564 = tpu.vector_load_idx %arg10[%and3A_6, %broadcast_in_dim3A_1563, %and3A_38] : memref<8x32x128xf32, #tpu.memory_space<vmem>>[vector<16xi32>, vector<16xi32>, vector<16xi32>], vector<16xf32>,
      %gather3A_1565 = tpu.vector_load_idx %arg11[%and3A_6, %broadcast_in_dim3A_1563, %and3A_41] : memref<8x32x128xf32, #tpu.memory_space<vmem>>[vector<16xi32>, vector<16xi32>, vector<16xi32>], vector<16xf32>,
      %slice3A_1566 = vector.extract_strided_slice %get3A_11 {offsets = [10], sizes = [1], strides = [1]} : vector<16xf32> to vector<1xf32>
      %squeeze3A_1567 = vector.extract %slice3A_1566[0] : f32 from vector<1xf32>
      %mul3A_1568 = arith.mulf %gather3A_1564, %gather3A_1565 : vector<16xf32>
      %mul3A_1569 = vector.broadcast %squeeze3A_1567 : f32 to vector<16xf32>
      %mul3A_1570 = arith.mulf %mul3A_1568, %mul3A_1569 : vector<16xf32>
      %add3A_1571 = arith.addf %add3A_1531, %mul3A_1570 : vector<16xf32>
      %broadcast_in_dim3A_1572 = arith.constant 27 : i32
      %broadcast_in_dim3A_1573 = vector.broadcast %broadcast_in_dim3A_1572 : i32 to vector<16xi32>
      %gather3A_1574 = tpu.vector_load_idx %arg10[%and3A_6, %broadcast_in_dim3A_1573, %and3A_38] : memref<8x32x128xf32, #tpu.memory_space<vmem>>[vector<16xi32>, vector<16xi32>, vector<16xi32>], vector<16xf32>,
      %gather3A_1575 = tpu.vector_load_idx %arg11[%and3A_6, %broadcast_in_dim3A_1573, %and3A_41] : memref<8x32x128xf32, #tpu.memory_space<vmem>>[vector<16xi32>, vector<16xi32>, vector<16xi32>], vector<16xf32>,
      %slice3A_1576 = vector.extract_strided_slice %get3A_11 {offsets = [11], sizes = [1], strides = [1]} : vector<16xf32> to vector<1xf32>
      %squeeze3A_1577 = vector.extract %slice3A_1576[0] : f32 from vector<1xf32>
      %mul3A_1578 = arith.mulf %gather3A_1574, %gather3A_1575 : vector<16xf32>
      %mul3A_1579 = vector.broadcast %squeeze3A_1577 : f32 to vector<16xf32>
      %mul3A_1580 = arith.mulf %mul3A_1578, %mul3A_1579 : vector<16xf32>
      %add3A_1581 = arith.addf %add3A_1541, %mul3A_1580 : vector<16xf32>
      %broadcast_in_dim3A_1582 = arith.constant 28 : i32
      %broadcast_in_dim3A_1583 = vector.broadcast %broadcast_in_dim3A_1582 : i32 to vector<16xi32>
      %gather3A_1584 = tpu.vector_load_idx %arg10[%and3A_6, %broadcast_in_dim3A_1583, %and3A_38] : memref<8x32x128xf32, #tpu.memory_space<vmem>>[vector<16xi32>, vector<16xi32>, vector<16xi32>], vector<16xf32>,
      %gather3A_1585 = tpu.vector_load_idx %arg11[%and3A_6, %broadcast_in_dim3A_1583, %and3A_41] : memref<8x32x128xf32, #tpu.memory_space<vmem>>[vector<16xi32>, vector<16xi32>, vector<16xi32>], vector<16xf32>,
      %slice3A_1586 = vector.extract_strided_slice %get3A_11 {offsets = [12], sizes = [1], strides = [1]} : vector<16xf32> to vector<1xf32>
      %squeeze3A_1587 = vector.extract %slice3A_1586[0] : f32 from vector<1xf32>
      %mul3A_1588 = arith.mulf %gather3A_1584, %gather3A_1585 : vector<16xf32>
      %mul3A_1589 = vector.broadcast %squeeze3A_1587 : f32 to vector<16xf32>
      %mul3A_1590 = arith.mulf %mul3A_1588, %mul3A_1589 : vector<16xf32>
      %add3A_1591 = arith.addf %add3A_1551, %mul3A_1590 : vector<16xf32>
      %broadcast_in_dim3A_1592 = arith.constant 29 : i32
      %broadcast_in_dim3A_1593 = vector.broadcast %broadcast_in_dim3A_1592 : i32 to vector<16xi32>
      %gather3A_1594 = tpu.vector_load_idx %arg10[%and3A_6, %broadcast_in_dim3A_1593, %and3A_38] : memref<8x32x128xf32, #tpu.memory_space<vmem>>[vector<16xi32>, vector<16xi32>, vector<16xi32>], vector<16xf32>,
      %gather3A_1595 = tpu.vector_load_idx %arg11[%and3A_6, %broadcast_in_dim3A_1593, %and3A_41] : memref<8x32x128xf32, #tpu.memory_space<vmem>>[vector<16xi32>, vector<16xi32>, vector<16xi32>], vector<16xf32>,
      %slice3A_1596 = vector.extract_strided_slice %get3A_11 {offsets = [13], sizes = [1], strides = [1]} : vector<16xf32> to vector<1xf32>
      %squeeze3A_1597 = vector.extract %slice3A_1596[0] : f32 from vector<1xf32>
      %mul3A_1598 = arith.mulf %gather3A_1594, %gather3A_1595 : vector<16xf32>
      %mul3A_1599 = vector.broadcast %squeeze3A_1597 : f32 to vector<16xf32>
      %mul3A_1600 = arith.mulf %mul3A_1598, %mul3A_1599 : vector<16xf32>
      %add3A_1601 = arith.addf %add3A_1561, %mul3A_1600 : vector<16xf32>
      %broadcast_in_dim3A_1602 = arith.constant 30 : i32
      %broadcast_in_dim3A_1603 = vector.broadcast %broadcast_in_dim3A_1602 : i32 to vector<16xi32>
      %gather3A_1604 = tpu.vector_load_idx %arg10[%and3A_6, %broadcast_in_dim3A_1603, %and3A_38] : memref<8x32x128xf32, #tpu.memory_space<vmem>>[vector<16xi32>, vector<16xi32>, vector<16xi32>], vector<16xf32>,
      %gather3A_1605 = tpu.vector_load_idx %arg11[%and3A_6, %broadcast_in_dim3A_1603, %and3A_41] : memref<8x32x128xf32, #tpu.memory_space<vmem>>[vector<16xi32>, vector<16xi32>, vector<16xi32>], vector<16xf32>,
      %slice3A_1606 = vector.extract_strided_slice %get3A_11 {offsets = [14], sizes = [1], strides = [1]} : vector<16xf32> to vector<1xf32>
      %squeeze3A_1607 = vector.extract %slice3A_1606[0] : f32 from vector<1xf32>
      %mul3A_1608 = arith.mulf %gather3A_1604, %gather3A_1605 : vector<16xf32>
      %mul3A_1609 = vector.broadcast %squeeze3A_1607 : f32 to vector<16xf32>
      %mul3A_1610 = arith.mulf %mul3A_1608, %mul3A_1609 : vector<16xf32>
      %add3A_1611 = arith.addf %add3A_1571, %mul3A_1610 : vector<16xf32>
      %broadcast_in_dim3A_1612 = arith.constant 31 : i32
      %broadcast_in_dim3A_1613 = vector.broadcast %broadcast_in_dim3A_1612 : i32 to vector<16xi32>
      %gather3A_1614 = tpu.vector_load_idx %arg10[%and3A_6, %broadcast_in_dim3A_1613, %and3A_38] : memref<8x32x128xf32, #tpu.memory_space<vmem>>[vector<16xi32>, vector<16xi32>, vector<16xi32>], vector<16xf32>,
      %gather3A_1615 = tpu.vector_load_idx %arg11[%and3A_6, %broadcast_in_dim3A_1613, %and3A_41] : memref<8x32x128xf32, #tpu.memory_space<vmem>>[vector<16xi32>, vector<16xi32>, vector<16xi32>], vector<16xf32>,
      %slice3A_1616 = vector.extract_strided_slice %get3A_11 {offsets = [15], sizes = [1], strides = [1]} : vector<16xf32> to vector<1xf32>
      %squeeze3A_1617 = vector.extract %slice3A_1616[0] : f32 from vector<1xf32>
      %mul3A_1618 = arith.mulf %gather3A_1614, %gather3A_1615 : vector<16xf32>
      %mul3A_1619 = vector.broadcast %squeeze3A_1617 : f32 to vector<16xf32>
      %mul3A_1620 = arith.mulf %mul3A_1618, %mul3A_1619 : vector<16xf32>
      %add3A_1621 = arith.addf %add3A_1581, %mul3A_1620 : vector<16xf32>
      %add3A_1622 = arith.addf %add3A_1591, %add3A_1601 : vector<16xf32>
      %add3A_1623 = arith.addf %add3A_1611, %add3A_1621 : vector<16xf32>
      %add3A_1624 = arith.addf %add3A_1622, %add3A_1623 : vector<16xf32>
      %select_n3A = arith.select %lt3A_4, %add3A_829, %add3A_1624 : vector<16xi1>, vector<16xf32>
      %add3A_1625 = arith.addf %select_n3A, %get3A_7 : vector<16xf32>
      %neg3A = arith.constant 0.000000e+00 : f32
      %neg3A_1626 = vector.broadcast %neg3A : f32 to vector<16xf32>
      %neg3A_1627 = arith.subf %neg3A_1626, %add3A_1625 : vector<16xf32>
      %exp3A = math.exp %neg3A_1627 : vector<16xf32>
      %add3A_1628 = arith.constant 1.000000e+00 : f32
      %add3A_1629 = vector.broadcast %add3A_1628 : f32 to vector<16xf32>
      %add3A_1630 = arith.addf %add3A_1629, %exp3A : vector<16xf32>
      %div3A = arith.constant 1.000000e+00 : f32
      %div3A_1631 = vector.broadcast %div3A : f32 to vector<16xf32>
      %div3A_1632 = arith.divf %div3A_1631, %add3A_1630 : vector<16xf32>
      %swap3A = arith.index_cast %mul3A_21 : i32 to index
      %swap3A_1633 = tpu.vector_load %arg13[%swap3A] {strides = array<i32>} : memref<512xf32, #tpu.memory_space<vmem>>, vector<16xf32>,
      tpu.vector_store %arg13[%swap3A], %div3A_1632 {strides = array<i32>} : memref<512xf32, #tpu.memory_space<vmem>>, vector<16xf32>,
      %scan3A_1634 = arith.constant 0 : i32
      scf.yield %scan3A_1634 : i32
    }
    %scan3A_17 = arith.constant 32 : i32
    "tpu.region"() ({
      %run_scoped3A = tpu.sem_alloc : memref<!tpu.dma_semaphore, #tpu.memory_space<semaphore_mem>>
      %dma_start3A = tpu.memref_slice %arg7[%mul3A_2] : memref<16384xf32, #tpu.memory_space<hbm>> -> memref<512xf32, #tpu.memory_space<hbm>>
      %dma_start3A_18 = tpu.memref_slice %arg7[%mul3A_2] : memref<16384xf32, #tpu.memory_space<hbm>> -> memref<512xf32, #tpu.memory_space<hbm>>
      tpu.enqueue_dma source(%arg13 : memref<512xf32, #tpu.memory_space<vmem>>) target(%dma_start3A_18 : memref<512xf32, #tpu.memory_space<hbm>>) target_semaphore(%run_scoped3A : memref<!tpu.dma_semaphore, #tpu.memory_space<semaphore_mem>>)
      %dma_wait3A = tpu.memref_slice %arg7[%mul3A_2] : memref<16384xf32, #tpu.memory_space<hbm>> -> memref<512xf32, #tpu.memory_space<hbm>>
      %dma_wait3A_19 = tpu.memref_slice %arg7[%mul3A_2] : memref<16384xf32, #tpu.memory_space<hbm>> -> memref<512xf32, #tpu.memory_space<hbm>>
      tpu.wait_dma2 semaphore(%run_scoped3A : memref<!tpu.dma_semaphore, #tpu.memory_space<semaphore_mem>>) src(%arg13 : memref<512xf32, #tpu.memory_space<vmem>>) dst(%dma_wait3A_19 : memref<512xf32, #tpu.memory_space<hbm>>)
      tpu.yield
    }) : () -> ()
    return
  }
}

</mosaic_0001>

<sc_bundles>
// kernel: kernel.3.cloned.1.call-start
scs
__scs_entry_jumppad:
0x0: {  	(pc) =	sbr.rel $0x88, $3  }
0x1: {  	(tag) =	ssettag $0x0;
	lr =	simm.s32 $0x1  }
0x2: {  	[smem:$0x3F9B] =	sst lr;
	_ =	strace $0xD0000000  }
0x3: {  	_ = 	snop  }
0x4: {  	_ = 	snop  }
0x5: {  	_ = 	snop  }
0x6: {  	_ = 	snop  }
0x7: {  	_ = 	snop  }
__scs_overlays_trampoline_lowered:
0x8: {  	[smem:$0x3FAA] =	sst s0  }
0x9: {  	[smem:$0x3FAB] =	sst s1  }
0xa: {  	[smem:$0x3FAC] =	sst s2  }
0xb: {  	[smem:$0x3FAD] =	sst s3  }
0xc: {  	[smem:$0x3FAE] =	sst s4  }
0xd: {  	[smem:$0x3FAF] =	sst s5  }
0xe: {  	[smem:$0x3FB0] =	sst s6  }
0xf: {  	[smem:$0x3FB1] =	sst s7  }
0x10: {  	[smem:$0x3FB2] =	sst s8  }
0x11: {  	[smem:$0x3FB3] =	sst s9;
	s0 =	simm.s32 @!p0 $0x0  }
0x12: {  	s1 =	sld [smem:$0x3F99];
	s0 =	simm.s32 @p0 $0x1  }
0x13: {  	[smem:$0x3FB4] =	sst s0;
	s0 =	simm.s32 @!p1 $0x0  }
0x14: {  	s2 =	sld [smem:$0x3F98];
	s0 =	simm.s32 @p1 $0x1  }
0x15: {  	[smem:$0x3FB5] =	sst s0;
	s0 =	simm.s32 @!p2 $0x0  }
0x16: {  	s3 =	sld [smem:$0x3FDB];
	s0 =	simm.s32 @p2 $0x1  }
0x17: {  	s4 =	simm.s32 $0x1BF5;
	[smem:$0x3FB7] =	sst s0  }
0x18: {  	s0 =	sld [smem:$0x3F9A];
	_ =	swait.ge [sflag:s4], $0x0  }
0x19: {  	s7 =	sld [smem:$0x3F9B]  }
0x1a: {  	s8 =	sadd.s32 $0xFFFFE003, lr  }
0x1b: {  	s9 =	sadd.s32 $0xFFFFFEF7, lr;
	s5 =	simm.s32 $0xFFFFFFFF;
	p2 =	slt.u32 s8, $0xFFFFF086  }
0x1c: {  	p1 =	slt.u32 s9, $0xF7A;
	s5 =	simm.s32 @!p2 $0x0  }
0x1d: {  	s5 =	simm.s32 @p1 $0x1;
	p0 =	seq.s32 s7, s2  }
0x1e: {  	s7 =	smul.u32 @!p0 $0xF7A, s2;
	p2 =	seq.s32 @!p0 s5, $0x0  }
0x1f: {  	s9 =	smul.u32 $0xF7A, s1;
	s8 =	simm.s32 @!p0 $0x1BF5;
	p2 =	por !p2, p0  }
0x20: {  	[sflag:s8] =	ssyncset.s32 @!p0 $0xFFFFF086;
	s6 =	sadd.s32 @!p0 s3, s7;
	s7 =	simm.s32 @!p0 $0x108  }
0x21: {  	s3 =	sadd.s32 s3, s9;
	s6 =	sadd.s32 @!p0 $0x88, s6;
	s7 =	simm.s32 @p2 $0x1082  }
0x22: {  	[simem:s7], [sflag:s8] =	dma.local @!p0 [hbm:s6], $0xF7A  }
0x23: {  	s9 =	sor.u32 $0xD0000000, s2;
	s6 =	simm.s32 $0x108;
	_ =	swait.ge @!p0 [sflag:s8], $0x0  }
0x24: {  	s3 =	sadd.s32 $0x88, s3;
	s6 =	simm.s32 @!p1 $0x1082;
	[sflag:s4] =	ssyncset.s32 $0xFFFFF086  }
0x25: {  	[simem:s6], [sflag:s4] =	dma.local [hbm:s3], $0xF7A  }
0x26: {  	[smem:$0x3F9B] =	sst s1;
	(tag) =	ssettag s2;
	_ =	strace s9  }
0x27: {  	s1 =	sld [smem:$0x3FAB]  }
0x28: {  	s2 =	sld [smem:$0x3FAC]  }
0x29: {  	s4 =	sld [smem:$0x3FAE]  }
0x2a: {  	p0 =	seq.s32 s5, $0x0;
	s5 =	sld [smem:$0x3FAF]  }
0x2b: {  	s6 =	sld [smem:$0x3FB0]  }
0x2c: {  	s7 =	sld [smem:$0x3FB1]  }
0x2d: {  	s3 =	simm.s32 $0x108;
	s8 =	sld [smem:$0x3FB2]  }
0x2e: {  	s3 =	simm.s32 @!p0 $0x1082;
	s9 =	sld [smem:$0x3FB3]  }
0x2f: {  	lr =	sadd.s32 s0, s3;
	s0 =	sld [smem:$0x3FAA]  }
0x30: {  	s3 =	sld [smem:$0x3FAD]  }
0x31: {  	[smem:$0x3FB6] =	sst s10  }
0x32: {  	s10 =	sld [smem:$0x3FB4];
	_ =	sdelay $0x3  }
0x33: {  	p0 =	seq.s32 s10, $0x1;
	s10 =	sld [smem:$0x3FB6];
	_ =	sdelay $0x3  }
0x34: {  	[smem:$0x3FB6] =	sst s10  }
0x35: {  	s10 =	sld [smem:$0x3FB5];
	_ =	sdelay $0x3  }
0x36: {  	p1 =	seq.s32 s10, $0x1;
	s10 =	sld [smem:$0x3FB6];
	_ =	sdelay $0x3  }
0x37: {  	[smem:$0x3FB6] =	sst s10  }
0x38: {  	s10 =	sld [smem:$0x3FB7]  }
0x39: {  	_ = 	snop;
	(pc) =	sbr.ind lr, $3  }
0x3a: {  	_ = 	snop  }
0x3b: {  	_ = 	snop  }
0x3c: {  	p2 =	seq.s32 s10, $0x1;
	s10 =	sld [smem:$0x3FB6]  }
0x3d: {  	_ =	shalt  }
0x3e: {  	_ =	shalt  }
0x3f: {  	_ =	shalt  }
0x40: {  	_ =	shalt  }
0x41: {  	_ =	shalt  }
0x42: {  	_ =	shalt  }
0x43: {  	_ =	shalt  }
0x44: {  	_ =	shalt  }
0x45: {  	_ =	shalt  }
0x46: {  	_ =	shalt  }
0x47: {  	_ =	shalt  }
0x48: {  	_ =	shalt  }
0x49: {  	_ =	shalt  }
0x4a: {  	_ =	shalt  }
0x4b: {  	_ =	shalt  }
0x4c: {  	_ =	shalt  }
0x4d: {  	_ =	shalt  }
0x4e: {  	_ =	shalt  }
0x4f: {  	_ =	shalt  }
0x50: {  	_ =	shalt  }
0x51: {  	_ =	shalt  }
0x52: {  	_ =	shalt  }
0x53: {  	_ =	shalt  }
0x54: {  	_ =	shalt  }
0x55: {  	_ =	shalt  }
0x56: {  	_ =	shalt  }
0x57: {  	_ =	shalt  }
0x58: {  	_ =	shalt  }
0x59: {  	_ =	shalt  }
0x5a: {  	_ =	shalt  }
0x5b: {  	_ =	shalt  }
0x5c: {  	_ =	shalt  }
0x5d: {  	_ =	shalt  }
0x5e: {  	_ =	shalt  }
0x5f: {  	_ =	shalt  }
0x60: {  	_ =	shalt  }
0x61: {  	_ =	shalt  }
0x62: {  	_ =	shalt  }
0x63: {  	_ =	shalt  }
0x64: {  	_ =	shalt  }
0x65: {  	_ =	shalt  }
0x66: {  	_ =	shalt  }
0x67: {  	_ =	shalt  }
0x68: {  	_ =	shalt  }
0x69: {  	_ =	shalt  }
0x6a: {  	_ =	shalt  }
0x6b: {  	_ =	shalt  }
0x6c: {  	_ =	shalt  }
0x6d: {  	_ =	shalt  }
0x6e: {  	_ =	shalt  }
0x6f: {  	_ =	shalt  }
0x70: {  	_ =	shalt  }
0x71: {  	_ =	shalt  }
0x72: {  	_ =	shalt  }
0x73: {  	_ =	shalt  }
0x74: {  	_ =	shalt  }
0x75: {  	_ =	shalt  }
0x76: {  	_ =	shalt  }
0x77: {  	_ =	shalt  }
0x78: {  	_ =	shalt  }
0x79: {  	_ =	shalt  }
0x7a: {  	_ =	shalt  }
0x7b: {  	_ =	shalt  }
0x7c: {  	_ =	shalt  }
0x7d: {  	_ =	shalt  }
0x7e: {  	_ =	shalt  }
0x7f: {  	_ =	shalt  }
0x80: {  	_ =	shalt  }
0x81: {  	_ =	shalt  }
0x82: {  	_ =	shalt  }
0x83: {  	_ =	shalt  }
0x84: {  	_ =	shalt  }
0x85: {  	_ =	shalt  }
0x86: {  	_ =	shalt  }
0x87: {  	_ =	shalt  }
.Lfunc_end0:
.L_simem_size_0:
called_computation_lowered:
.L_overlay_start_0:
0x88: {  	s2 =	sld [smem:$0x3FD9]  }
0x89: {  	s3 =	sld [smem:$0x3FFE];
	_ =	sdelay $0x1  }
0x8a: {  	s1 =	srdreg.scid  }
0x8b: {  	s0 =	sand.u32 $0x1, s1  }
0x8c: {  	s17 =	sshll.u32 s0, $0xA;
	s2 =	sadd.s32 s3, s2  }
0x8d: {  	s2 =	sadd.s32 s2, s17  }
0x8e: {  	[smem:$0x3FC2] =	sst s2  }
0x8f: {  	_ = 	snop  }
0x90: {  	s2 =	sld [smem:$0x3FC9]  }
0x91: {  	s18 =	sld [smem:$0x3FC8]  }
0x92: {  	s4 =	sld [smem:$0x3FC7]  }
0x93: {  	s5 =	sld [smem:$0x3FC6]  }
0x94: {  	s6 =	sld [smem:$0x3FD0];
	(tm) =	ssettm $0x1  }
0x95: {  	s7 =	sld [smem:$0x3FFB];
	_ =	sdelay $0x3  }
0x96: {  	_ =	strace s7  }
0x97: {  	s7 =	sld [smem:$0x3FFC];
	_ =	sdelay $0x3  }
0x98: {  	_ =	strace s7  }
0x99: {  	s7 =	sld [smem:$0x3FFD];
	_ =	sdelay $0x3  }
0x9a: {  	_ =	strace s7  }
0x9b: {  	_ =	strace $0x8FFFFFFF  }
0x9c: {  	s19 =	sld [smem:$0x3FDB];
	_ =	sdelay $0x1  }
0x9d: {  	s8 =	simm.s32 $_scs_section_size  }
0x9e: {  	s9 =	simm.s32 $_size__tile_overlayer_lowered;
	s10 =	simm.s32 $_tile_overlayer_lowered  }
0x9f: {  	s22 =	simm.s32 $0x1BFF;
	s21 =	sshll.u32 s10, $0x1;
	s7 =	sadd.s32 s8, s19  }
0xa0: {  	s11 =	simm.s32 $0x0;
	s20 =	sshll.u32 s9, $0x1;
	s9 =	sadd.s32 s21, s7  }
0xa1: {  	[timem:s11], [sflag:s22] =	dma.local [hbm:s9], s20  }
0xa2: {  	_ =	swait.ge [sflag:s22], s20  }
0xa3: {  	s8 =	ssub.s32 $0x0, s20;
	[sflag:s22] =	ssyncset.done $0x0  }
0xa4: {  	[sflag:s22] =	ssyncadd.s32 s8;
	_ =	sdelay $0x1  }
0xa5: {  	s23 =	simm.s32 $0x1B8B  }
0xa6: {  	_ =	swait.ge [sflag:s23], $0x1  }
0xa7: {  	[sflag:s23] =	ssyncset.done $0x0  }
0xa8: {  	s25 =	simm.s32 $0x1B8E;
	s24 =	sld [smem:$0x3FFE];
	[sflag:s23] =	ssyncadd.s32 $0xFFFFFFFF  }
0xa9: {  	s26 =	simm.s32 $execute0_lowered;
	[smem:$0x3FD2] =	sst s25  }
0xaa: {  	s9 =	sshll.u32 s26, $0x1;
	_ =	strace $0x80000046;
	[dreg:$0x1] =	wrdreg $0xFFFFFFFF  }
0xab: {  	s28 =	simm.s32 $_size_execute0_lowered;
	s7 =	sadd.s32 s7, s9;
	[dreg:$0x0] =	wrdreg $0x0  }
0xac: {  	s9 =	sshll.u32 s28, $0x1;
	[dreg:$0x2] =	wrdreg s7  }
0xad: {  	[dreg:$0x3] =	wrdreg s9  }
0xae: {  	[dreg:$0x4] =	wrdreg $0xC0  }
0xaf: {  	_ =	task [dreg:s11], $0x5FFFF  }
0xb0: {  	[dreg:$0x1] =	wrdreg $0xFFFFFFFF  }
0xb1: {  	[dreg:$0x0] =	wrdreg $0x60  }
0xb2: {  	[dreg:$0x2] =	wrdreg s2  }
0xb3: {  	[dreg:$0x3] =	wrdreg s18  }
0xb4: {  	[dreg:$0x4] =	wrdreg s4  }
0xb5: {  	[dreg:$0x5] =	wrdreg s5  }
0xb6: {  	[dreg:$0x6] =	wrdreg s24  }
0xb7: {  	[dreg:$0x7] =	wrdreg s6  }
0xb8: {  	[dreg:$0x8] =	wrdreg $0x9  }
0xb9: {  	_ =	task.clear_ibuf [dreg:s11], $0x9FFFF;
	_ =	strace $0x90000046  }
0xba: {  	s29 =	simm.s32 $0x9;
	_ =	strace $0x80000048  }
0xbb: {  	_ =	swait.ge [sflag:s29], $0x1  }
0xbc: {  	[sflag:s29] =	ssyncadd.s32 $0xFFFFFFFF  }
0xbd: {  	_ =	strace $0x90000048  }
0xbe: {  	_ =	sfence  }
0xbf: {  	s30 =	sld [smem:$0x0];
	_ =	sdelay $0x2  }
0xc0: {  	s31 =	sshll.u32 s1, $0xD;
	s1 =	sshrl.u32 s1, $0x2  }
0xc1: {  	s3 =	sand.u32 $0x4000, s31;
	s1 =	sadd.s32 s1, s30  }
0xc2: {  	s0 =	sor.u32 s3, s0;
	s1 =	sshll.u32 s1, $0x11  }
0xc3: {  	s0 =	sor.u32 s1, s0  }
0xc4: {  	s0 =	sadd.s32 $0x8F2B, s0  }
0xc5: {  	[sflag:s0] =	ssyncadd.remote.s32 $0x1  }
0xc6: {  	_ =	sfence.sel $0xFFFF  }
0xc7: {  	[dreg:$0x0] =	wrdreg $0xFFFFFFFF;
	(pc) =	sbr.abs _section_cstart, $3  }
0xc8: {  	[dreg:$0x1] =	wrdreg $0xFFFFFFFF  }
0xc9: {  	_ =	task.clear_ibuf [dreg:s11], $0x2FFFF;
	_ =	strace $0x9FFFFFFF  }
0xca: {  	(tm) =	ssettm $0x7FFFFFFF  }
0xcb: {  	_ =	shalt  }
tec
execute0_lowered:
.L_overlay_start_1:
0x0: {  	(tag) =	ssettag $0x1  }
0x1: {  	s0 =	rddreg [dreg:$0x0]  }
0x2: {  	s1 =	rddreg [dreg:$0x1]  }
0x3: {  	s2 =	rddreg [dreg:$0x2]  }
0x4: {  	s31 =	rddreg [dreg:$0x3]  }
0x5: {  	s3 =	rddreg [dreg:$0x4];
	v0 =	vlaneseq.u32  }
0x6: {  	[dreg:$0x7] =	wrdreg s2;
	v0 =	vand.u32 $0x7, v0  }
0x7: {  	[dreg:$0x8] =	wrdreg s31;
	s2 =	simm.s32 $0x0;
	v5 =	vmul.u32 $0x1000, v0  }
0x8: {  	[smem:$0x7FF] =	sst s2  }
0x9: {  	s6 =	rddreg [dreg:$0x5];
	_ =	strace $0x80000047;
	v0 =	vor.u32 $0xB00, v5;
	[tilespmem:$0x1FEA0] =	vst v5  }
0xa: {  	v3 =	vor.u32 $0x80, v5;
	[tilespmem:$0x1FE30] =	vst v0  }
0xb: {  	v6 =	vor.u32 $0x100, v5;
	[tilespmem:$0x1FEB0] =	vst v3  }
0xc: {  	v7 =	vor.u32 $0x180, v5;
	[tilespmem:$0x1FEC0] =	vst v6  }
0xd: {  	v8 =	vor.u32 $0x200, v5;
	[tilespmem:$0x1FED0] =	vst v7  }
0xe: {  	v9 =	vor.u32 $0x280, v5;
	[tilespmem:$0x1FEE0] =	vst v8  }
0xf: {  	v10 =	vor.u32 $0x300, v5;
	[tilespmem:$0x1FEF0] =	vst v9  }
0x10: {  	v11 =	vor.u32 $0x380, v5;
	[tilespmem:$0x1FF00] =	vst v10  }
0x11: {  	v12 =	vor.u32 $0x400, v5;
	[tilespmem:$0x1FF10] =	vst v11  }
0x12: {  	v13 =	vor.u32 $0x480, v5;
	[tilespmem:$0x1FF20] =	vst v12  }
0x13: {  	v14 =	vor.u32 $0x500, v5;
	[tilespmem:$0x1FF30] =	vst v13  }
0x14: {  	v15 =	vor.u32 $0x580, v5;
	[tilespmem:$0x1FF40] =	vst v14  }
0x15: {  	v16 =	vor.u32 $0x600, v5;
	[tilespmem:$0x1FF50] =	vst v15  }
0x16: {  	v17 =	vor.u32 $0x680, v5;
	[tilespmem:$0x1FF60] =	vst v16  }
0x17: {  	v18 =	vor.u32 $0x700, v5;
	[tilespmem:$0x1FF70] =	vst v17  }
0x18: {  	v19 =	vor.u32 $0x780, v5;
	[tilespmem:$0x1FF80] =	vst v18  }
0x19: {  	v20 =	vor.u32 $0x800, v5;
	[tilespmem:$0x1FF90] =	vst v19  }
0x1a: {  	s4 =	srdreg.scid;
	s7 =	stileid.u32;
	v21 =	vor.u32 $0x880, v5;
	[tilespmem:$0x1FFA0] =	vst v20  }
0x1b: {  	s9 =	simm.s32 $0x3;
	s10 =	simm.s32 $0x7A1400;
	s12 =	simm.s32 $0x400;
	v22 =	vor.u32 $0x900, v5;
	[tilespmem:$0x1FFB0] =	vst v21  }
0x1c: {  	s13 =	simm.s32 $0x8400;
	s14 =	simm.s32 $0x1400;
	s15 =	simm.s32 $0x9400;
	v63 =	vor.u32 $0x980, v5;
	[tilespmem:$0x1FFC0] =	vst v22  }
0x1d: {  	s16 =	simm.s32 $0x2400;
	s17 =	simm.s32 $0xA400;
	s18 =	simm.s32 $0x3400;
	v58 =	vor.u32 $0xA00, v5;
	[tilespmem:$0x1FFD0] =	vst v63  }
0x1e: {  	s19 =	simm.s32 $0xB400;
	s20 =	simm.s32 $0x4400;
	s21 =	simm.s32 $0xC400;
	v61 =	vor.u32 $0xA80, v5;
	[tilespmem:$0x1FFE0] =	vst v58  }
0x1f: {  	s22 =	simm.s32 $0x5400;
	s23 =	simm.s32 $0xD400;
	s24 =	simm.s32 $0x6400;
	v0 =	vor.u32 $0xB80, v5;
	[tilespmem:$0x1FFF0] =	vst v61  }
0x20: {  	s25 =	simm.s32 $0xE400;
	s26 =	simm.s32 $0x7400;
	s28 =	simm.s32 $0xF400;
	[tilespmem:$0x1FE40] =	vst v0;
	v0 =	vor.u32 $0xC00, v5  }
0x21: {  	s29 =	simm.s32 $0x1;
	s30 =	simm.s32 $0x2;
	s4 =	sand.u32 $0x1, s4;
	[tilespmem:$0x1FE50] =	vst v0;
	v0 =	vor.u32 $0xC80, v5  }
0x22: {  	s7 =	sshll.u32 s7, $0x7;
	s5 =	ssub.s32 $0x2, s4;
	s4 =	sshll.u32 s4, $0x6;
	[tilespmem:$0x1FE60] =	vst v0;
	v0 =	vor.u32 $0xD00, v5  }
0x23: {  	s3 =	sadd.s32 $0x400, s3;
	s8 =	sshrl.u32 s5, $0x1;
	s7 =	sor.u32 s4, s7;
	[tilespmem:$0x1FE70] =	vst v0;
	v0 =	vor.u32 $0xD80, v5  }
0x24: {  	s8 =	ssub.s32 s5, s8;
	s4 =	sadd.s32 s0, s7;
	s5 =	sadd.s32 s1, s7;
	[tilespmem:$0x1FE80] =	vst v0;
	v0 =	vor.u32 $0xE00, v5  }
0x25: {  	vm0 =	vmmov $0xff;
	s6 =	sadd.s32 s6, s7;
	s0 =	simm.s32 $0x0;
	s7 =	smax.u32 s8, $0x1;
	[tilespmem:$0x1FE90] =	vst v0  }
.LBB2_1:
0x26: {  	s1 =	simm.s32 $0x10400  }
0x27: {  	[tilespmem:s1], [sflag:$0x3] =	stream.linear.gather [hbm4b:s3+s2], $0x80, $0x38;
	[tilespmem:$0x10680] =	vst v63  }
0x28: {  	_ =	swait.ge [sflag:s9], $0x80  }
0x29: {  	[sflag:s9] =	ssyncset.done $0x0  }
0x2a: {  	[sflag:s9] =	ssyncadd.s32 $0xFFFFFF80  }
0x2b: {  	[tilespmem:s2], [sflag:$0x3] =	stream.linear.gather [hbm4b:s4+s2], $0x200, $0x38;
	[tilespmem:$0x10680] =	vst v63  }
0x2c: {  	_ =	swait.ge [sflag:s9], $0x200  }
0x2d: {  	[sflag:s9] =	ssyncset.done $0x0  }
0x2e: {  	s31 =	simm.s32 $0x200;
	[sflag:s9] =	ssyncadd.s32 $0xFFFFFE00  }
0x2f: {  	[tilespmem:s31], [sflag:$0x3] =	stream.linear.gather [hbm4b:s5+s2], $0x200, $0x38;
	[tilespmem:$0x10680] =	vst v63  }
0x30: {  	_ =	swait.ge [sflag:s9], $0x200  }
0x31: {  	[sflag:s9] =	ssyncset.done $0x0  }
0x32: {  	[sflag:s9] =	ssyncadd.s32 $0xFFFFFE00  }
0x33: {  	v0 =	vld [tilespmem:$0x10400];
	_ =	sdelay $0x4  }
0x34: {  	v2 =	vbroadcast v0, $0x6  }
0x35: {  	v1 =	vbroadcast v0, $0x0  }
0x36: {  	[tilespmem:$0x1FC80] =	vst v2;
	v2 =	vbroadcast v0, $0x7  }
0x37: {  	[tilespmem:$0x1FC20] =	vst v1;
	v1 =	vbroadcast v0, $0x1  }
0x38: {  	[tilespmem:$0x1FC90] =	vst v2;
	v2 =	vbroadcast v0, $0x8  }
0x39: {  	[tilespmem:$0x1FC30] =	vst v1;
	v1 =	vbroadcast v0, $0x2  }
0x3a: {  	[tilespmem:$0x1FCA0] =	vst v2;
	v2 =	vbroadcast v0, $0x9  }
0x3b: {  	[tilespmem:$0x1FC40] =	vst v1;
	v1 =	vbroadcast v0, $0x3  }
0x3c: {  	[tilespmem:$0x1FCB0] =	vst v2;
	v2 =	vbroadcast v0, $0xA  }
0x3d: {  	[tilespmem:$0x1FC50] =	vst v1;
	v1 =	vbroadcast v0, $0x4  }
0x3e: {  	[tilespmem:$0x1FCC0] =	vst v2;
	v2 =	vbroadcast v0, $0xB  }
0x3f: {  	[tilespmem:$0x1FC60] =	vst v1;
	v1 =	vbroadcast v0, $0x5  }
0x40: {  	[tilespmem:$0x1FCD0] =	vst v2;
	v2 =	vbroadcast v0, $0xC  }
0x41: {  	[tilespmem:$0x1FC70] =	vst v1;
	v1 =	vld [tilespmem:$0x10410]  }
0x42: {  	[tilespmem:$0x1FCE0] =	vst v2;
	v2 =	vbroadcast v0, $0xD;
	_ =	sdelay $0x1  }
0x43: {  	[tilespmem:$0x1FCF0] =	vst v2;
	v2 =	vbroadcast v0, $0xE;
	v0 =	vbroadcast v0, $0xF;
	_ =	sdelay $0x1  }
0x44: {  	[tilespmem:$0x1FD10] =	vst v0;
	v0 =	vbroadcast v1, $0x0;
	_ =	sdelay $0x1  }
0x45: {  	[tilespmem:$0x1FD20] =	vst v0;
	v0 =	vbroadcast v1, $0x1;
	_ =	sdelay $0x1  }
0x46: {  	[tilespmem:$0x1FD30] =	vst v0;
	v0 =	vbroadcast v1, $0x2;
	_ =	sdelay $0x1  }
0x47: {  	[tilespmem:$0x1FD40] =	vst v0;
	v0 =	vbroadcast v1, $0x3;
	_ =	sdelay $0x1  }
0x48: {  	[tilespmem:$0x1FD50] =	vst v0;
	v0 =	vbroadcast v1, $0x4;
	_ =	sdelay $0x1  }
0x49: {  	[tilespmem:$0x1FD60] =	vst v0;
	v0 =	vbroadcast v1, $0x5;
	_ =	sdelay $0x1  }
0x4a: {  	[tilespmem:$0x1FD70] =	vst v0;
	v0 =	vbroadcast v1, $0x6;
	_ =	sdelay $0x1  }
0x4b: {  	[tilespmem:$0x1FD80] =	vst v0;
	v0 =	vbroadcast v1, $0x7;
	_ =	sdelay $0x1  }
0x4c: {  	[tilespmem:$0x1FD90] =	vst v0;
	v0 =	vbroadcast v1, $0x8;
	_ =	sdelay $0x1  }
0x4d: {  	[tilespmem:$0x1FDA0] =	vst v0;
	v0 =	vbroadcast v1, $0x9;
	_ =	sdelay $0x1  }
0x4e: {  	[tilespmem:$0x1FDB0] =	vst v0;
	v0 =	vbroadcast v1, $0xA;
	_ =	sdelay $0x1  }
0x4f: {  	[tilespmem:$0x1FDC0] =	vst v0;
	v0 =	vbroadcast v1, $0xB;
	_ =	sdelay $0x1  }
0x50: {  	[tilespmem:$0x1FDD0] =	vst v0;
	v0 =	vbroadcast v1, $0xC;
	_ =	sdelay $0x1  }
0x51: {  	[tilespmem:$0x1FDE0] =	vst v0;
	v0 =	vbroadcast v1, $0xD;
	_ =	sdelay $0x1  }
0x52: {  	[tilespmem:$0x1FDF0] =	vst v0;
	v0 =	vld [tilespmem:$0x10420];
	_ =	sdelay $0x4  }
0x53: {  	[tilespmem:$0x1FE00] =	vst v0;
	v0 =	vbroadcast v1, $0xE;
	_ =	sdelay $0x1  }
0x54: {  	[tilespmem:$0x1FE10] =	vst v0;
	v0 =	vbroadcast v1, $0xF  }
0x55: {  	[tilespmem:$0x1FD00] =	vst v2  }
0x56: {  	s1 =	simm.s32 $0x0;
	[tilespmem:$0x1FE20] =	vst v0  }
.LBB2_2:
0x57: {  	s8 =	sshra.s32 s1, $0x2  }
0x58: {  	v0 =	vld [tilespmem:s8+$0x0];
	_ =	sdelay $0x1  }
0x59: {  	v1 =	vld [tilespmem:s8+$0x200];
	_ =	sdelay $0x2  }
0x5a: {  	s11 =	rddreg [dreg:$0x7];
	v2 =	vand.u32 $0xFFFFFF80, v0  }
0x5b: {  	v36 =	vadd.s32 s11, v2  }
0x5c: {  	s31 =	rddreg [dreg:$0x8];
	v2 =	vand.u32 $0xFFFFFF80, v1;
	(v2sf) =	vpush v36, $0x0  }
0x5d: {  	v37 =	vadd.s32 s31, v2  }
0x5e: {  	(v2sf) =	vpush v37, $0x0;
	_ =	sdelay $0x1  }
0x5f: {  	(v2sf) =	vpush v36, $0x1;
	_ =	sdelay $0x1  }
0x60: {  	(v2sf) =	vpush v37, $0x1;
	_ =	sdelay $0x1  }
0x61: {  	(v2sf) =	vpush v36, $0x2;
	_ =	sdelay $0x1  }
0x62: {  	(v2sf) =	vpush v37, $0x2;
	_ =	sdelay $0x1  }
0x63: {  	(v2sf) =	vpush v36, $0x3;
	_ =	sdelay $0x1  }
0x64: {  	(v2sf) =	vpush v37, $0x3  }
0x65: {  	s31 =	spop (v2sf)  }
0x66: {  	(v2sf) =	vpush v36, $0x4;
	[tilespmem:s12], [sflag:$0x1] =	stream.strided.gather [hbm4b:s31+s12], $0x1000, s10, s12, $0x38;
	[tilespmem:$0x10680] =	vst v63  }
0x67: {  	s31 =	spop (v2sf)  }
0x68: {  	(v2sf) =	vpush v37, $0x4;
	[tilespmem:s13], [sflag:$0x2] =	stream.strided.gather [hbm4b:s31+s12], $0x1000, s10, s12, $0x38;
	[tilespmem:$0x10680] =	vst v63  }
0x69: {  	s31 =	spop (v2sf)  }
0x6a: {  	(v2sf) =	vpush v36, $0x5;
	[tilespmem:s14], [sflag:$0x1] =	stream.strided.gather [hbm4b:s31+s12], $0x1000, s10, s12, $0x38;
	[tilespmem:$0x10680] =	vst v63  }
0x6b: {  	s31 =	spop (v2sf)  }
0x6c: {  	(v2sf) =	vpush v37, $0x5;
	[tilespmem:s15], [sflag:$0x2] =	stream.strided.gather [hbm4b:s31+s12], $0x1000, s10, s12, $0x38;
	[tilespmem:$0x10680] =	vst v63  }
0x6d: {  	s31 =	spop (v2sf)  }
0x6e: {  	(v2sf) =	vpush v36, $0x6;
	[tilespmem:s16], [sflag:$0x1] =	stream.strided.gather [hbm4b:s31+s12], $0x1000, s10, s12, $0x38;
	[tilespmem:$0x10680] =	vst v63  }
0x6f: {  	s31 =	spop (v2sf)  }
0x70: {  	(v2sf) =	vpush v37, $0x6;
	[tilespmem:s17], [sflag:$0x2] =	stream.strided.gather [hbm4b:s31+s12], $0x1000, s10, s12, $0x38;
	[tilespmem:$0x10680] =	vst v63  }
0x71: {  	s31 =	spop (v2sf)  }
0x72: {  	(v2sf) =	vpush v36, $0x7;
	[tilespmem:s18], [sflag:$0x1] =	stream.strided.gather [hbm4b:s31+s12], $0x1000, s10, s12, $0x38;
	[tilespmem:$0x10680] =	vst v63  }
0x73: {  	s31 =	spop (v2sf)  }
0x74: {  	(v2sf) =	vpush v37, $0x7;
	[tilespmem:s19], [sflag:$0x2] =	stream.strided.gather [hbm4b:s31+s12], $0x1000, s10, s12, $0x38;
	[tilespmem:$0x10680] =	vst v63  }
0x75: {  	s31 =	spop (v2sf)  }
0x76: {  	[tilespmem:s20], [sflag:$0x1] =	stream.strided.gather [hbm4b:s31+s12], $0x1000, s10, s12, $0x38;
	[tilespmem:$0x10680] =	vst v63  }
0x77: {  	s31 =	spop (v2sf)  }
0x78: {  	[tilespmem:s21], [sflag:$0x2] =	stream.strided.gather [hbm4b:s31+s12], $0x1000, s10, s12, $0x38;
	[tilespmem:$0x10680] =	vst v63  }
0x79: {  	s31 =	spop (v2sf)  }
0x7a: {  	[tilespmem:s22], [sflag:$0x1] =	stream.strided.gather [hbm4b:s31+s12], $0x1000, s10, s12, $0x38;
	[tilespmem:$0x10680] =	vst v63  }
0x7b: {  	s31 =	spop (v2sf)  }
0x7c: {  	[tilespmem:s23], [sflag:$0x2] =	stream.strided.gather [hbm4b:s31+s12], $0x1000, s10, s12, $0x38;
	[tilespmem:$0x10680] =	vst v63  }
0x7d: {  	s31 =	spop (v2sf)  }
0x7e: {  	[tilespmem:s24], [sflag:$0x1] =	stream.strided.gather [hbm4b:s31+s12], $0x1000, s10, s12, $0x38;
	[tilespmem:$0x10680] =	vst v63  }
0x7f: {  	s31 =	spop (v2sf)  }
0x80: {  	[tilespmem:s25], [sflag:$0x2] =	stream.strided.gather [hbm4b:s31+s12], $0x1000, s10, s12, $0x38;
	[tilespmem:$0x10680] =	vst v63  }
0x81: {  	s31 =	spop (v2sf)  }
0x82: {  	[tilespmem:s26], [sflag:$0x1] =	stream.strided.gather [hbm4b:s31+s12], $0x1000, s10, s12, $0x38;
	[tilespmem:$0x10680] =	vst v63  }
0x83: {  	s31 =	spop (v2sf)  }
0x84: {  	[tilespmem:s28], [sflag:$0x2] =	stream.strided.gather [hbm4b:s31+s12], $0x1000, s10, s12, $0x38;
	[tilespmem:$0x10680] =	vst v63  }
0x85: {  	_ =	swait.ge [sflag:s29], $0x1000  }
0x86: {  	[sflag:s29] =	ssyncset.done $0x0  }
0x87: {  	[sflag:s29] =	ssyncadd.s32 $0xFFFFF000  }
0x88: {  	_ =	swait.ge [sflag:s30], $0x1000  }
0x89: {  	[sflag:s30] =	ssyncset.done $0x0  }
0x8a: {  	[sflag:s30] =	ssyncadd.s32 $0xFFFFF000  }
0x8b: {  	_ =	swait.ge [sflag:s29], $0x1000  }
0x8c: {  	[sflag:s29] =	ssyncset.done $0x0  }
0x8d: {  	[sflag:s29] =	ssyncadd.s32 $0xFFFFF000  }
0x8e: {  	_ =	swait.ge [sflag:s30], $0x1000  }
0x8f: {  	[sflag:s30] =	ssyncset.done $0x0  }
0x90: {  	[sflag:s30] =	ssyncadd.s32 $0xFFFFF000  }
0x91: {  	_ =	swait.ge [sflag:s29], $0x1000  }
0x92: {  	[sflag:s29] =	ssyncset.done $0x0  }
0x93: {  	[sflag:s29] =	ssyncadd.s32 $0xFFFFF000  }
0x94: {  	_ =	swait.ge [sflag:s30], $0x1000  }
0x95: {  	[sflag:s30] =	ssyncset.done $0x0  }
0x96: {  	[sflag:s30] =	ssyncadd.s32 $0xFFFFF000  }
0x97: {  	_ =	swait.ge [sflag:s29], $0x1000  }
0x98: {  	[sflag:s29] =	ssyncset.done $0x0  }
0x99: {  	[sflag:s29] =	ssyncadd.s32 $0xFFFFF000  }
0x9a: {  	_ =	swait.ge [sflag:s30], $0x1000  }
0x9b: {  	[sflag:s30] =	ssyncset.done $0x0  }
0x9c: {  	[sflag:s30] =	ssyncadd.s32 $0xFFFFF000  }
0x9d: {  	_ =	swait.ge [sflag:s29], $0x1000  }
0x9e: {  	[sflag:s29] =	ssyncset.done $0x0  }
0x9f: {  	[sflag:s29] =	ssyncadd.s32 $0xFFFFF000  }
0xa0: {  	_ =	swait.ge [sflag:s30], $0x1000  }
0xa1: {  	[sflag:s30] =	ssyncset.done $0x0  }
0xa2: {  	[sflag:s30] =	ssyncadd.s32 $0xFFFFF000  }
0xa3: {  	_ =	swait.ge [sflag:s29], $0x1000  }
0xa4: {  	[sflag:s29] =	ssyncset.done $0x0  }
0xa5: {  	[sflag:s29] =	ssyncadd.s32 $0xFFFFF000  }
0xa6: {  	_ =	swait.ge [sflag:s30], $0x1000  }
0xa7: {  	[sflag:s30] =	ssyncset.done $0x0  }
0xa8: {  	[sflag:s30] =	ssyncadd.s32 $0xFFFFF000  }
0xa9: {  	_ =	swait.ge [sflag:s29], $0x1000  }
0xaa: {  	[sflag:s29] =	ssyncset.done $0x0  }
0xab: {  	[sflag:s29] =	ssyncadd.s32 $0xFFFFF000  }
0xac: {  	_ =	swait.ge [sflag:s30], $0x1000  }
0xad: {  	[sflag:s30] =	ssyncset.done $0x0  }
0xae: {  	[sflag:s30] =	ssyncadd.s32 $0xFFFFF000  }
0xaf: {  	v62 =	vand.u32 $0x7F, v0;
	_ =	swait.ge [sflag:s29], $0x1000  }
0xb0: {  	v30 =	vor.u32 v6, v62;
	[sflag:s29] =	ssyncset.done $0x0  }
0xb1: {  	[sflag:s29] =	ssyncadd.s32 $0xFFFFF000  }
0xb2: {  	_ =	swait.ge [sflag:s30], $0x1000  }
0xb3: {  	[sflag:s30] =	ssyncset.done $0x0  }
0xb4: {  	v4 =	vmov v63;
	v63 =	vand.u32 $0x7F, v1;
	[sflag:s30] =	ssyncadd.s32 $0xFFFFF000  }
0xb5: {  	v2 =	vor.u32 v6, v63;
	v0 =	vld.idx.msk [tilespmem:v30+s12+$0x0], $0xffff;
	_ =	sdelay $0x4  }
0xb6: {  	v1 =	vor.u32 v7, v62;
	[tilespmem:$0x1F5C0] =	vst v0;
	v0 =	vld.idx.msk [tilespmem:v2+s13+$0x0], $0xffff;
	_ =	sdelay $0x3  }
0xb7: {  	v27 =	vor.u32 v3, v62  }
0xb8: {  	v28 =	vor.u32 v3, v63;
	v3 =	vor.u32 v7, v63;
	[tilespmem:$0x1F5D0] =	vst v0;
	v0 =	vld.idx.msk [tilespmem:v1+s12+$0x0], $0xffff;
	_ =	sdelay $0x4  }
0xb9: {  	v6 =	vor.u32 v8, v62;
	[tilespmem:$0x1F5E0] =	vst v0;
	v0 =	vld.idx.msk [tilespmem:v3+s13+$0x0], $0xffff;
	_ =	sdelay $0x4  }
0xba: {  	v60 =	vor.u32 v8, v63;
	[tilespmem:$0x1F5F0] =	vst v0;
	v0 =	vld.idx.msk [tilespmem:v6+s12+$0x0], $0xffff;
	_ =	sdelay $0x4  }
0xbb: {  	v57 =	vor.u32 v9, v62;
	[tilespmem:$0x1F600] =	vst v0;
	v0 =	vld.idx.msk [tilespmem:v60+s13+$0x0], $0xffff;
	_ =	sdelay $0x4  }
0xbc: {  	v53 =	vor.u32 v9, v63;
	[tilespmem:$0x1F610] =	vst v0;
	v0 =	vld.idx.msk [tilespmem:v57+s12+$0x0], $0xffff;
	_ =	sdelay $0x4  }
0xbd: {  	v51 =	vor.u32 v10, v62;
	[tilespmem:$0x1F620] =	vst v0;
	v0 =	vld.idx.msk [tilespmem:v53+s13+$0x0], $0xffff;
	_ =	sdelay $0x4  }
0xbe: {  	v50 =	vor.u32 v10, v63;
	[tilespmem:$0x1F630] =	vst v0;
	v0 =	vld.idx.msk [tilespmem:v51+s12+$0x0], $0xffff;
	_ =	sdelay $0x4  }
0xbf: {  	v49 =	vor.u32 v11, v62;
	[tilespmem:$0x1F640] =	vst v0;
	v0 =	vld.idx.msk [tilespmem:v50+s13+$0x0], $0xffff;
	_ =	sdelay $0x4  }
0xc0: {  	v48 =	vor.u32 v11, v63;
	[tilespmem:$0x1F650] =	vst v0;
	v0 =	vld.idx.msk [tilespmem:v49+s12+$0x0], $0xffff;
	_ =	sdelay $0x4  }
0xc1: {  	v46 =	vor.u32 v12, v63;
	[tilespmem:$0x1F660] =	vst v0;
	v0 =	vld.idx.msk [tilespmem:v48+s13+$0x0], $0xffff;
	_ =	sdelay $0x4  }
0xc2: {  	v44 =	vor.u32 v13, v63;
	[tilespmem:$0x1F670] =	vst v0;
	v0 =	vld.idx.msk [tilespmem:v46+s13+$0x0], $0xffff;
	_ =	sdelay $0x4  }
0xc3: {  	v43 =	vor.u32 v14, v62;
	[tilespmem:$0x1F680] =	vst v0;
	v0 =	vld.idx.msk [tilespmem:v44+s13+$0x0], $0xffff;
	_ =	sdelay $0x4  }
0xc4: {  	v42 =	vor.u32 v14, v63;
	[tilespmem:$0x1F690] =	vst v0;
	v0 =	vld.idx.msk [tilespmem:v43+s12+$0x0], $0xffff;
	_ =	sdelay $0x4  }
0xc5: {  	v41 =	vor.u32 v15, v62;
	[tilespmem:$0x1F6A0] =	vst v0;
	v0 =	vld.idx.msk [tilespmem:v42+s13+$0x0], $0xffff;
	_ =	sdelay $0x4  }
0xc6: {  	v40 =	vor.u32 v15, v63;
	[tilespmem:$0x1F6B0] =	vst v0;
	v0 =	vld.idx.msk [tilespmem:v41+s12+$0x0], $0xffff;
	_ =	sdelay $0x4  }
0xc7: {  	v23 =	vor.u32 v16, v62;
	[tilespmem:$0x1F6C0] =	vst v0;
	v0 =	vld.idx.msk [tilespmem:v40+s13+$0x0], $0xffff;
	_ =	sdelay $0x4  }
0xc8: {  	v24 =	vor.u32 v16, v63;
	[tilespmem:$0x1F6D0] =	vst v0;
	v0 =	vld.idx.msk [tilespmem:v23+s12+$0x0], $0xffff;
	_ =	sdelay $0x4  }
0xc9: {  	[tilespmem:$0x1F6E0] =	vst v0;
	v0 =	vld.idx.msk [tilespmem:v24+s13+$0x0], $0xffff;
	_ =	sdelay $0x4  }
0xca: {  	[tilespmem:$0x1F6F0] =	vst v0;
	v0 =	vor.u32 v19, v62;
	_ =	sdelay $0x4  }
0xcb: {  	v55 =	vor.u32 v19, v63;
	[tilespmem:$0x1F8A0] =	vst v0;
	v0 =	vld.idx.msk [tilespmem:v0+s12+$0x0], $0xffff  }
0xcc: {  	v25 =	vor.u32 v17, v62;
	_ =	sdelay $0x3  }
0xcd: {  	v39 =	vor.u32 v20, v62;
	[tilespmem:$0x1F740] =	vst v0;
	v0 =	vld.idx.msk [tilespmem:v55+s13+$0x0], $0xffff  }
0xce: {  	v34 =	vor.u32 v17, v63;
	v7 =	vld.idx.msk [tilespmem:v25+s12+$0x0], $0xffff;
	_ =	sdelay $0x3  }
0xcf: {  	v38 =	vor.u32 v20, v63;
	[tilespmem:$0x1F750] =	vst v0;
	v0 =	vld.idx.msk [tilespmem:v39+s12+$0x0], $0xffff  }
0xd0: {  	v26 =	vor.u32 v18, v62;
	[tilespmem:$0x1F700] =	vst v7;
	v7 =	vld.idx.msk [tilespmem:v34+s13+$0x0], $0xffff;
	_ =	sdelay $0x3  }
0xd1: {  	v35 =	vor.u32 v21, v62;
	[tilespmem:$0x1F760] =	vst v0;
	v0 =	vld.idx.msk [tilespmem:v38+s13+$0x0], $0xffff  }
0xd2: {  	v29 =	vor.u32 v18, v63;
	[tilespmem:$0x1F710] =	vst v7;
	v7 =	vld.idx.msk [tilespmem:v26+s12+$0x0], $0xffff;
	_ =	sdelay $0x3  }
0xd3: {  	[tilespmem:$0x1F770] =	vst v0;
	v0 =	vld.idx.msk [tilespmem:v35+s12+$0x0], $0xffff  }
0xd4: {  	v9 =	vor.u32 v21, v63;
	[tilespmem:$0x1F720] =	vst v7;
	v7 =	vld.idx.msk [tilespmem:v29+s13+$0x0], $0xffff;
	_ =	sdelay $0x3  }
0xd5: {  	[tilespmem:$0x1F780] =	vst v0;
	v0 =	vor.u32 v4, v63  }
0xd6: {  	[tilespmem:$0x1F730] =	vst v7;
	v7 =	vor.u32 v4, v62;
	v4 =	vld.idx.msk [tilespmem:v9+s13+$0x0], $0xffff;
	_ =	sdelay $0x1  }
0xd7: {  	v8 =	vor.u32 v22, v63  }
0xd8: {  	v33 =	vor.u32 v22, v62  }
0xd9: {  	[tilespmem:$0x1F9B0] =	vst v0;
	v0 =	vld.idx.msk [tilespmem:v0+s13+$0x0], $0xffff  }
0xda: {  	[tilespmem:$0x1F790] =	vst v4;
	v4 =	vor.u32 v58, v62;
	_ =	sdelay $0x1  }
0xdb: {  	[tilespmem:$0x1F970] =	vst v8;
	v8 =	vld.idx.msk [tilespmem:v8+s13+$0x0], $0xffff  }
0xdc: {  	[tilespmem:$0x1F940] =	vst v9;
	v9 =	vld.idx.msk [tilespmem:v33+s12+$0x0], $0xffff  }
0xdd: {  	[tilespmem:$0x1F7D0] =	vst v0;
	v0 =	vld [tilespmem:$0x1FE30]  }
0xde: {  	v10 =	vor.u32 v58, v63;
	[tilespmem:$0x1F9E0] =	vst v4;
	v4 =	vld.idx.msk [tilespmem:v4+s12+$0x0], $0xffff;
	_ =	sdelay $0x1  }
0xdf: {  	[tilespmem:$0x1F7B0] =	vst v8  }
0xe0: {  	[tilespmem:$0x1F980] =	vst v7;
	v7 =	vld.idx.msk [tilespmem:v7+s12+$0x0], $0xffff  }
0xe1: {  	[tilespmem:$0x1F7A0] =	vst v9;
	v9 =	vor.u32 v61, v62  }
0xe2: {  	v8 =	vor.u32 v0, v62;
	[tilespmem:$0x1F7E0] =	vst v4;
	v4 =	vor.u32 v0, v63;
	v0 =	vld.idx.msk [tilespmem:v10+s13+$0x0], $0xffff;
	_ =	sdelay $0x2  }
0xe3: {  	[tilespmem:$0x1F7C0] =	vst v7  }
0xe4: {  	[tilespmem:$0x1FA30] =	vst v9;
	v9 =	vld.idx.msk [tilespmem:v9+s12+$0x0], $0xffff  }
0xe5: {  	v7 =	vor.u32 v61, v63;
	[tilespmem:$0x1F7F0] =	vst v0;
	v0 =	vld [tilespmem:$0x1FE40];
	_ =	sdelay $0x3  }
0xe6: {  	[tilespmem:$0x1FA10] =	vst v10  }
0xe7: {  	[tilespmem:$0x1F800] =	vst v9;
	v10 =	vor.u32 v0, v62;
	v9 =	vor.u32 v0, v63;
	v0 =	vld.idx.msk [tilespmem:v7+s13+$0x0], $0xffff;
	_ =	sdelay $0x3  }
0xe8: {  	[tilespmem:$0x1FA50] =	vst v8;
	v8 =	vld.idx.msk [tilespmem:v8+s12+$0x0], $0xffff  }
0xe9: {  	[tilespmem:$0x1F810] =	vst v0;
	v0 =	vld [tilespmem:$0x1FE50];
	_ =	sdelay $0x3  }
0xea: {  	[tilespmem:$0x1FA40] =	vst v7  }
0xeb: {  	[tilespmem:$0x1F820] =	vst v8;
	v7 =	vor.u32 v0, v62;
	v8 =	vor.u32 v0, v63;
	v0 =	vld.idx.msk [tilespmem:v4+s13+$0x0], $0xffff;
	_ =	sdelay $0x3  }
0xec: {  	[tilespmem:$0x1FAB0] =	vst v10;
	v10 =	vld.idx.msk [tilespmem:v10+s12+$0x0], $0xffff  }
0xed: {  	[tilespmem:$0x1F830] =	vst v0;
	v0 =	vld [tilespmem:$0x1FE60];
	_ =	sdelay $0x3  }
0xee: {  	[tilespmem:$0x1FA80] =	vst v4  }
0xef: {  	[tilespmem:$0x1F840] =	vst v10;
	v4 =	vor.u32 v0, v62;
	v10 =	vor.u32 v0, v63;
	v0 =	vld.idx.msk [tilespmem:v9+s13+$0x0], $0xffff;
	_ =	sdelay $0x3  }
0xf0: {  	[tilespmem:$0x1FAF0] =	vst v7;
	v7 =	vld.idx.msk [tilespmem:v7+s12+$0x0], $0xffff  }
0xf1: {  	[tilespmem:$0x1F850] =	vst v0;
	v0 =	vld [tilespmem:$0x1FE70];
	_ =	sdelay $0x3  }
0xf2: {  	[tilespmem:$0x1FAD0] =	vst v9  }
0xf3: {  	[tilespmem:$0x1F860] =	vst v7;
	v9 =	vor.u32 v0, v62;
	v7 =	vor.u32 v0, v63;
	v0 =	vld.idx.msk [tilespmem:v8+s13+$0x0], $0xffff;
	_ =	sdelay $0x3  }
0xf4: {  	[tilespmem:$0x1FB20] =	vst v4;
	v4 =	vld.idx.msk [tilespmem:v4+s12+$0x0], $0xffff  }
0xf5: {  	[tilespmem:$0x1F870] =	vst v0;
	v0 =	vld [tilespmem:$0x1FE80];
	_ =	sdelay $0x3  }
0xf6: {  	[tilespmem:$0x1FB10] =	vst v8  }
0xf7: {  	[tilespmem:$0x1F880] =	vst v4;
	v8 =	vor.u32 v0, v62;
	v4 =	vor.u32 v0, v63;
	v0 =	vld.idx.msk [tilespmem:v10+s13+$0x0], $0xffff;
	_ =	sdelay $0x4  }
0xf8: {  	[tilespmem:$0x1F890] =	vst v0;
	v0 =	vld [tilespmem:$0x1FE90];
	_ =	sdelay $0x4  }
0xf9: {  	[tilespmem:$0x1FB30] =	vst v10;
	v11 =	vor.u32 v0, v62;
	v10 =	vor.u32 v0, v63;
	v0 =	vld.idx.msk [tilespmem:v7+s13+$0x0], $0xffff;
	_ =	sdelay $0x4  }
0xfa: {  	v52 =	vor.u32 v5, v62;
	[tilespmem:$0x1F8C0] =	vst v0;
	v0 =	vld.idx.msk [tilespmem:v8+s12+$0x0], $0xffff  }
0xfb: {  	[tilespmem:$0x1FB70] =	vst v4;
	v4 =	vld.idx.msk [tilespmem:v4+s13+$0x0], $0xffff  }
0xfc: {  	v54 =	vor.u32 v5, v63;
	(v2sf) =	vpush v36, $0x8;
	[tilespmem:$0x1FB40] =	vst v9  }
0xfd: {  	[tilespmem:$0x1FB50] =	vst v7  }
0xfe: {  	(v2sf) =	vpush v37, $0x8;
	v58 =	vor.u32 $0xE80, v5;
	v9 =	vld.idx.msk [tilespmem:v9+s12+$0x0], $0xffff;
	[tilespmem:$0x1FB60] =	vst v8  }
0xff: {  	v47 =	vor.u32 v12, v62;
	v31 =	vld.idx.msk [tilespmem:v52+s12+$0x0], $0xffff;
	v7 =	vor.u32 v58, v63;
	[tilespmem:$0x1F8D0] =	vst v0;
	v0 =	vor.u32 $0xF00, v5  }
0x100: {  	(v2sf) =	vpush v36, $0x9;
	[tilespmem:$0x1F8E0] =	vst v4;
	v8 =	vor.u32 v0, v62;
	v4 =	vor.u32 v0, v63;
	v0 =	vld.idx.msk [tilespmem:v11+s12+$0x0], $0xffff  }
0x101: {  	v32 =	vld.idx.msk [tilespmem:v54+s13+$0x0], $0xffff  }
0x102: {  	v45 =	vor.u32 v13, v62;
	v56 =	vld.idx.msk [tilespmem:v27+s12+$0x0], $0xffff;
	(v2sf) =	vpush v37, $0x9  }
0x103: {  	v59 =	vld.idx.msk [tilespmem:v28+s13+$0x0], $0xffff;
	[tilespmem:$0x1F8B0] =	vst v9;
	v9 =	vor.u32 v58, v62  }
0x104: {  	(v2sf) =	vpush v36, $0xA;
	[tilespmem:$0x1FBB0] =	vst v7;
	v7 =	vld.idx.msk [tilespmem:v7+s13+$0x0], $0xffff  }
0x105: {  	v13 =	vld.idx.msk [tilespmem:v47+s12+$0x0], $0xffff;
	[tilespmem:$0x1F8F0] =	vst v0;
	v0 =	vor.u32 $0xF80, v5  }
0x106: {  	(v2sf) =	vpush v37, $0xA;
	[tilespmem:$0x1FBD0] =	vst v4;
	v4 =	vld.idx.msk [tilespmem:v4+s13+$0x0], $0xffff;
	v5 =	vor.u32 v0, v62  }
0x107: {  	v14 =	vld.idx.msk [tilespmem:v45+s12+$0x0], $0xffff;
	v0 =	vor.u32 v0, v63  }
0x108: {  	(v2sf) =	vpush v36, $0xB;
	[tilespmem:$0x1FBA0] =	vst v9;
	v9 =	vld.idx.msk [tilespmem:v9+s12+$0x0], $0xffff  }
0x109: {  	[tilespmem:$0x1F910] =	vst v7;
	v7 =	vld.idx.msk [tilespmem:v8+s12+$0x0], $0xffff  }
0x10a: {  	(v2sf) =	vpush v37, $0xB;
	v62 =	vld.idx.msk [tilespmem:v10+s13+$0x0], $0xffff  }
0x10b: {  	s31 =	spop (v2sf);
	[tilespmem:$0x1F930] =	vst v4;
	v4 =	vld.idx.msk [tilespmem:v5+s12+$0x0], $0xffff  }
0x10c: {  	(v2sf) =	vpush v36, $0xC;
	[tilespmem:$0x1FBF0] =	vst v0;
	v0 =	vld.idx.msk [tilespmem:v0+s13+$0x0], $0xffff;
	[tilespmem:s12], [sflag:$0x1] =	stream.strided.gather [hbm4b:s31+s12], $0x1000, s10, s12, $0x38  }
0x10d: {  	s31 =	spop (v2sf)  }
0x10e: {  	(v2sf) =	vpush v37, $0xC;
	[tilespmem:s13], [sflag:$0x2] =	stream.strided.gather [hbm4b:s31+s12], $0x1000, s10, s12, $0x38;
	[tilespmem:$0x10680] =	vst v63  }
0x10f: {  	s31 =	spop (v2sf)  }
0x110: {  	(v2sf) =	vpush v36, $0xD;
	[tilespmem:s14], [sflag:$0x1] =	stream.strided.gather [hbm4b:s31+s12], $0x1000, s10, s12, $0x38;
	[tilespmem:$0x10680] =	vst v63  }
0x111: {  	s31 =	spop (v2sf)  }
0x112: {  	(v2sf) =	vpush v37, $0xD;
	[tilespmem:s15], [sflag:$0x2] =	stream.strided.gather [hbm4b:s31+s12], $0x1000, s10, s12, $0x38;
	[tilespmem:$0x10680] =	vst v63  }
0x113: {  	s31 =	spop (v2sf)  }
0x114: {  	(v2sf) =	vpush v36, $0xE;
	[tilespmem:s16], [sflag:$0x1] =	stream.strided.gather [hbm4b:s31+s12], $0x1000, s10, s12, $0x38;
	[tilespmem:$0x10680] =	vst v63  }
0x115: {  	s31 =	spop (v2sf)  }
0x116: {  	(v2sf) =	vpush v37, $0xE;
	[tilespmem:s17], [sflag:$0x2] =	stream.strided.gather [hbm4b:s31+s12], $0x1000, s10, s12, $0x38;
	[tilespmem:$0x10680] =	vst v63  }
0x117: {  	s31 =	spop (v2sf)  }
0x118: {  	(v2sf) =	vpush v36, $0xF;
	[tilespmem:s18], [sflag:$0x1] =	stream.strided.gather [hbm4b:s31+s12], $0x1000, s10, s12, $0x38;
	[tilespmem:$0x10680] =	vst v63  }
0x119: {  	s31 =	spop (v2sf)  }
0x11a: {  	(v2sf) =	vpush v37, $0xF;
	[tilespmem:s19], [sflag:$0x2] =	stream.strided.gather [hbm4b:s31+s12], $0x1000, s10, s12, $0x38;
	[tilespmem:$0x10680] =	vst v63  }
0x11b: {  	[tilespmem:$0x1F900] =	vst v9;
	s31 =	spop (v2sf)  }
0x11c: {  	[tilespmem:s20], [sflag:$0x1] =	stream.strided.gather [hbm4b:s31+s12], $0x1000, s10, s12, $0x38;
	[tilespmem:$0x10680] =	vst v63  }
0x11d: {  	[tilespmem:$0x1FB80] =	vst v11;
	s31 =	spop (v2sf)  }
0x11e: {  	[tilespmem:s21], [sflag:$0x2] =	stream.strided.gather [hbm4b:s31+s12], $0x1000, s10, s12, $0x38;
	[tilespmem:$0x10680] =	vst v63  }
0x11f: {  	[tilespmem:$0x1FB90] =	vst v10;
	s31 =	spop (v2sf)  }
0x120: {  	[tilespmem:s22], [sflag:$0x1] =	stream.strided.gather [hbm4b:s31+s12], $0x1000, s10, s12, $0x38;
	[tilespmem:$0x10680] =	vst v63  }
0x121: {  	[tilespmem:$0x1FBC0] =	vst v8;
	s31 =	spop (v2sf)  }
0x122: {  	[tilespmem:s23], [sflag:$0x2] =	stream.strided.gather [hbm4b:s31+s12], $0x1000, s10, s12, $0x38;
	[tilespmem:$0x10680] =	vst v63  }
0x123: {  	[tilespmem:$0x1FBE0] =	vst v5;
	s31 =	spop (v2sf)  }
0x124: {  	[tilespmem:s24], [sflag:$0x1] =	stream.strided.gather [hbm4b:s31+s12], $0x1000, s10, s12, $0x38;
	[tilespmem:$0x10680] =	vst v63  }
0x125: {  	[tilespmem:$0x1F920] =	vst v7;
	s31 =	spop (v2sf)  }
0x126: {  	[tilespmem:s25], [sflag:$0x2] =	stream.strided.gather [hbm4b:s31+s12], $0x1000, s10, s12, $0x38;
	[tilespmem:$0x10680] =	vst v63  }
0x127: {  	[tilespmem:$0x1F950] =	vst v4;
	s31 =	spop (v2sf)  }
0x128: {  	[tilespmem:s26], [sflag:$0x1] =	stream.strided.gather [hbm4b:s31+s12], $0x1000, s10, s12, $0x38;
	[tilespmem:$0x10680] =	vst v63  }
0x129: {  	[tilespmem:$0x1F960] =	vst v0;
	s31 =	spop (v2sf)  }
0x12a: {  	[tilespmem:s28], [sflag:$0x2] =	stream.strided.gather [hbm4b:s31+s12], $0x1000, s10, s12, $0x38;
	[tilespmem:$0x10680] =	vst v63  }
0x12b: {  	_ =	swait.ge [sflag:s29], $0x1000  }
0x12c: {  	[sflag:s29] =	ssyncset.done $0x0  }
0x12d: {  	[sflag:s29] =	ssyncadd.s32 $0xFFFFF000  }
0x12e: {  	_ =	swait.ge [sflag:s30], $0x1000  }
0x12f: {  	[sflag:s30] =	ssyncset.done $0x0  }
0x130: {  	[sflag:s30] =	ssyncadd.s32 $0xFFFFF000  }
0x131: {  	_ =	swait.ge [sflag:s29], $0x1000  }
0x132: {  	[sflag:s29] =	ssyncset.done $0x0  }
0x133: {  	[sflag:s29] =	ssyncadd.s32 $0xFFFFF000  }
0x134: {  	_ =	swait.ge [sflag:s30], $0x1000  }
0x135: {  	[sflag:s30] =	ssyncset.done $0x0  }
0x136: {  	[sflag:s30] =	ssyncadd.s32 $0xFFFFF000  }
0x137: {  	_ =	swait.ge [sflag:s29], $0x1000  }
0x138: {  	[sflag:s29] =	ssyncset.done $0x0  }
0x139: {  	[sflag:s29] =	ssyncadd.s32 $0xFFFFF000  }
0x13a: {  	_ =	swait.ge [sflag:s30], $0x1000  }
0x13b: {  	[sflag:s30] =	ssyncset.done $0x0  }
0x13c: {  	[sflag:s30] =	ssyncadd.s32 $0xFFFFF000  }
0x13d: {  	_ =	swait.ge [sflag:s29], $0x1000  }
0x13e: {  	[sflag:s29] =	ssyncset.done $0x0  }
0x13f: {  	[sflag:s29] =	ssyncadd.s32 $0xFFFFF000  }
0x140: {  	_ =	swait.ge [sflag:s30], $0x1000  }
0x141: {  	[sflag:s30] =	ssyncset.done $0x0  }
0x142: {  	[sflag:s30] =	ssyncadd.s32 $0xFFFFF000  }
0x143: {  	_ =	swait.ge [sflag:s29], $0x1000  }
0x144: {  	[sflag:s29] =	ssyncset.done $0x0  }
0x145: {  	[sflag:s29] =	ssyncadd.s32 $0xFFFFF000  }
0x146: {  	_ =	swait.ge [sflag:s30], $0x1000  }
0x147: {  	[sflag:s30] =	ssyncset.done $0x0  }
0x148: {  	[sflag:s30] =	ssyncadd.s32 $0xFFFFF000  }
0x149: {  	_ =	swait.ge [sflag:s29], $0x1000  }
0x14a: {  	[sflag:s29] =	ssyncset.done $0x0  }
0x14b: {  	[sflag:s29] =	ssyncadd.s32 $0xFFFFF000  }
0x14c: {  	_ =	swait.ge [sflag:s30], $0x1000  }
0x14d: {  	[sflag:s30] =	ssyncset.done $0x0  }
0x14e: {  	[sflag:s30] =	ssyncadd.s32 $0xFFFFF000  }
0x14f: {  	_ =	swait.ge [sflag:s29], $0x1000  }
0x150: {  	[sflag:s29] =	ssyncset.done $0x0  }
0x151: {  	[sflag:s29] =	ssyncadd.s32 $0xFFFFF000  }
0x152: {  	_ =	swait.ge [sflag:s30], $0x1000  }
0x153: {  	[sflag:s30] =	ssyncset.done $0x0  }
0x154: {  	[sflag:s30] =	ssyncadd.s32 $0xFFFFF000  }
0x155: {  	_ =	swait.ge [sflag:s29], $0x1000  }
0x156: {  	[sflag:s29] =	ssyncset.done $0x0  }
0x157: {  	[sflag:s29] =	ssyncadd.s32 $0xFFFFF000  }
0x158: {  	_ =	swait.ge [sflag:s30], $0x1000  }
0x159: {  	[sflag:s30] =	ssyncset.done $0x0  }
0x15a: {  	[sflag:s30] =	ssyncadd.s32 $0xFFFFF000  }
0x15b: {  	v0 =	vld.idx.msk [tilespmem:v30+s12+$0x0], $0xffff;
	_ =	sdelay $0x4  }
0x15c: {  	[tilespmem:$0x1F990] =	vst v0;
	v0 =	vld.idx.msk [tilespmem:v2+s13+$0x0], $0xffff;
	_ =	sdelay $0x4  }
0x15d: {  	[tilespmem:$0x1F9A0] =	vst v0;
	v0 =	vld.idx.msk [tilespmem:v1+s12+$0x0], $0xffff;
	_ =	sdelay $0x4  }
0x15e: {  	[tilespmem:$0x1F9C0] =	vst v0;
	v0 =	vld.idx.msk [tilespmem:v3+s13+$0x0], $0xffff;
	_ =	sdelay $0x3  }
0x15f: {  	v2 =	vld [tilespmem:$0x1F5D0]  }
0x160: {  	[tilespmem:$0x1F9D0] =	vst v0;
	v0 =	vld [tilespmem:$0x1F5C0];
	_ =	sdelay $0x3  }
0x161: {  	v36 =	vld.idx.msk [tilespmem:v52+s12+$0x0], $0xffff  }
0x162: {  	v52 =	vmul.f32 v2, v0;
	v0 =	vld [tilespmem:$0x1F5E0]  }
0x163: {  	v2 =	vld [tilespmem:$0x1F5F0];
	_ =	sdelay $0x4  }
0x164: {  	v5 =	vmul.f32 v2, v0;
	v0 =	vld.idx.msk [tilespmem:v6+s12+$0x0], $0xffff;
	_ =	sdelay $0x3  }
0x165: {  	v2 =	vld [tilespmem:$0x1F610]  }
0x166: {  	[tilespmem:$0x1F9F0] =	vst v0;
	v0 =	vld [tilespmem:$0x1F600];
	_ =	sdelay $0x4  }
0x167: {  	v0 =	vmul.f32 v2, v0;
	v2 =	vld.idx.msk [tilespmem:v60+s13+$0x0], $0xffff;
	_ =	sdelay $0x3  }
0x168: {  	v3 =	vld [tilespmem:$0x1F630]  }
0x169: {  	[tilespmem:$0x1FA00] =	vst v2;
	v2 =	vld [tilespmem:$0x1F620];
	_ =	sdelay $0x4  }
0x16a: {  	v2 =	vmul.f32 v3, v2;
	v3 =	vld.idx.msk [tilespmem:v57+s12+$0x0], $0xffff;
	_ =	sdelay $0x3  }
0x16b: {  	v4 =	vld [tilespmem:$0x1F650]  }
0x16c: {  	[tilespmem:$0x1FA20] =	vst v3;
	v3 =	vld [tilespmem:$0x1F640]  }
0x16d: {  	v11 =	vld [tilespmem:$0x1FC20];
	_ =	sdelay $0x1  }
0x16e: {  	v15 =	vld [tilespmem:$0x1FC60]  }
0x16f: {  	v1 =	vmul.f32 v32, v31;
	v6 =	vld [tilespmem:$0x1F670]  }
0x170: {  	v3 =	vmul.f32 v4, v3;
	v4 =	vld [tilespmem:$0x1F660]  }
0x171: {  	v1 =	vmul.f32 v1, v11;
	_ =	sdelay $0x1  }
0x172: {  	v1 =	vadd.f32 $0.0e+00, v1;
	v0 =	vmul.f32 v0, v15  }
0x173: {  	v12 =	vld [tilespmem:$0x1FC30]  }
0x174: {  	v4 =	vmul.f32 v6, v4;
	v6 =	vadd.f32 v0, v1;
	v0 =	vld [tilespmem:$0x1F680];
	_ =	sdelay $0x1  }
0x175: {  	v16 =	vld [tilespmem:$0x1FC70]  }
0x176: {  	v56 =	vmul.f32 v59, v56;
	_ =	sdelay $0x1  }
0x177: {  	v56 =	vmul.f32 v56, v12;
	v1 =	vmul.f32 v0, v13;
	v0 =	vld [tilespmem:$0x1F690];
	_ =	sdelay $0x1  }
0x178: {  	v56 =	vadd.f32 $0.0e+00, v56;
	v2 =	vmul.f32 v2, v16  }
0x179: {  	v19 =	vld.idx.msk [tilespmem:v53+s13+$0x0], $0xffff  }
0x17a: {  	v7 =	vadd.f32 v2, v56;
	v2 =	vld [tilespmem:$0x1F6B0]  }
0x17b: {  	v53 =	vmul.f32 v0, v14;
	v0 =	vld [tilespmem:$0x1F6A0];
	_ =	sdelay $0x3  }
0x17c: {  	v22 =	vld [tilespmem:$0x1F6D0]  }
0x17d: {  	v0 =	vmul.f32 v2, v0;
	v2 =	vld [tilespmem:$0x1F6C0];
	_ =	sdelay $0x4  }
0x17e: {  	v2 =	vmul.f32 v22, v2;
	v22 =	vld.idx.msk [tilespmem:v47+s12+$0x0], $0xffff;
	_ =	sdelay $0x2  }
0x17f: {  	v60 =	vld [tilespmem:$0x1F6F0]  }
0x180: {  	v14 =	vld [tilespmem:$0x1FC50]  }
0x181: {  	[tilespmem:$0x1FA60] =	vst v22;
	v22 =	vld [tilespmem:$0x1F6E0]  }
0x182: {  	v9 =	vld.idx.msk [tilespmem:v28+s13+$0x0], $0xffff  }
0x183: {  	v28 =	vld [tilespmem:$0x1FC90];
	_ =	sdelay $0x2  }
0x184: {  	v5 =	vmul.f32 v5, v14;
	v61 =	vmul.f32 v60, v22;
	v22 =	vld.idx.msk [tilespmem:v46+s13+$0x0], $0xffff;
	_ =	sdelay $0x1  }
0x185: {  	v4 =	vmul.f32 v4, v28;
	v5 =	vadd.f32 $0.0e+00, v5;
	_ =	sdelay $0x1  }
0x186: {  	v4 =	vadd.f32 v4, v5;
	v5 =	vld [tilespmem:$0x1F700]  }
0x187: {  	[tilespmem:$0x1FA70] =	vst v22;
	v22 =	vld [tilespmem:$0x1F710];
	_ =	sdelay $0x1  }
0x188: {  	v32 =	vld [tilespmem:$0x1FCA0];
	_ =	sdelay $0x2  }
0x189: {  	v5 =	vmul.f32 v22, v5;
	v22 =	vld.idx.msk [tilespmem:v45+s12+$0x0], $0xffff  }
0x18a: {  	v63 =	vld [tilespmem:$0x1F750]  }
0x18b: {  	v10 =	vld.idx.msk [tilespmem:v27+s12+$0x0], $0xffff;
	v1 =	vmul.f32 v1, v32  }
0x18c: {  	v20 =	vld.idx.msk [tilespmem:v51+s12+$0x0], $0xffff  }
0x18d: {  	v1 =	vadd.f32 v1, v6;
	v6 =	vld [tilespmem:$0x1F720]  }
0x18e: {  	[tilespmem:$0x1FA90] =	vst v22;
	v22 =	vld [tilespmem:$0x1F730]  }
0x18f: {  	v18 =	vld.idx.msk [tilespmem:v50+s13+$0x0], $0xffff  }
0x190: {  	v21 =	vld.idx.msk [tilespmem:v49+s12+$0x0], $0xffff  }
0x191: {  	v27 =	vld [tilespmem:$0x1FC80]  }
0x192: {  	v13 =	vld [tilespmem:$0x1FC40]  }
0x193: {  	v6 =	vmul.f32 v22, v6;
	v22 =	vld.idx.msk [tilespmem:v44+s13+$0x0], $0xffff  }
0x194: {  	v17 =	vld.idx.msk [tilespmem:v48+s13+$0x0], $0xffff  }
0x195: {  	v30 =	vld [tilespmem:$0x1FCB0]  }
0x196: {  	v31 =	vld [tilespmem:$0x1FCC0]  }
0x197: {  	v58 =	vmul.f32 v52, v13;
	v52 =	vld [tilespmem:$0x1FD00]  }
0x198: {  	[tilespmem:$0x1FAA0] =	vst v22;
	v22 =	vld [tilespmem:$0x1F740]  }
0x199: {  	v23 =	vld.idx.msk [tilespmem:v23+s12+$0x0], $0xffff;
	v3 =	vmul.f32 v3, v27;
	v58 =	vadd.f32 $0.0e+00, v58  }
0x19a: {  	v49 =	vld [tilespmem:$0x1FCD0];
	v56 =	vmul.f32 v53, v30  }
0x19b: {  	v50 =	vld [tilespmem:$0x1FCE0];
	v3 =	vadd.f32 v3, v58;
	v0 =	vmul.f32 v0, v31  }
0x19c: {  	v51 =	vld [tilespmem:$0x1FCF0];
	v7 =	vadd.f32 v56, v7  }
0x19d: {  	v0 =	vadd.f32 v0, v3;
	v6 =	vmul.f32 v6, v52;
	v56 =	vmul.f32 v63, v22;
	v22 =	vld.idx.msk [tilespmem:v43+s12+$0x0], $0xffff  }
0x19e: {  	[tilespmem:$0x1FB00] =	vst v23;
	v23 =	vld [tilespmem:$0x1F7F0]  }
0x19f: {  	v0 =	vadd.f32 v6, v0;
	v6 =	vld [tilespmem:$0x1F7E0]  }
0x1a0: {  	v48 =	vld [tilespmem:$0x1F810]  }
0x1a1: {  	v3 =	vld [tilespmem:$0x1F760];
	v2 =	vmul.f32 v2, v49  }
0x1a2: {  	[tilespmem:$0x1FAC0] =	vst v22;
	v22 =	vld [tilespmem:$0x1F770]  }
0x1a3: {  	v2 =	vadd.f32 v2, v4;
	v4 =	vld [tilespmem:$0x1F780]  }
0x1a4: {  	v6 =	vmul.f32 v23, v6;
	v23 =	vld [tilespmem:$0x1F800]  }
0x1a5: {  	v43 =	vld.idx.msk [tilespmem:v41+s12+$0x0], $0xffff  }
0x1a6: {  	v41 =	vld [tilespmem:$0x1FD20]  }
0x1a7: {  	v3 =	vmul.f32 v22, v3;
	v22 =	vld.idx.msk [tilespmem:v42+s13+$0x0], $0xffff  }
0x1a8: {  	v42 =	vld [tilespmem:$0x1F790];
	_ =	sdelay $0x1  }
0x1a9: {  	v47 =	vld [tilespmem:$0x1F7D0];
	v58 =	vmul.f32 v61, v50  }
0x1aa: {  	v45 =	vld [tilespmem:$0x1F7B0]  }
0x1ab: {  	v1 =	vadd.f32 v58, v1;
	v53 =	vmul.f32 v48, v23;
	v23 =	vld [tilespmem:$0x1F830];
	v3 =	vmul.f32 v3, v41  }
0x1ac: {  	v5 =	vmul.f32 v5, v51;
	v4 =	vmul.f32 v42, v4;
	v42 =	vld [tilespmem:$0x1FD30]  }
0x1ad: {  	v1 =	vadd.f32 v3, v1;
	v3 =	vld [tilespmem:$0x1F820]  }
0x1ae: {  	v5 =	vadd.f32 v5, v7;
	v7 =	vld [tilespmem:$0x1F7C0]  }
0x1af: {  	v44 =	vld [tilespmem:$0x1F7A0]  }
0x1b0: {  	v63 =	vld.idx.msk [tilespmem:v40+s13+$0x0], $0xffff  }
0x1b1: {  	v40 =	vld [tilespmem:$0x1FD10];
	v4 =	vmul.f32 v4, v42  }
0x1b2: {  	v3 =	vmul.f32 v23, v3;
	v23 =	vld [tilespmem:$0x1F850]  }
0x1b3: {  	v4 =	vadd.f32 v4, v5;
	v5 =	vld [tilespmem:$0x1F840]  }
0x1b4: {  	v8 =	vld.idx.msk [tilespmem:v54+s13+$0x0], $0xffff  }
0x1b5: {  	v46 =	vmul.f32 v45, v44;
	v44 =	vld [tilespmem:$0x1FD50]  }
0x1b6: {  	[tilespmem:$0x1FAE0] =	vst v43;
	v43 =	vld [tilespmem:$0x1FD40]  }
0x1b7: {  	v54 =	vld [tilespmem:$0x1F870];
	v7 =	vmul.f32 v47, v7  }
0x1b8: {  	v56 =	vmul.f32 v56, v40;
	v5 =	vmul.f32 v23, v5;
	v23 =	vld [tilespmem:$0x1F860];
	_ =	sdelay $0x1  }
0x1b9: {  	v7 =	vmul.f32 v7, v44;
	v2 =	vadd.f32 v56, v2  }
0x1ba: {  	v58 =	vmul.f32 v46, v43  }
0x1bb: {  	v2 =	vadd.f32 v7, v2;
	v7 =	vld [tilespmem:$0x1F880]  }
0x1bc: {  	v0 =	vadd.f32 v58, v0;
	v58 =	vmul.f32 v54, v23;
	v23 =	vld [tilespmem:$0x1F890];
	_ =	sdelay $0x2  }
0x1bd: {  	v47 =	vld [tilespmem:$0x1FD80]  }
0x1be: {  	v45 =	vld [tilespmem:$0x1FD60]  }
0x1bf: {  	v7 =	vmul.f32 v23, v7;
	v23 =	vld [tilespmem:$0x1F8A0]  }
0x1c0: {  	v59 =	vld.idx.msk [tilespmem:v29+s13+$0x0], $0xffff  }
0x1c1: {  	v29 =	vld [tilespmem:$0x1FDD0]  }
0x1c2: {  	v46 =	vld [tilespmem:$0x1FD70]  }
0x1c3: {  	v61 =	vld.idx.msk [tilespmem:v25+s12+$0x0], $0xffff;
	v6 =	vmul.f32 v6, v45  }
0x1c4: {  	v48 =	vld [tilespmem:$0x1FD90];
	v3 =	vmul.f32 v3, v47  }
0x1c5: {  	v1 =	vadd.f32 v6, v1;
	v6 =	vld [tilespmem:$0x1F8B0]  }
0x1c6: {  	v0 =	vadd.f32 v3, v0;
	v3 =	vld [tilespmem:$0x1F8F0]  }
0x1c7: {  	v56 =	vmul.f32 v53, v46;
	v57 =	vld.idx.msk [tilespmem:v23+s12+$0x0], $0xffff  }
0x1c8: {  	v23 =	vld [tilespmem:$0x1F8C0]  }
0x1c9: {  	v4 =	vadd.f32 v56, v4;
	v56 =	vld [tilespmem:$0x1F8E0]  }
0x1ca: {  	v54 =	vld.idx.msk [tilespmem:v55+s13+$0x0], $0xffff  }
0x1cb: {  	v55 =	vld.idx.msk [tilespmem:v39+s12+$0x0], $0xffff  }
0x1cc: {  	v39 =	vld [tilespmem:$0x1FDA0]  }
0x1cd: {  	v6 =	vmul.f32 v23, v6;
	v23 =	vld [tilespmem:$0x1F8D0]  }
0x1ce: {  	v25 =	vld [tilespmem:$0x1FDE0]  }
0x1cf: {  	v3 =	vmul.f32 v62, v3;
	v62 =	vld.idx.msk [tilespmem:v35+s12+$0x0], $0xffff;
	v5 =	vmul.f32 v5, v48  }
0x1d0: {  	v35 =	vld [tilespmem:$0x1FDC0]  }
0x1d1: {  	v2 =	vadd.f32 v5, v2;
	v5 =	vld [tilespmem:$0x1F900]  }
0x1d2: {  	v58 =	vmul.f32 v58, v39;
	v56 =	vmul.f32 v56, v23;
	v23 =	vld [tilespmem:$0x1F910]  }
0x1d3: {  	v53 =	vld.idx.msk [tilespmem:v38+s13+$0x0], $0xffff  }
0x1d4: {  	v38 =	vld [tilespmem:$0x1FDB0];
	v3 =	vmul.f32 v3, v25;
	v1 =	vadd.f32 v58, v1  }
0x1d5: {  	v58 =	vld [tilespmem:$0x1F930]  }
0x1d6: {  	v1 =	vadd.f32 v3, v1;
	v3 =	vld [tilespmem:$0x1F9A0];
	v6 =	vmul.f32 v6, v35  }
0x1d7: {  	v5 =	vmul.f32 v23, v5;
	v23 =	vld [tilespmem:$0x1F920]  }
0x1d8: {  	v0 =	vadd.f32 v6, v0;
	v6 =	vmul.f32 v8, v36;
	v8 =	vld [tilespmem:$0x1F970];
	v56 =	vmul.f32 v56, v29  }
0x1d9: {  	[tilespmem:$0x1FC00] =	vst v1;
	v1 =	vld [tilespmem:$0x1F990]  }
0x1da: {  	v2 =	vadd.f32 v56, v2;
	v56 =	vld [tilespmem:$0x1FDF0]  }
0x1db: {  	v37 =	vld.idx.msk [tilespmem:v24+s13+$0x0], $0xffff  }
0x1dc: {  	v7 =	vmul.f32 v7, v38;
	v58 =	vmul.f32 v58, v23;
	v23 =	vld [tilespmem:$0x1F940]  }
0x1dd: {  	v60 =	vld.idx.msk [tilespmem:v26+s12+$0x0], $0xffff  }
0x1de: {  	v4 =	vadd.f32 v7, v4;
	v7 =	vld [tilespmem:$0x1F950]  }
0x1df: {  	v3 =	vmul.f32 v3, v1;
	v1 =	vld [tilespmem:$0x1FE10];
	v5 =	vmul.f32 v5, v56  }
0x1e0: {  	v24 =	vld.idx.msk [tilespmem:v8+s13+$0x0], $0xffff  }
0x1e1: {  	v8 =	vld [tilespmem:$0x1F980];
	v4 =	vadd.f32 v5, v4  }
0x1e2: {  	v5 =	vld [tilespmem:$0x1F9D0]  }
0x1e3: {  	[tilespmem:$0x1FC10] =	vst v4;
	v4 =	vld [tilespmem:$0x1F9C0]  }
0x1e4: {  	v26 =	vld.idx.msk [tilespmem:v23+s13+$0x0], $0xffff  }
0x1e5: {  	v23 =	vld [tilespmem:$0x1F960];
	_ =	sdelay $0x3  }
0x1e6: {  	v5 =	vmul.f32 v5, v4;
	v4 =	vld [tilespmem:$0x1FE20]  }
0x1e7: {  	v7 =	vmul.f32 v23, v7;
	v23 =	vld.idx.msk [tilespmem:v8+s12+$0x0], $0xffff;
	v8 =	vmul.f32 v58, v1  }
0x1e8: {  	v58 =	vld [tilespmem:$0x1FA00]  }
0x1e9: {  	v0 =	vadd.f32 v8, v0;
	v8 =	vld [tilespmem:$0x1F9F0];
	_ =	sdelay $0x3  }
0x1ea: {  	v7 =	vmul.f32 v7, v4  }
0x1eb: {  	v3 =	vmul.f32 v3, v13;
	v13 =	vld [tilespmem:$0x1FA80];
	v8 =	vmul.f32 v58, v8  }
0x1ec: {  	v2 =	vadd.f32 v7, v2;
	v7 =	vld [tilespmem:$0x1FA20]  }
0x1ed: {  	v8 =	vmul.f32 v8, v15;
	v15 =	vld [tilespmem:$0x1FA40];
	_ =	sdelay $0x2  }
0x1ee: {  	v36 =	vmul.f32 v9, v10;
	v9 =	vld [tilespmem:$0x1F9B0]  }
0x1ef: {  	v34 =	vld.idx.msk [tilespmem:v34+s13+$0x0], $0xffff;
	v7 =	vmul.f32 v19, v7  }
0x1f0: {  	v6 =	vmul.f32 v6, v11;
	v11 =	vld [tilespmem:$0x1FA10]  }
0x1f1: {  	v12 =	vmul.f32 v36, v12;
	v7 =	vmul.f32 v7, v16;
	v16 =	vld.idx.msk [tilespmem:v13+s13+$0x0], $0xffff  }
0x1f2: {  	v13 =	vld [tilespmem:$0x1FAA0]  }
0x1f3: {  	v20 =	vmul.f32 v18, v20;
	v12 =	vadd.f32 $0.0e+00, v12;
	v18 =	vld.idx.msk [tilespmem:v15+s13+$0x0], $0xffff  }
0x1f4: {  	v15 =	vld [tilespmem:$0x1FA50]  }
0x1f5: {  	v7 =	vadd.f32 v7, v12;
	v12 =	vld [tilespmem:$0x1FA90]  }
0x1f6: {  	v10 =	vld.idx.msk [tilespmem:v9+s13+$0x0], $0xffff  }
0x1f7: {  	v20 =	vmul.f32 v20, v27;
	v3 =	vadd.f32 $0.0e+00, v3;
	v9 =	vld [tilespmem:$0x1F9E0]  }
0x1f8: {  	v33 =	vld.idx.msk [tilespmem:v33+s12+$0x0], $0xffff  }
0x1f9: {  	v3 =	vadd.f32 v20, v3;
	v20 =	vld [tilespmem:$0x1FB00];
	v6 =	vadd.f32 $0.0e+00, v6  }
0x1fa: {  	v12 =	vmul.f32 v13, v12;
	v13 =	vld [tilespmem:$0x1FAB0]  }
0x1fb: {  	v6 =	vadd.f32 v8, v6;
	v8 =	vld [tilespmem:$0x1FA60]  }
0x1fc: {  	v21 =	vmul.f32 v17, v21;
	v5 =	vmul.f32 v5, v14;
	v17 =	vld.idx.msk [tilespmem:v15+s12+$0x0], $0xffff  }
0x1fd: {  	v15 =	vld [tilespmem:$0x1FA70]  }
0x1fe: {  	v21 =	vmul.f32 v21, v28;
	v11 =	vld.idx.msk [tilespmem:v11+s13+$0x0], $0xffff;
	v5 =	vadd.f32 $0.0e+00, v5  }
0x1ff: {  	v9 =	vld.idx.msk [tilespmem:v9+s12+$0x0], $0xffff  }
0x200: {  	v5 =	vadd.f32 v21, v5;
	v21 =	vmul.f32 v34, v61;
	v61 =	vld [tilespmem:$0x1FB60]  }
0x201: {  	v19 =	vld [tilespmem:$0x1FA30];
	v12 =	vmul.f32 v12, v30  }
0x202: {  	v8 =	vmul.f32 v15, v8;
	v15 =	vld.idx.msk [tilespmem:v13+s12+$0x0], $0xffff  }
0x203: {  	v21 =	vmul.f32 v21, v51;
	v7 =	vadd.f32 v12, v7;
	v13 =	vld [tilespmem:$0x1FAC0]  }
0x204: {  	v30 =	vld [tilespmem:$0x1FB20]  }
0x205: {  	v7 =	vadd.f32 v21, v7;
	v21 =	vld [tilespmem:$0x1FB80]  }
0x206: {  	v12 =	vmul.f32 v54, v57;
	v57 =	vld [tilespmem:$0x1FB50]  }
0x207: {  	v26 =	vmul.f32 v26, v62;
	v62 =	vld [tilespmem:$0x1FB70]  }
0x208: {  	v22 =	vmul.f32 v22, v13;
	v13 =	vld [tilespmem:$0x1FAD0]  }
0x209: {  	v27 =	vld.idx.msk [tilespmem:v61+s12+$0x0], $0xffff  }
0x20a: {  	v19 =	vld.idx.msk [tilespmem:v19+s12+$0x0], $0xffff  }
0x20b: {  	v20 =	vmul.f32 v37, v20;
	v8 =	vmul.f32 v8, v32;
	v32 =	vld [tilespmem:$0x1FB30]  }
0x20c: {  	v34 =	vld.idx.msk [tilespmem:v30+s12+$0x0], $0xffff  }
0x20d: {  	v20 =	vmul.f32 v20, v50;
	v21 =	vld.idx.msk [tilespmem:v21+s12+$0x0], $0xffff;
	v6 =	vadd.f32 v8, v6  }
0x20e: {  	v8 =	vmul.f32 v59, v60;
	v59 =	vld.idx.msk [tilespmem:v57+s13+$0x0], $0xffff;
	v22 =	vmul.f32 v22, v31  }
0x20f: {  	v6 =	vadd.f32 v20, v6;
	v20 =	vmul.f32 v24, v33;
	v24 =	vld.idx.msk [tilespmem:v62+s13+$0x0], $0xffff  }
0x210: {  	v8 =	vmul.f32 v8, v52;
	v3 =	vadd.f32 v22, v3;
	v22 =	vmul.f32 v53, v55;
	v14 =	vld.idx.msk [tilespmem:v13+s13+$0x0], $0xffff  }
0x211: {  	v13 =	vld [tilespmem:$0x1FAE0]  }
0x212: {  	v3 =	vadd.f32 v8, v3;
	v8 =	vmul.f32 v11, v9;
	v9 =	vmul.f32 v22, v41;
	v11 =	vld [tilespmem:$0x1FB90]  }
0x213: {  	v32 =	vld.idx.msk [tilespmem:v32+s13+$0x0], $0xffff  }
0x214: {  	v6 =	vadd.f32 v9, v6;
	v9 =	vmul.f32 v16, v17;
	v16 =	vmul.f32 v20, v43;
	v17 =	vld [tilespmem:$0x1FBB0]  }
0x215: {  	v20 =	vld [tilespmem:$0x1FBF0]  }
0x216: {  	v3 =	vadd.f32 v16, v3;
	v16 =	vld [tilespmem:$0x1FBD0];
	v36 =	vmul.f32 v63, v13  }
0x217: {  	v13 =	vld [tilespmem:$0x1FAF0]  }
0x218: {  	v63 =	vld [tilespmem:$0x1FB10];
	v36 =	vmul.f32 v36, v49  }
0x219: {  	v14 =	vmul.f32 v14, v15;
	v15 =	vld [tilespmem:$0x1FBC0]  }
0x21a: {  	v12 =	vmul.f32 v12, v40;
	v11 =	vld.idx.msk [tilespmem:v11+s13+$0x0], $0xffff;
	v5 =	vadd.f32 v36, v5  }
0x21b: {  	v49 =	vld [tilespmem:$0x1FB40]  }
0x21c: {  	v17 =	vld.idx.msk [tilespmem:v17+s13+$0x0], $0xffff;
	v5 =	vadd.f32 v12, v5;
	v12 =	vmul.f32 v18, v19;
	v18 =	vmul.f32 v26, v42  }
0x21d: {  	v19 =	vld [tilespmem:$0x1FBA0]  }
0x21e: {  	v7 =	vadd.f32 v18, v7;
	v18 =	vld [tilespmem:$0x1FBE0]  }
0x21f: {  	v20 =	vld.idx.msk [tilespmem:v20+s13+$0x0], $0xffff  }
0x220: {  	v13 =	vld.idx.msk [tilespmem:v13+s12+$0x0], $0xffff  }
0x221: {  	v37 =	vld.idx.msk [tilespmem:v63+s13+$0x0], $0xffff  }
0x222: {  	v10 =	vmul.f32 v10, v23;
	v16 =	vld.idx.msk [tilespmem:v16+s13+$0x0], $0xffff  }
0x223: {  	v9 =	vmul.f32 v9, v47;
	v54 =	vld.idx.msk [tilespmem:v49+s12+$0x0], $0xffff  }
0x224: {  	v10 =	vmul.f32 v10, v44;
	v8 =	vmul.f32 v8, v45;
	v15 =	vld.idx.msk [tilespmem:v15+s12+$0x0], $0xffff  }
0x225: {  	v3 =	vadd.f32 v9, v3;
	v14 =	vmul.f32 v14, v48;
	v12 =	vmul.f32 v12, v46;
	v19 =	vld.idx.msk [tilespmem:v19+s12+$0x0], $0xffff  }
0x226: {  	v9 =	vmul.f32 v11, v21;
	v5 =	vadd.f32 v10, v5;
	v13 =	vmul.f32 v37, v13;
	v18 =	vld.idx.msk [tilespmem:v18+s12+$0x0], $0xffff  }
0x227: {  	v10 =	vmul.f32 v32, v34;
	v7 =	vadd.f32 v12, v7;
	v12 =	vmul.f32 v24, v27  }
0x228: {  	v6 =	vadd.f32 v8, v6;
	v8 =	vmul.f32 v59, v54;
	v11 =	vmul.f32 v13, v39  }
0x229: {  	v5 =	vadd.f32 v14, v5;
	v10 =	vmul.f32 v10, v38;
	v12 =	vmul.f32 v12, v29  }
0x22a: {  	v6 =	vadd.f32 v11, v6;
	v11 =	vmul.f32 v16, v15;
	v8 =	vmul.f32 v8, v35  }
0x22b: {  	v7 =	vadd.f32 v10, v7;
	v13 =	vmul.f32 v17, v19;
	v10 =	vmul.f32 v20, v18  }
0x22c: {  	v3 =	vadd.f32 v8, v3;
	v8 =	vmul.f32 v9, v25;
	v11 =	vmul.f32 v11, v1;
	v1 =	vld [tilespmem:$0x1FC00]  }
0x22d: {  	v9 =	vmul.f32 v13, v56;
	v10 =	vmul.f32 v10, v4;
	v4 =	vld [tilespmem:$0x1FC10]  }
0x22e: {  	v5 =	vadd.f32 v12, v5  }
0x22f: {  	v6 =	vadd.f32 v8, v6;
	v7 =	vadd.f32 v9, v7  }
0x230: {  	v3 =	vadd.f32 v11, v3;
	v5 =	vadd.f32 v10, v5  }
0x231: {  	v0 =	vadd.f32 v2, v0;
	v2 =	vadd.f32 v7, v6  }
0x232: {  	v3 =	vadd.f32 v5, v3;
	v1 =	vadd.f32 v4, v1;
	_ =	sdelay $0x1  }
0x233: {  	v0 =	vadd.f32 v0, v1;
	v1 =	vadd.f32 v3, v2;
	_ =	sdelay $0x1  }
0x234: {  	v0 =	vsel vm0, v0, v1;
	v1 =	vld [tilespmem:$0x1FE00];
	_ =	sdelay $0x4  }
0x235: {  	v0 =	vadd.f32 v0, v1;
	_ =	sdelay $0x1  }
0x236: {  	v0 =	vsub.f32 $0.0e+00, v0;
	_ =	sdelay $0x1  }
0x237: {  	v0 =	vmul.f32 $1.442695020e+00, v0;
	_ =	sdelay $0x1  }
0x238: {  	(erf) = vpow2.f32 v0  }
0x239: {  	v58 =	vld [tilespmem:$0x1FFE0]  }
0x23a: {  	v61 =	vld [tilespmem:$0x1FFF0]  }
0x23b: {  	v22 =	vld [tilespmem:$0x1FFC0]  }
0x23c: {  	v21 =	vld [tilespmem:$0x1FFB0]  }
0x23d: {  	v63 =	vld [tilespmem:$0x1FFD0]  }
0x23e: {  	v14 =	vld [tilespmem:$0x1FF40]  }
0x23f: {  	v12 =	vld [tilespmem:$0x1FF20]  }
0x240: {  	v16 =	vld [tilespmem:$0x1FF60]  }
0x241: {  	v15 =	vld [tilespmem:$0x1FF50];
	v0 =	vpop (erf)  }
0x242: {  	v19 =	vld [tilespmem:$0x1FF90];
	v0 =	vadd.f32 $1.000000000e+00, v0  }
0x243: {  	v17 =	vld [tilespmem:$0x1FF70]  }
0x244: {  	v20 =	vld [tilespmem:$0x1FFA0];
	(erf) = vrcp.f32 v0  }
0x245: {  	v18 =	vld [tilespmem:$0x1FF80]  }
0x246: {  	v13 =	vld [tilespmem:$0x1FF30]  }
0x247: {  	v8 =	vld [tilespmem:$0x1FEE0]  }
0x248: {  	v11 =	vld [tilespmem:$0x1FF10]  }
0x249: {  	p0 =	sne.s32 s1, $0x7C0;
	v9 =	vld [tilespmem:$0x1FEF0]  }
.Ltmp0:
0x24a: {  	v10 =	vld [tilespmem:$0x1FF00];
	(pc) =	sbr.rel @p0 .LBB2_2-.Ltmp0, $4  }
0x24b: {  	v7 =	vld [tilespmem:$0x1FED0]  }
0x24c: {  	v6 =	vld [tilespmem:$0x1FEC0]  }
0x24d: {  	v5 =	vld [tilespmem:$0x1FEA0];
	v0 =	vpop (erf)  }
0x24e: {  	s1 =	sadd.s32 $0x40, s1;
	v3 =	vld [tilespmem:$0x1FEB0];
	[tilespmem:s8+$0x10480] =	vst v0  }
0x24f: {  	s0 =	sadd.s32 $0x1, s0  }
0x250: {  	p0 =	sne.s32 s0, s7  }
.Ltmp1:
0x251: {  	s1 =	simm.s32 $0x10480;
	(pc) =	sbr.rel @p0 .LBB2_1-.Ltmp1, $4  }
0x252: {  	[hbm4b:s6+s2] =	stream.linear.scatter [tilespmem:s1], [sflag:$0x3], $0x200, $0x38;
	[tilespmem:$0x10680] =	vst v63  }
0x253: {  	_ =	swait.ge [sflag:s9], $0x200  }
0x254: {  	[sflag:s9] =	ssyncset.done $0x0  }
0x255: {  	[sflag:s9] =	ssyncadd.s32 $0xFFFFFE00  }
0x256: {  	_ =	sfence.sel $0x180000  }
0x257: {  	[bflag:$0x0] =	sbarrier.arrive $0xFFFF  }
0x258: {  	_ =	strace $0x90000047  }
0x259: {  	s0 =	stileid.u32;
	[bflag:$0x2] =	sbarrier.arrive $0xFFFF  }
0x25a: {  	p0 =	sne.s32 s0, $0x0;
	s0 =	rddreg [dreg:$0x6]  }
0x25b: {  	s0 =	sadd.s32 @!p0 $0x100000, s0  }
0x25c: {  	[sflag:s0] =	ssyncadd.tile.s32 @!p0 $0x1;
	_ =	shalt  }
.Lfunc_end2:
_tile_overlayer_lowered:
.L_overlay_start_2:
0x25d: {  	(tag) =	ssettag $0x2  }
0x25e: {  	s0 =	rddreg [dreg:$0x0];
	s2 =	stileid.u32  }
0x25f: {  	s1 =	rddreg [dreg:$0x1];
	p0 =	sne.s32 s2, $0x0  }
0x260: {  	s3 =	rddreg [dreg:$0x2];
	[bflag:$0x3] =	sbarrier.arrive $0xFFFF;
	s2 =	simm.s32 @!p0 $0x1C03  }
0x261: {  	[timem:s3], [sflag:s2] =	dma.local @!p0 [hbm:s0], s1  }
0x262: {  	s0 =	simm.s32 @!p0 $0x3  }
0x263: {  	_ =	swait.ge @!p0 [sflag:s0], s1  }
0x264: {  	s1 =	ssub.s32 @!p0 $0x0, s1;
	[sflag:s0] =	ssyncset.done @!p0 $0x0  }
0x265: {  	[sflag:s0] =	ssyncadd.s32 @!p0 s1  }
0x266: {  	[bflag:$0x3] =	sbarrier.arrive $0xFFFF  }
0x267: {  	_ =	shalt  }

</sc_bundles>
